<compile_context>
chip_gen: v7x
topology: tpu7x:2x2x1
jax: 0.10.2.dev20260603
libtpu: 0.0.44.dev20260713+nightly
codegen_flags: <defaults>
</compile_context>

<pallas_src>
import jax
import jax.numpy as jnp
from jax import lax
from jax.experimental import pallas as pl
from jax.experimental.pallas import tpu as pltpu, tpu_sc as plsc

VOCAB = 6
HIDDEN = 768
BATCH = 4
SEQ = 8192
ROWS = BATCH * SEQ
NC, NS = 2, 16
NW = NC * NS
ROWS_PER_W = ROWS // NW
C = 64
NCHUNK = ROWS_PER_W // C
L = 16
IN_STRIP = ROWS_PER_W * VOCAB


def _sc_pad_body(in_hbm, out_hbm, in_v, buf0, buf1, si, so0, so1):
    wid = lax.axis_index("s") * NC + lax.axis_index("c")
    row0 = wid * ROWS_PER_W
    b = row0 // SEQ
    rb0 = row0 - b * SEQ

    zero = jnp.zeros((L,), jnp.float32)
    mask6 = (lax.iota(jnp.int32, L) < VOCAB).astype(jnp.float32)

    def zero_buf(buf):
        def body(i, _):
            r = i // (HIDDEN // L)
            k = i - r * (HIDDEN // L)
            buf[r, pl.ds(k * L, L)] = zero
            return 0
        lax.fori_loop(0, C * (HIDDEN // L), body, 0, unroll=8)

    zero_buf(buf0)
    zero_buf(buf1)

    pltpu.async_copy(in_hbm.at[pl.ds(wid * IN_STRIP, IN_STRIP)],
                     in_v.at[pl.ds(0, IN_STRIP)], si).wait()

    def chunk(ci, buf, sem_out):
        def body(r, _):
            vals = in_v[pl.ds((ci * C + r) * VOCAB, L)]
            buf[r, pl.ds(0, L)] = vals * mask6
            return 0
        lax.fori_loop(0, C, body, 0, unroll=4)
        rb = rb0 + ci * C
        return pltpu.async_copy(buf, out_hbm.at[b, pl.ds(rb, C), :], sem_out)

    dma0 = chunk(0, buf0, so0)
    dma1 = chunk(1, buf1, so1)
    for ci in range(2, NCHUNK, 2):
        dma0.wait()
        dma0 = chunk(ci, buf0, so0)
        dma1.wait()
        dma1 = chunk(ci + 1, buf1, so1)
    dma0.wait()
    dma1.wait()


def kernel(input_probs):
    flat_in = input_probs.reshape(ROWS * VOCAB)
    return pl.kernel(
        _sc_pad_body,
        out_type=jax.ShapeDtypeStruct((BATCH, SEQ, HIDDEN), jnp.float32),
        mesh=plsc.VectorSubcoreMesh(core_axis_name="c", subcore_axis_name="s"),
        scratch_types=[
            pltpu.VMEM((IN_STRIP + L,), jnp.float32),
            pltpu.VMEM((C, HIDDEN), jnp.float32),
            pltpu.VMEM((C, HIDDEN), jnp.float32),
            pltpu.SemaphoreType.DMA,
            pltpu.SemaphoreType.DMA,
            pltpu.SemaphoreType.DMA,
        ],
        compiler_params=pltpu.CompilerParams(
            use_tc_tiling_on_sc=True, needs_layout_passes=False),
    )(flat_in)

# --- scband reference (transcript-rebuilt; emitter-appended) ---
"""Pipeline reference for scband-gpnembedding-14972255994640 (READ-ONLY COPY).

The authoritative reference and input builder live on the scoring server;
editing this copy changes nothing except your own understanding.
"""

import jax, jax.numpy as jnp
import numpy as np

VOCAB_SIZE = 6
N_AUX_FEATURES = 0
HIDDEN_SIZE = 768


def setup_inputs(seed: int = 0) -> dict:
    key = jax.random.key(seed)
    input_probs = jax.random.uniform(key, (4, 8192, VOCAB_SIZE), dtype=jnp.float32)
    return {"input_probs": input_probs}


def reference(input_probs):
    # GPNEmbedding forward via the input_probs path:
    # res = F.pad(input_probs, (0, hidden_size - vocab_size))
    pad_amt = HIDDEN_SIZE - VOCAB_SIZE
    res = jnp.pad(input_probs, ((0, 0), (0, 0), (0, pad_amt)))
    # aux_features is None and n_aux_features == 0, so no slice assignment
    return res

if __name__ == "__main__":
    import jax
    _d = setup_inputs()
    print(jax.jit(kernel)(*tuple(_d.values())))

</pallas_src>

<mosaic_0001>
#map = affine_map<(d0, d1) -> (0)>
#map1 = affine_map<(d0, d1) -> (0, 0, 0)>
module attributes {stable_mosaic.version = 14 : i64} {
  func.func @_sc_pad_body(%arg0: i32, %arg1: i32, %arg2: memref<196608xf32, #tpu.memory_space<hbm>>, %arg3: memref<4x8192x768xf32, #tpu.memory_space<hbm>>, %arg4: memref<6160xf32, #tpu.memory_space<vmem>>, %arg5: memref<64x768xf32, #tpu.memory_space<vmem>>, %arg6: memref<64x768xf32, #tpu.memory_space<vmem>>, %arg7: memref<!tpu.dma_semaphore, #tpu.memory_space<semaphore_mem>>, %arg8: memref<!tpu.dma_semaphore, #tpu.memory_space<semaphore_mem>>, %arg9: memref<!tpu.dma_semaphore, #tpu.memory_space<semaphore_mem>>) attributes {dimension_semantics = [#tpu.dimension_semantics<core_parallel>, #tpu.dimension_semantics<subcore_parallel>], iteration_bounds = array<i64: 2, 16>, scalar_prefetch = 0 : i64, scratch_operands = 6 : i64, tpu.core_type = #tpu.core_type<sc_vector_subcore>, window_params = [{transform_indices = #map}, {transform_indices = #map1}]} {
    %mul3A = arith.constant 2 : i32
    %mul3A_0 = arith.muli %arg1, %mul3A : i32
    %add3A = arith.addi %mul3A_0, %arg0 : i32
    %mul3A_1 = arith.constant 1024 : i32
    %mul3A_2 = arith.muli %add3A, %mul3A_1 : i32
    %jit3A = arith.constant 8192 : i32
    %div3A = arith.divsi %mul3A_2, %jit3A : i32
    %sign3A = arith.constant 0 : i32
    %sign3A_3 = arith.cmpi sgt, %mul3A_2, %sign3A : i32
    %sign3A_4 = arith.extui %sign3A_3 : i1 to i32
    %sign3A_5 = arith.constant 0 : i32
    %sign3A_6 = arith.cmpi slt, %mul3A_2, %sign3A_5 : i32
    %sign3A_7 = arith.extui %sign3A_6 : i1 to i32
    %sign3A_8 = arith.subi %sign3A_4, %sign3A_7 : i32
    %sign3A_9 = arith.constant 0 : i32
    %sign3A_10 = arith.cmpi sgt, %jit3A, %sign3A_9 : i32
    %sign3A_11 = arith.extui %sign3A_10 : i1 to i32
    %sign3A_12 = arith.constant 0 : i32
    %sign3A_13 = arith.cmpi slt, %jit3A, %sign3A_12 : i32
    %sign3A_14 = arith.extui %sign3A_13 : i1 to i32
    %sign3A_15 = arith.subi %sign3A_11, %sign3A_14 : i32
    %ne3A = arith.cmpi ne, %sign3A_8, %sign3A_15 : i32
    %rem3A = arith.remsi %mul3A_2, %jit3A : i32
    %ne3A_16 = arith.constant 0 : i32
    %ne3A_17 = arith.cmpi ne, %rem3A, %ne3A_16 : i32
    %and3A = arith.andi %ne3A, %ne3A_17 : i1
    %sub3A = arith.constant 1 : i32
    %sub3A_18 = arith.subi %div3A, %sub3A : i32
    %select_n3A = arith.select %and3A, %sub3A_18, %div3A : i32
    %mul3A_19 = arith.constant 8192 : i32
    %mul3A_20 = arith.muli %select_n3A, %mul3A_19 : i32
    %sub3A_21 = arith.subi %mul3A_2, %mul3A_20 : i32
    %broadcast_in_dim3A = arith.constant 0.000000e+00 : f32
    %broadcast_in_dim3A_22 = vector.broadcast %broadcast_in_dim3A : f32 to vector<16xf32>
    %iota3A = tpu.iota {dimensions = array<i32: 0>} : vector<16xi32>
    %lt3A = arith.constant 6 : i32
    %lt3A_23 = vector.broadcast %lt3A : i32 to vector<16xi32>
    %lt3A_24 = arith.cmpi slt, %iota3A, %lt3A_23 : vector<16xi32>
    %convert_element_type3A = arith.extui %lt3A_24 : vector<16xi1> to vector<16xi32>
    %convert_element_type3A_25 = arith.sitofp %convert_element_type3A : vector<16xi32> to vector<16xf32>
    %scan3A = arith.constant 0 : i32
    %scan3A_26 = arith.constant 0 : i32
    %scan3A_27 = arith.constant 3072 : i32
    %scan3A_28 = arith.addi %scan3A_26, %scan3A_27 : i32
    %scan3A_29 = arith.constant 8 : i32
    %scan3A_30 = scf.for %scan3A_387 = %scan3A_26 to %scan3A_28 step %scan3A_29 iter_args(%scan3A_388 = %scan3A) -> (i32)  : i32 {
      %jit3A_389 = arith.constant 48 : i32
      %div3A_390 = arith.divsi %scan3A_387, %jit3A_389 : i32
      %sign3A_391 = arith.constant 0 : i32
      %sign3A_392 = arith.cmpi sgt, %scan3A_387, %sign3A_391 : i32
      %sign3A_393 = arith.extui %sign3A_392 : i1 to i32
      %sign3A_394 = arith.constant 0 : i32
      %sign3A_395 = arith.cmpi slt, %scan3A_387, %sign3A_394 : i32
      %sign3A_396 = arith.extui %sign3A_395 : i1 to i32
      %sign3A_397 = arith.subi %sign3A_393, %sign3A_396 : i32
      %sign3A_398 = arith.constant 0 : i32
      %sign3A_399 = arith.cmpi sgt, %jit3A_389, %sign3A_398 : i32
      %sign3A_400 = arith.extui %sign3A_399 : i1 to i32
      %sign3A_401 = arith.constant 0 : i32
      %sign3A_402 = arith.cmpi slt, %jit3A_389, %sign3A_401 : i32
      %sign3A_403 = arith.extui %sign3A_402 : i1 to i32
      %sign3A_404 = arith.subi %sign3A_400, %sign3A_403 : i32
      %ne3A_405 = arith.cmpi ne, %sign3A_397, %sign3A_404 : i32
      %rem3A_406 = arith.remsi %scan3A_387, %jit3A_389 : i32
      %ne3A_407 = arith.constant 0 : i32
      %ne3A_408 = arith.cmpi ne, %rem3A_406, %ne3A_407 : i32
      %and3A_409 = arith.andi %ne3A_405, %ne3A_408 : i1
      %sub3A_410 = arith.constant 1 : i32
      %sub3A_411 = arith.subi %div3A_390, %sub3A_410 : i32
      %select_n3A_412 = arith.select %and3A_409, %sub3A_411, %div3A_390 : i32
      %mul3A_413 = arith.constant 48 : i32
      %mul3A_414 = arith.muli %select_n3A_412, %mul3A_413 : i32
      %sub3A_415 = arith.subi %scan3A_387, %mul3A_414 : i32
      %mul3A_416 = arith.constant 16 : i32
      %mul3A_417 = arith.muli %sub3A_415, %mul3A_416 : i32
      %swap3A = arith.index_cast %select_n3A_412 : i32 to index
      %swap3A_418 = arith.index_cast %mul3A_417 : i32 to index
      %swap3A_419 = tpu.vector_load %arg5[%swap3A, %swap3A_418] {strides = array<i32>} : memref<64x768xf32, #tpu.memory_space<vmem>>, vector<16xf32>,
      tpu.vector_store %arg5[%swap3A, %swap3A_418], %broadcast_in_dim3A_22 {strides = array<i32>} : memref<64x768xf32, #tpu.memory_space<vmem>>, vector<16xf32>,
      %scan3A_420 = arith.constant 0 : i32
      %scan3A_421 = arith.constant 1 : i32
      %scan3A_422 = arith.addi %scan3A_387, %scan3A_421 : i32
      %jit3A_423 = arith.constant 48 : i32
      %div3A_424 = arith.divsi %scan3A_422, %jit3A_423 : i32
      %sign3A_425 = arith.constant 0 : i32
      %sign3A_426 = arith.cmpi sgt, %scan3A_422, %sign3A_425 : i32
      %sign3A_427 = arith.extui %sign3A_426 : i1 to i32
      %sign3A_428 = arith.constant 0 : i32
      %sign3A_429 = arith.cmpi slt, %scan3A_422, %sign3A_428 : i32
      %sign3A_430 = arith.extui %sign3A_429 : i1 to i32
      %sign3A_431 = arith.subi %sign3A_427, %sign3A_430 : i32
      %sign3A_432 = arith.constant 0 : i32
      %sign3A_433 = arith.cmpi sgt, %jit3A_423, %sign3A_432 : i32
      %sign3A_434 = arith.extui %sign3A_433 : i1 to i32
      %sign3A_435 = arith.constant 0 : i32
      %sign3A_436 = arith.cmpi slt, %jit3A_423, %sign3A_435 : i32
      %sign3A_437 = arith.extui %sign3A_436 : i1 to i32
      %sign3A_438 = arith.subi %sign3A_434, %sign3A_437 : i32
      %ne3A_439 = arith.cmpi ne, %sign3A_431, %sign3A_438 : i32
      %rem3A_440 = arith.remsi %scan3A_422, %jit3A_423 : i32
      %ne3A_441 = arith.constant 0 : i32
      %ne3A_442 = arith.cmpi ne, %rem3A_440, %ne3A_441 : i32
      %and3A_443 = arith.andi %ne3A_439, %ne3A_442 : i1
      %sub3A_444 = arith.constant 1 : i32
      %sub3A_445 = arith.subi %div3A_424, %sub3A_444 : i32
      %select_n3A_446 = arith.select %and3A_443, %sub3A_445, %div3A_424 : i32
      %mul3A_447 = arith.constant 48 : i32
      %mul3A_448 = arith.muli %select_n3A_446, %mul3A_447 : i32
      %sub3A_449 = arith.subi %scan3A_422, %mul3A_448 : i32
      %mul3A_450 = arith.constant 16 : i32
      %mul3A_451 = arith.muli %sub3A_449, %mul3A_450 : i32
      %swap3A_452 = arith.index_cast %select_n3A_446 : i32 to index
      %swap3A_453 = arith.index_cast %mul3A_451 : i32 to index
      %swap3A_454 = tpu.vector_load %arg5[%swap3A_452, %swap3A_453] {strides = array<i32>} : memref<64x768xf32, #tpu.memory_space<vmem>>, vector<16xf32>,
      tpu.vector_store %arg5[%swap3A_452, %swap3A_453], %broadcast_in_dim3A_22 {strides = array<i32>} : memref<64x768xf32, #tpu.memory_space<vmem>>, vector<16xf32>,
      %scan3A_455 = arith.constant 0 : i32
      %scan3A_456 = arith.constant 2 : i32
      %scan3A_457 = arith.addi %scan3A_387, %scan3A_456 : i32
      %jit3A_458 = arith.constant 48 : i32
      %div3A_459 = arith.divsi %scan3A_457, %jit3A_458 : i32
      %sign3A_460 = arith.constant 0 : i32
      %sign3A_461 = arith.cmpi sgt, %scan3A_457, %sign3A_460 : i32
      %sign3A_462 = arith.extui %sign3A_461 : i1 to i32
      %sign3A_463 = arith.constant 0 : i32
      %sign3A_464 = arith.cmpi slt, %scan3A_457, %sign3A_463 : i32
      %sign3A_465 = arith.extui %sign3A_464 : i1 to i32
      %sign3A_466 = arith.subi %sign3A_462, %sign3A_465 : i32
      %sign3A_467 = arith.constant 0 : i32
      %sign3A_468 = arith.cmpi sgt, %jit3A_458, %sign3A_467 : i32
      %sign3A_469 = arith.extui %sign3A_468 : i1 to i32
      %sign3A_470 = arith.constant 0 : i32
      %sign3A_471 = arith.cmpi slt, %jit3A_458, %sign3A_470 : i32
      %sign3A_472 = arith.extui %sign3A_471 : i1 to i32
      %sign3A_473 = arith.subi %sign3A_469, %sign3A_472 : i32
      %ne3A_474 = arith.cmpi ne, %sign3A_466, %sign3A_473 : i32
      %rem3A_475 = arith.remsi %scan3A_457, %jit3A_458 : i32
      %ne3A_476 = arith.constant 0 : i32
      %ne3A_477 = arith.cmpi ne, %rem3A_475, %ne3A_476 : i32
      %and3A_478 = arith.andi %ne3A_474, %ne3A_477 : i1
      %sub3A_479 = arith.constant 1 : i32
      %sub3A_480 = arith.subi %div3A_459, %sub3A_479 : i32
      %select_n3A_481 = arith.select %and3A_478, %sub3A_480, %div3A_459 : i32
      %mul3A_482 = arith.constant 48 : i32
      %mul3A_483 = arith.muli %select_n3A_481, %mul3A_482 : i32
      %sub3A_484 = arith.subi %scan3A_457, %mul3A_483 : i32
      %mul3A_485 = arith.constant 16 : i32
      %mul3A_486 = arith.muli %sub3A_484, %mul3A_485 : i32
      %swap3A_487 = arith.index_cast %select_n3A_481 : i32 to index
      %swap3A_488 = arith.index_cast %mul3A_486 : i32 to index
      %swap3A_489 = tpu.vector_load %arg5[%swap3A_487, %swap3A_488] {strides = array<i32>} : memref<64x768xf32, #tpu.memory_space<vmem>>, vector<16xf32>,
      tpu.vector_store %arg5[%swap3A_487, %swap3A_488], %broadcast_in_dim3A_22 {strides = array<i32>} : memref<64x768xf32, #tpu.memory_space<vmem>>, vector<16xf32>,
      %scan3A_490 = arith.constant 0 : i32
      %scan3A_491 = arith.constant 3 : i32
      %scan3A_492 = arith.addi %scan3A_387, %scan3A_491 : i32
      %jit3A_493 = arith.constant 48 : i32
      %div3A_494 = arith.divsi %scan3A_492, %jit3A_493 : i32
      %sign3A_495 = arith.constant 0 : i32
      %sign3A_496 = arith.cmpi sgt, %scan3A_492, %sign3A_495 : i32
      %sign3A_497 = arith.extui %sign3A_496 : i1 to i32
      %sign3A_498 = arith.constant 0 : i32
      %sign3A_499 = arith.cmpi slt, %scan3A_492, %sign3A_498 : i32
      %sign3A_500 = arith.extui %sign3A_499 : i1 to i32
      %sign3A_501 = arith.subi %sign3A_497, %sign3A_500 : i32
      %sign3A_502 = arith.constant 0 : i32
      %sign3A_503 = arith.cmpi sgt, %jit3A_493, %sign3A_502 : i32
      %sign3A_504 = arith.extui %sign3A_503 : i1 to i32
      %sign3A_505 = arith.constant 0 : i32
      %sign3A_506 = arith.cmpi slt, %jit3A_493, %sign3A_505 : i32
      %sign3A_507 = arith.extui %sign3A_506 : i1 to i32
      %sign3A_508 = arith.subi %sign3A_504, %sign3A_507 : i32
      %ne3A_509 = arith.cmpi ne, %sign3A_501, %sign3A_508 : i32
      %rem3A_510 = arith.remsi %scan3A_492, %jit3A_493 : i32
      %ne3A_511 = arith.constant 0 : i32
      %ne3A_512 = arith.cmpi ne, %rem3A_510, %ne3A_511 : i32
      %and3A_513 = arith.andi %ne3A_509, %ne3A_512 : i1
      %sub3A_514 = arith.constant 1 : i32
      %sub3A_515 = arith.subi %div3A_494, %sub3A_514 : i32
      %select_n3A_516 = arith.select %and3A_513, %sub3A_515, %div3A_494 : i32
      %mul3A_517 = arith.constant 48 : i32
      %mul3A_518 = arith.muli %select_n3A_516, %mul3A_517 : i32
      %sub3A_519 = arith.subi %scan3A_492, %mul3A_518 : i32
      %mul3A_520 = arith.constant 16 : i32
      %mul3A_521 = arith.muli %sub3A_519, %mul3A_520 : i32
      %swap3A_522 = arith.index_cast %select_n3A_516 : i32 to index
      %swap3A_523 = arith.index_cast %mul3A_521 : i32 to index
      %swap3A_524 = tpu.vector_load %arg5[%swap3A_522, %swap3A_523] {strides = array<i32>} : memref<64x768xf32, #tpu.memory_space<vmem>>, vector<16xf32>,
      tpu.vector_store %arg5[%swap3A_522, %swap3A_523], %broadcast_in_dim3A_22 {strides = array<i32>} : memref<64x768xf32, #tpu.memory_space<vmem>>, vector<16xf32>,
      %scan3A_525 = arith.constant 0 : i32
      %scan3A_526 = arith.constant 4 : i32
      %scan3A_527 = arith.addi %scan3A_387, %scan3A_526 : i32
      %jit3A_528 = arith.constant 48 : i32
      %div3A_529 = arith.divsi %scan3A_527, %jit3A_528 : i32
      %sign3A_530 = arith.constant 0 : i32
      %sign3A_531 = arith.cmpi sgt, %scan3A_527, %sign3A_530 : i32
      %sign3A_532 = arith.extui %sign3A_531 : i1 to i32
      %sign3A_533 = arith.constant 0 : i32
      %sign3A_534 = arith.cmpi slt, %scan3A_527, %sign3A_533 : i32
      %sign3A_535 = arith.extui %sign3A_534 : i1 to i32
      %sign3A_536 = arith.subi %sign3A_532, %sign3A_535 : i32
      %sign3A_537 = arith.constant 0 : i32
      %sign3A_538 = arith.cmpi sgt, %jit3A_528, %sign3A_537 : i32
      %sign3A_539 = arith.extui %sign3A_538 : i1 to i32
      %sign3A_540 = arith.constant 0 : i32
      %sign3A_541 = arith.cmpi slt, %jit3A_528, %sign3A_540 : i32
      %sign3A_542 = arith.extui %sign3A_541 : i1 to i32
      %sign3A_543 = arith.subi %sign3A_539, %sign3A_542 : i32
      %ne3A_544 = arith.cmpi ne, %sign3A_536, %sign3A_543 : i32
      %rem3A_545 = arith.remsi %scan3A_527, %jit3A_528 : i32
      %ne3A_546 = arith.constant 0 : i32
      %ne3A_547 = arith.cmpi ne, %rem3A_545, %ne3A_546 : i32
      %and3A_548 = arith.andi %ne3A_544, %ne3A_547 : i1
      %sub3A_549 = arith.constant 1 : i32
      %sub3A_550 = arith.subi %div3A_529, %sub3A_549 : i32
      %select_n3A_551 = arith.select %and3A_548, %sub3A_550, %div3A_529 : i32
      %mul3A_552 = arith.constant 48 : i32
      %mul3A_553 = arith.muli %select_n3A_551, %mul3A_552 : i32
      %sub3A_554 = arith.subi %scan3A_527, %mul3A_553 : i32
      %mul3A_555 = arith.constant 16 : i32
      %mul3A_556 = arith.muli %sub3A_554, %mul3A_555 : i32
      %swap3A_557 = arith.index_cast %select_n3A_551 : i32 to index
      %swap3A_558 = arith.index_cast %mul3A_556 : i32 to index
      %swap3A_559 = tpu.vector_load %arg5[%swap3A_557, %swap3A_558] {strides = array<i32>} : memref<64x768xf32, #tpu.memory_space<vmem>>, vector<16xf32>,
      tpu.vector_store %arg5[%swap3A_557, %swap3A_558], %broadcast_in_dim3A_22 {strides = array<i32>} : memref<64x768xf32, #tpu.memory_space<vmem>>, vector<16xf32>,
      %scan3A_560 = arith.constant 0 : i32
      %scan3A_561 = arith.constant 5 : i32
      %scan3A_562 = arith.addi %scan3A_387, %scan3A_561 : i32
      %jit3A_563 = arith.constant 48 : i32
      %div3A_564 = arith.divsi %scan3A_562, %jit3A_563 : i32
      %sign3A_565 = arith.constant 0 : i32
      %sign3A_566 = arith.cmpi sgt, %scan3A_562, %sign3A_565 : i32
      %sign3A_567 = arith.extui %sign3A_566 : i1 to i32
      %sign3A_568 = arith.constant 0 : i32
      %sign3A_569 = arith.cmpi slt, %scan3A_562, %sign3A_568 : i32
      %sign3A_570 = arith.extui %sign3A_569 : i1 to i32
      %sign3A_571 = arith.subi %sign3A_567, %sign3A_570 : i32
      %sign3A_572 = arith.constant 0 : i32
      %sign3A_573 = arith.cmpi sgt, %jit3A_563, %sign3A_572 : i32
      %sign3A_574 = arith.extui %sign3A_573 : i1 to i32
      %sign3A_575 = arith.constant 0 : i32
      %sign3A_576 = arith.cmpi slt, %jit3A_563, %sign3A_575 : i32
      %sign3A_577 = arith.extui %sign3A_576 : i1 to i32
      %sign3A_578 = arith.subi %sign3A_574, %sign3A_577 : i32
      %ne3A_579 = arith.cmpi ne, %sign3A_571, %sign3A_578 : i32
      %rem3A_580 = arith.remsi %scan3A_562, %jit3A_563 : i32
      %ne3A_581 = arith.constant 0 : i32
      %ne3A_582 = arith.cmpi ne, %rem3A_580, %ne3A_581 : i32
      %and3A_583 = arith.andi %ne3A_579, %ne3A_582 : i1
      %sub3A_584 = arith.constant 1 : i32
      %sub3A_585 = arith.subi %div3A_564, %sub3A_584 : i32
      %select_n3A_586 = arith.select %and3A_583, %sub3A_585, %div3A_564 : i32
      %mul3A_587 = arith.constant 48 : i32
      %mul3A_588 = arith.muli %select_n3A_586, %mul3A_587 : i32
      %sub3A_589 = arith.subi %scan3A_562, %mul3A_588 : i32
      %mul3A_590 = arith.constant 16 : i32
      %mul3A_591 = arith.muli %sub3A_589, %mul3A_590 : i32
      %swap3A_592 = arith.index_cast %select_n3A_586 : i32 to index
      %swap3A_593 = arith.index_cast %mul3A_591 : i32 to index
      %swap3A_594 = tpu.vector_load %arg5[%swap3A_592, %swap3A_593] {strides = array<i32>} : memref<64x768xf32, #tpu.memory_space<vmem>>, vector<16xf32>,
      tpu.vector_store %arg5[%swap3A_592, %swap3A_593], %broadcast_in_dim3A_22 {strides = array<i32>} : memref<64x768xf32, #tpu.memory_space<vmem>>, vector<16xf32>,
      %scan3A_595 = arith.constant 0 : i32
      %scan3A_596 = arith.constant 6 : i32
      %scan3A_597 = arith.addi %scan3A_387, %scan3A_596 : i32
      %jit3A_598 = arith.constant 48 : i32
      %div3A_599 = arith.divsi %scan3A_597, %jit3A_598 : i32
      %sign3A_600 = arith.constant 0 : i32
      %sign3A_601 = arith.cmpi sgt, %scan3A_597, %sign3A_600 : i32
      %sign3A_602 = arith.extui %sign3A_601 : i1 to i32
      %sign3A_603 = arith.constant 0 : i32
      %sign3A_604 = arith.cmpi slt, %scan3A_597, %sign3A_603 : i32
      %sign3A_605 = arith.extui %sign3A_604 : i1 to i32
      %sign3A_606 = arith.subi %sign3A_602, %sign3A_605 : i32
      %sign3A_607 = arith.constant 0 : i32
      %sign3A_608 = arith.cmpi sgt, %jit3A_598, %sign3A_607 : i32
      %sign3A_609 = arith.extui %sign3A_608 : i1 to i32
      %sign3A_610 = arith.constant 0 : i32
      %sign3A_611 = arith.cmpi slt, %jit3A_598, %sign3A_610 : i32
      %sign3A_612 = arith.extui %sign3A_611 : i1 to i32
      %sign3A_613 = arith.subi %sign3A_609, %sign3A_612 : i32
      %ne3A_614 = arith.cmpi ne, %sign3A_606, %sign3A_613 : i32
      %rem3A_615 = arith.remsi %scan3A_597, %jit3A_598 : i32
      %ne3A_616 = arith.constant 0 : i32
      %ne3A_617 = arith.cmpi ne, %rem3A_615, %ne3A_616 : i32
      %and3A_618 = arith.andi %ne3A_614, %ne3A_617 : i1
      %sub3A_619 = arith.constant 1 : i32
      %sub3A_620 = arith.subi %div3A_599, %sub3A_619 : i32
      %select_n3A_621 = arith.select %and3A_618, %sub3A_620, %div3A_599 : i32
      %mul3A_622 = arith.constant 48 : i32
      %mul3A_623 = arith.muli %select_n3A_621, %mul3A_622 : i32
      %sub3A_624 = arith.subi %scan3A_597, %mul3A_623 : i32
      %mul3A_625 = arith.constant 16 : i32
      %mul3A_626 = arith.muli %sub3A_624, %mul3A_625 : i32
      %swap3A_627 = arith.index_cast %select_n3A_621 : i32 to index
      %swap3A_628 = arith.index_cast %mul3A_626 : i32 to index
      %swap3A_629 = tpu.vector_load %arg5[%swap3A_627, %swap3A_628] {strides = array<i32>} : memref<64x768xf32, #tpu.memory_space<vmem>>, vector<16xf32>,
      tpu.vector_store %arg5[%swap3A_627, %swap3A_628], %broadcast_in_dim3A_22 {strides = array<i32>} : memref<64x768xf32, #tpu.memory_space<vmem>>, vector<16xf32>,
      %scan3A_630 = arith.constant 0 : i32
      %scan3A_631 = arith.constant 7 : i32
      %scan3A_632 = arith.addi %scan3A_387, %scan3A_631 : i32
      %jit3A_633 = arith.constant 48 : i32
      %div3A_634 = arith.divsi %scan3A_632, %jit3A_633 : i32
      %sign3A_635 = arith.constant 0 : i32
      %sign3A_636 = arith.cmpi sgt, %scan3A_632, %sign3A_635 : i32
      %sign3A_637 = arith.extui %sign3A_636 : i1 to i32
      %sign3A_638 = arith.constant 0 : i32
      %sign3A_639 = arith.cmpi slt, %scan3A_632, %sign3A_638 : i32
      %sign3A_640 = arith.extui %sign3A_639 : i1 to i32
      %sign3A_641 = arith.subi %sign3A_637, %sign3A_640 : i32
      %sign3A_642 = arith.constant 0 : i32
      %sign3A_643 = arith.cmpi sgt, %jit3A_633, %sign3A_642 : i32
      %sign3A_644 = arith.extui %sign3A_643 : i1 to i32
      %sign3A_645 = arith.constant 0 : i32
      %sign3A_646 = arith.cmpi slt, %jit3A_633, %sign3A_645 : i32
      %sign3A_647 = arith.extui %sign3A_646 : i1 to i32
      %sign3A_648 = arith.subi %sign3A_644, %sign3A_647 : i32
      %ne3A_649 = arith.cmpi ne, %sign3A_641, %sign3A_648 : i32
      %rem3A_650 = arith.remsi %scan3A_632, %jit3A_633 : i32
      %ne3A_651 = arith.constant 0 : i32
      %ne3A_652 = arith.cmpi ne, %rem3A_650, %ne3A_651 : i32
      %and3A_653 = arith.andi %ne3A_649, %ne3A_652 : i1
      %sub3A_654 = arith.constant 1 : i32
      %sub3A_655 = arith.subi %div3A_634, %sub3A_654 : i32
      %select_n3A_656 = arith.select %and3A_653, %sub3A_655, %div3A_634 : i32
      %mul3A_657 = arith.constant 48 : i32
      %mul3A_658 = arith.muli %select_n3A_656, %mul3A_657 : i32
      %sub3A_659 = arith.subi %scan3A_632, %mul3A_658 : i32
      %mul3A_660 = arith.constant 16 : i32
      %mul3A_661 = arith.muli %sub3A_659, %mul3A_660 : i32
      %swap3A_662 = arith.index_cast %select_n3A_656 : i32 to index
      %swap3A_663 = arith.index_cast %mul3A_661 : i32 to index
      %swap3A_664 = tpu.vector_load %arg5[%swap3A_662, %swap3A_663] {strides = array<i32>} : memref<64x768xf32, #tpu.memory_space<vmem>>, vector<16xf32>,
      tpu.vector_store %arg5[%swap3A_662, %swap3A_663], %broadcast_in_dim3A_22 {strides = array<i32>} : memref<64x768xf32, #tpu.memory_space<vmem>>, vector<16xf32>,
      %scan3A_665 = arith.constant 0 : i32
      scf.yield %scan3A_665 : i32
    }
    %scan3A_31 = arith.constant 3072 : i32
    %scan3A_32 = arith.constant 0 : i32
    %scan3A_33 = arith.constant 0 : i32
    %scan3A_34 = arith.constant 3072 : i32
    %scan3A_35 = arith.addi %scan3A_33, %scan3A_34 : i32
    %scan3A_36 = arith.constant 8 : i32
    %scan3A_37 = scf.for %scan3A_387 = %scan3A_33 to %scan3A_35 step %scan3A_36 iter_args(%scan3A_388 = %scan3A_32) -> (i32)  : i32 {
      %jit3A_389 = arith.constant 48 : i32
      %div3A_390 = arith.divsi %scan3A_387, %jit3A_389 : i32
      %sign3A_391 = arith.constant 0 : i32
      %sign3A_392 = arith.cmpi sgt, %scan3A_387, %sign3A_391 : i32
      %sign3A_393 = arith.extui %sign3A_392 : i1 to i32
      %sign3A_394 = arith.constant 0 : i32
      %sign3A_395 = arith.cmpi slt, %scan3A_387, %sign3A_394 : i32
      %sign3A_396 = arith.extui %sign3A_395 : i1 to i32
      %sign3A_397 = arith.subi %sign3A_393, %sign3A_396 : i32
      %sign3A_398 = arith.constant 0 : i32
      %sign3A_399 = arith.cmpi sgt, %jit3A_389, %sign3A_398 : i32
      %sign3A_400 = arith.extui %sign3A_399 : i1 to i32
      %sign3A_401 = arith.constant 0 : i32
      %sign3A_402 = arith.cmpi slt, %jit3A_389, %sign3A_401 : i32
      %sign3A_403 = arith.extui %sign3A_402 : i1 to i32
      %sign3A_404 = arith.subi %sign3A_400, %sign3A_403 : i32
      %ne3A_405 = arith.cmpi ne, %sign3A_397, %sign3A_404 : i32
      %rem3A_406 = arith.remsi %scan3A_387, %jit3A_389 : i32
      %ne3A_407 = arith.constant 0 : i32
      %ne3A_408 = arith.cmpi ne, %rem3A_406, %ne3A_407 : i32
      %and3A_409 = arith.andi %ne3A_405, %ne3A_408 : i1
      %sub3A_410 = arith.constant 1 : i32
      %sub3A_411 = arith.subi %div3A_390, %sub3A_410 : i32
      %select_n3A_412 = arith.select %and3A_409, %sub3A_411, %div3A_390 : i32
      %mul3A_413 = arith.constant 48 : i32
      %mul3A_414 = arith.muli %select_n3A_412, %mul3A_413 : i32
      %sub3A_415 = arith.subi %scan3A_387, %mul3A_414 : i32
      %mul3A_416 = arith.constant 16 : i32
      %mul3A_417 = arith.muli %sub3A_415, %mul3A_416 : i32
      %swap3A = arith.index_cast %select_n3A_412 : i32 to index
      %swap3A_418 = arith.index_cast %mul3A_417 : i32 to index
      %swap3A_419 = tpu.vector_load %arg6[%swap3A, %swap3A_418] {strides = array<i32>} : memref<64x768xf32, #tpu.memory_space<vmem>>, vector<16xf32>,
      tpu.vector_store %arg6[%swap3A, %swap3A_418], %broadcast_in_dim3A_22 {strides = array<i32>} : memref<64x768xf32, #tpu.memory_space<vmem>>, vector<16xf32>,
      %scan3A_420 = arith.constant 0 : i32
      %scan3A_421 = arith.constant 1 : i32
      %scan3A_422 = arith.addi %scan3A_387, %scan3A_421 : i32
      %jit3A_423 = arith.constant 48 : i32
      %div3A_424 = arith.divsi %scan3A_422, %jit3A_423 : i32
      %sign3A_425 = arith.constant 0 : i32
      %sign3A_426 = arith.cmpi sgt, %scan3A_422, %sign3A_425 : i32
      %sign3A_427 = arith.extui %sign3A_426 : i1 to i32
      %sign3A_428 = arith.constant 0 : i32
      %sign3A_429 = arith.cmpi slt, %scan3A_422, %sign3A_428 : i32
      %sign3A_430 = arith.extui %sign3A_429 : i1 to i32
      %sign3A_431 = arith.subi %sign3A_427, %sign3A_430 : i32
      %sign3A_432 = arith.constant 0 : i32
      %sign3A_433 = arith.cmpi sgt, %jit3A_423, %sign3A_432 : i32
      %sign3A_434 = arith.extui %sign3A_433 : i1 to i32
      %sign3A_435 = arith.constant 0 : i32
      %sign3A_436 = arith.cmpi slt, %jit3A_423, %sign3A_435 : i32
      %sign3A_437 = arith.extui %sign3A_436 : i1 to i32
      %sign3A_438 = arith.subi %sign3A_434, %sign3A_437 : i32
      %ne3A_439 = arith.cmpi ne, %sign3A_431, %sign3A_438 : i32
      %rem3A_440 = arith.remsi %scan3A_422, %jit3A_423 : i32
      %ne3A_441 = arith.constant 0 : i32
      %ne3A_442 = arith.cmpi ne, %rem3A_440, %ne3A_441 : i32
      %and3A_443 = arith.andi %ne3A_439, %ne3A_442 : i1
      %sub3A_444 = arith.constant 1 : i32
      %sub3A_445 = arith.subi %div3A_424, %sub3A_444 : i32
      %select_n3A_446 = arith.select %and3A_443, %sub3A_445, %div3A_424 : i32
      %mul3A_447 = arith.constant 48 : i32
      %mul3A_448 = arith.muli %select_n3A_446, %mul3A_447 : i32
      %sub3A_449 = arith.subi %scan3A_422, %mul3A_448 : i32
      %mul3A_450 = arith.constant 16 : i32
      %mul3A_451 = arith.muli %sub3A_449, %mul3A_450 : i32
      %swap3A_452 = arith.index_cast %select_n3A_446 : i32 to index
      %swap3A_453 = arith.index_cast %mul3A_451 : i32 to index
      %swap3A_454 = tpu.vector_load %arg6[%swap3A_452, %swap3A_453] {strides = array<i32>} : memref<64x768xf32, #tpu.memory_space<vmem>>, vector<16xf32>,
      tpu.vector_store %arg6[%swap3A_452, %swap3A_453], %broadcast_in_dim3A_22 {strides = array<i32>} : memref<64x768xf32, #tpu.memory_space<vmem>>, vector<16xf32>,
      %scan3A_455 = arith.constant 0 : i32
      %scan3A_456 = arith.constant 2 : i32
      %scan3A_457 = arith.addi %scan3A_387, %scan3A_456 : i32
      %jit3A_458 = arith.constant 48 : i32
      %div3A_459 = arith.divsi %scan3A_457, %jit3A_458 : i32
      %sign3A_460 = arith.constant 0 : i32
      %sign3A_461 = arith.cmpi sgt, %scan3A_457, %sign3A_460 : i32
      %sign3A_462 = arith.extui %sign3A_461 : i1 to i32
      %sign3A_463 = arith.constant 0 : i32
      %sign3A_464 = arith.cmpi slt, %scan3A_457, %sign3A_463 : i32
      %sign3A_465 = arith.extui %sign3A_464 : i1 to i32
      %sign3A_466 = arith.subi %sign3A_462, %sign3A_465 : i32
      %sign3A_467 = arith.constant 0 : i32
      %sign3A_468 = arith.cmpi sgt, %jit3A_458, %sign3A_467 : i32
      %sign3A_469 = arith.extui %sign3A_468 : i1 to i32
      %sign3A_470 = arith.constant 0 : i32
      %sign3A_471 = arith.cmpi slt, %jit3A_458, %sign3A_470 : i32
      %sign3A_472 = arith.extui %sign3A_471 : i1 to i32
      %sign3A_473 = arith.subi %sign3A_469, %sign3A_472 : i32
      %ne3A_474 = arith.cmpi ne, %sign3A_466, %sign3A_473 : i32
      %rem3A_475 = arith.remsi %scan3A_457, %jit3A_458 : i32
      %ne3A_476 = arith.constant 0 : i32
      %ne3A_477 = arith.cmpi ne, %rem3A_475, %ne3A_476 : i32
      %and3A_478 = arith.andi %ne3A_474, %ne3A_477 : i1
      %sub3A_479 = arith.constant 1 : i32
      %sub3A_480 = arith.subi %div3A_459, %sub3A_479 : i32
      %select_n3A_481 = arith.select %and3A_478, %sub3A_480, %div3A_459 : i32
      %mul3A_482 = arith.constant 48 : i32
      %mul3A_483 = arith.muli %select_n3A_481, %mul3A_482 : i32
      %sub3A_484 = arith.subi %scan3A_457, %mul3A_483 : i32
      %mul3A_485 = arith.constant 16 : i32
      %mul3A_486 = arith.muli %sub3A_484, %mul3A_485 : i32
      %swap3A_487 = arith.index_cast %select_n3A_481 : i32 to index
      %swap3A_488 = arith.index_cast %mul3A_486 : i32 to index
      %swap3A_489 = tpu.vector_load %arg6[%swap3A_487, %swap3A_488] {strides = array<i32>} : memref<64x768xf32, #tpu.memory_space<vmem>>, vector<16xf32>,
      tpu.vector_store %arg6[%swap3A_487, %swap3A_488], %broadcast_in_dim3A_22 {strides = array<i32>} : memref<64x768xf32, #tpu.memory_space<vmem>>, vector<16xf32>,
      %scan3A_490 = arith.constant 0 : i32
      %scan3A_491 = arith.constant 3 : i32
      %scan3A_492 = arith.addi %scan3A_387, %scan3A_491 : i32
      %jit3A_493 = arith.constant 48 : i32
      %div3A_494 = arith.divsi %scan3A_492, %jit3A_493 : i32
      %sign3A_495 = arith.constant 0 : i32
      %sign3A_496 = arith.cmpi sgt, %scan3A_492, %sign3A_495 : i32
      %sign3A_497 = arith.extui %sign3A_496 : i1 to i32
      %sign3A_498 = arith.constant 0 : i32
      %sign3A_499 = arith.cmpi slt, %scan3A_492, %sign3A_498 : i32
      %sign3A_500 = arith.extui %sign3A_499 : i1 to i32
      %sign3A_501 = arith.subi %sign3A_497, %sign3A_500 : i32
      %sign3A_502 = arith.constant 0 : i32
      %sign3A_503 = arith.cmpi sgt, %jit3A_493, %sign3A_502 : i32
      %sign3A_504 = arith.extui %sign3A_503 : i1 to i32
      %sign3A_505 = arith.constant 0 : i32
      %sign3A_506 = arith.cmpi slt, %jit3A_493, %sign3A_505 : i32
      %sign3A_507 = arith.extui %sign3A_506 : i1 to i32
      %sign3A_508 = arith.subi %sign3A_504, %sign3A_507 : i32
      %ne3A_509 = arith.cmpi ne, %sign3A_501, %sign3A_508 : i32
      %rem3A_510 = arith.remsi %scan3A_492, %jit3A_493 : i32
      %ne3A_511 = arith.constant 0 : i32
      %ne3A_512 = arith.cmpi ne, %rem3A_510, %ne3A_511 : i32
      %and3A_513 = arith.andi %ne3A_509, %ne3A_512 : i1
      %sub3A_514 = arith.constant 1 : i32
      %sub3A_515 = arith.subi %div3A_494, %sub3A_514 : i32
      %select_n3A_516 = arith.select %and3A_513, %sub3A_515, %div3A_494 : i32
      %mul3A_517 = arith.constant 48 : i32
      %mul3A_518 = arith.muli %select_n3A_516, %mul3A_517 : i32
      %sub3A_519 = arith.subi %scan3A_492, %mul3A_518 : i32
      %mul3A_520 = arith.constant 16 : i32
      %mul3A_521 = arith.muli %sub3A_519, %mul3A_520 : i32
      %swap3A_522 = arith.index_cast %select_n3A_516 : i32 to index
      %swap3A_523 = arith.index_cast %mul3A_521 : i32 to index
      %swap3A_524 = tpu.vector_load %arg6[%swap3A_522, %swap3A_523] {strides = array<i32>} : memref<64x768xf32, #tpu.memory_space<vmem>>, vector<16xf32>,
      tpu.vector_store %arg6[%swap3A_522, %swap3A_523], %broadcast_in_dim3A_22 {strides = array<i32>} : memref<64x768xf32, #tpu.memory_space<vmem>>, vector<16xf32>,
      %scan3A_525 = arith.constant 0 : i32
      %scan3A_526 = arith.constant 4 : i32
      %scan3A_527 = arith.addi %scan3A_387, %scan3A_526 : i32
      %jit3A_528 = arith.constant 48 : i32
      %div3A_529 = arith.divsi %scan3A_527, %jit3A_528 : i32
      %sign3A_530 = arith.constant 0 : i32
      %sign3A_531 = arith.cmpi sgt, %scan3A_527, %sign3A_530 : i32
      %sign3A_532 = arith.extui %sign3A_531 : i1 to i32
      %sign3A_533 = arith.constant 0 : i32
      %sign3A_534 = arith.cmpi slt, %scan3A_527, %sign3A_533 : i32
      %sign3A_535 = arith.extui %sign3A_534 : i1 to i32
      %sign3A_536 = arith.subi %sign3A_532, %sign3A_535 : i32
      %sign3A_537 = arith.constant 0 : i32
      %sign3A_538 = arith.cmpi sgt, %jit3A_528, %sign3A_537 : i32
      %sign3A_539 = arith.extui %sign3A_538 : i1 to i32
      %sign3A_540 = arith.constant 0 : i32
      %sign3A_541 = arith.cmpi slt, %jit3A_528, %sign3A_540 : i32
      %sign3A_542 = arith.extui %sign3A_541 : i1 to i32
      %sign3A_543 = arith.subi %sign3A_539, %sign3A_542 : i32
      %ne3A_544 = arith.cmpi ne, %sign3A_536, %sign3A_543 : i32
      %rem3A_545 = arith.remsi %scan3A_527, %jit3A_528 : i32
      %ne3A_546 = arith.constant 0 : i32
      %ne3A_547 = arith.cmpi ne, %rem3A_545, %ne3A_546 : i32
      %and3A_548 = arith.andi %ne3A_544, %ne3A_547 : i1
      %sub3A_549 = arith.constant 1 : i32
      %sub3A_550 = arith.subi %div3A_529, %sub3A_549 : i32
      %select_n3A_551 = arith.select %and3A_548, %sub3A_550, %div3A_529 : i32
      %mul3A_552 = arith.constant 48 : i32
      %mul3A_553 = arith.muli %select_n3A_551, %mul3A_552 : i32
      %sub3A_554 = arith.subi %scan3A_527, %mul3A_553 : i32
      %mul3A_555 = arith.constant 16 : i32
      %mul3A_556 = arith.muli %sub3A_554, %mul3A_555 : i32
      %swap3A_557 = arith.index_cast %select_n3A_551 : i32 to index
      %swap3A_558 = arith.index_cast %mul3A_556 : i32 to index
      %swap3A_559 = tpu.vector_load %arg6[%swap3A_557, %swap3A_558] {strides = array<i32>} : memref<64x768xf32, #tpu.memory_space<vmem>>, vector<16xf32>,
      tpu.vector_store %arg6[%swap3A_557, %swap3A_558], %broadcast_in_dim3A_22 {strides = array<i32>} : memref<64x768xf32, #tpu.memory_space<vmem>>, vector<16xf32>,
      %scan3A_560 = arith.constant 0 : i32
      %scan3A_561 = arith.constant 5 : i32
      %scan3A_562 = arith.addi %scan3A_387, %scan3A_561 : i32
      %jit3A_563 = arith.constant 48 : i32
      %div3A_564 = arith.divsi %scan3A_562, %jit3A_563 : i32
      %sign3A_565 = arith.constant 0 : i32
      %sign3A_566 = arith.cmpi sgt, %scan3A_562, %sign3A_565 : i32
      %sign3A_567 = arith.extui %sign3A_566 : i1 to i32
      %sign3A_568 = arith.constant 0 : i32
      %sign3A_569 = arith.cmpi slt, %scan3A_562, %sign3A_568 : i32
      %sign3A_570 = arith.extui %sign3A_569 : i1 to i32
      %sign3A_571 = arith.subi %sign3A_567, %sign3A_570 : i32
      %sign3A_572 = arith.constant 0 : i32
      %sign3A_573 = arith.cmpi sgt, %jit3A_563, %sign3A_572 : i32
      %sign3A_574 = arith.extui %sign3A_573 : i1 to i32
      %sign3A_575 = arith.constant 0 : i32
      %sign3A_576 = arith.cmpi slt, %jit3A_563, %sign3A_575 : i32
      %sign3A_577 = arith.extui %sign3A_576 : i1 to i32
      %sign3A_578 = arith.subi %sign3A_574, %sign3A_577 : i32
      %ne3A_579 = arith.cmpi ne, %sign3A_571, %sign3A_578 : i32
      %rem3A_580 = arith.remsi %scan3A_562, %jit3A_563 : i32
      %ne3A_581 = arith.constant 0 : i32
      %ne3A_582 = arith.cmpi ne, %rem3A_580, %ne3A_581 : i32
      %and3A_583 = arith.andi %ne3A_579, %ne3A_582 : i1
      %sub3A_584 = arith.constant 1 : i32
      %sub3A_585 = arith.subi %div3A_564, %sub3A_584 : i32
      %select_n3A_586 = arith.select %and3A_583, %sub3A_585, %div3A_564 : i32
      %mul3A_587 = arith.constant 48 : i32
      %mul3A_588 = arith.muli %select_n3A_586, %mul3A_587 : i32
      %sub3A_589 = arith.subi %scan3A_562, %mul3A_588 : i32
      %mul3A_590 = arith.constant 16 : i32
      %mul3A_591 = arith.muli %sub3A_589, %mul3A_590 : i32
      %swap3A_592 = arith.index_cast %select_n3A_586 : i32 to index
      %swap3A_593 = arith.index_cast %mul3A_591 : i32 to index
      %swap3A_594 = tpu.vector_load %arg6[%swap3A_592, %swap3A_593] {strides = array<i32>} : memref<64x768xf32, #tpu.memory_space<vmem>>, vector<16xf32>,
      tpu.vector_store %arg6[%swap3A_592, %swap3A_593], %broadcast_in_dim3A_22 {strides = array<i32>} : memref<64x768xf32, #tpu.memory_space<vmem>>, vector<16xf32>,
      %scan3A_595 = arith.constant 0 : i32
      %scan3A_596 = arith.constant 6 : i32
      %scan3A_597 = arith.addi %scan3A_387, %scan3A_596 : i32
      %jit3A_598 = arith.constant 48 : i32
      %div3A_599 = arith.divsi %scan3A_597, %jit3A_598 : i32
      %sign3A_600 = arith.constant 0 : i32
      %sign3A_601 = arith.cmpi sgt, %scan3A_597, %sign3A_600 : i32
      %sign3A_602 = arith.extui %sign3A_601 : i1 to i32
      %sign3A_603 = arith.constant 0 : i32
      %sign3A_604 = arith.cmpi slt, %scan3A_597, %sign3A_603 : i32
      %sign3A_605 = arith.extui %sign3A_604 : i1 to i32
      %sign3A_606 = arith.subi %sign3A_602, %sign3A_605 : i32
      %sign3A_607 = arith.constant 0 : i32
      %sign3A_608 = arith.cmpi sgt, %jit3A_598, %sign3A_607 : i32
      %sign3A_609 = arith.extui %sign3A_608 : i1 to i32
      %sign3A_610 = arith.constant 0 : i32
      %sign3A_611 = arith.cmpi slt, %jit3A_598, %sign3A_610 : i32
      %sign3A_612 = arith.extui %sign3A_611 : i1 to i32
      %sign3A_613 = arith.subi %sign3A_609, %sign3A_612 : i32
      %ne3A_614 = arith.cmpi ne, %sign3A_606, %sign3A_613 : i32
      %rem3A_615 = arith.remsi %scan3A_597, %jit3A_598 : i32
      %ne3A_616 = arith.constant 0 : i32
      %ne3A_617 = arith.cmpi ne, %rem3A_615, %ne3A_616 : i32
      %and3A_618 = arith.andi %ne3A_614, %ne3A_617 : i1
      %sub3A_619 = arith.constant 1 : i32
      %sub3A_620 = arith.subi %div3A_599, %sub3A_619 : i32
      %select_n3A_621 = arith.select %and3A_618, %sub3A_620, %div3A_599 : i32
      %mul3A_622 = arith.constant 48 : i32
      %mul3A_623 = arith.muli %select_n3A_621, %mul3A_622 : i32
      %sub3A_624 = arith.subi %scan3A_597, %mul3A_623 : i32
      %mul3A_625 = arith.constant 16 : i32
      %mul3A_626 = arith.muli %sub3A_624, %mul3A_625 : i32
      %swap3A_627 = arith.index_cast %select_n3A_621 : i32 to index
      %swap3A_628 = arith.index_cast %mul3A_626 : i32 to index
      %swap3A_629 = tpu.vector_load %arg6[%swap3A_627, %swap3A_628] {strides = array<i32>} : memref<64x768xf32, #tpu.memory_space<vmem>>, vector<16xf32>,
      tpu.vector_store %arg6[%swap3A_627, %swap3A_628], %broadcast_in_dim3A_22 {strides = array<i32>} : memref<64x768xf32, #tpu.memory_space<vmem>>, vector<16xf32>,
      %scan3A_630 = arith.constant 0 : i32
      %scan3A_631 = arith.constant 7 : i32
      %scan3A_632 = arith.addi %scan3A_387, %scan3A_631 : i32
      %jit3A_633 = arith.constant 48 : i32
      %div3A_634 = arith.divsi %scan3A_632, %jit3A_633 : i32
      %sign3A_635 = arith.constant 0 : i32
      %sign3A_636 = arith.cmpi sgt, %scan3A_632, %sign3A_635 : i32
      %sign3A_637 = arith.extui %sign3A_636 : i1 to i32
      %sign3A_638 = arith.constant 0 : i32
      %sign3A_639 = arith.cmpi slt, %scan3A_632, %sign3A_638 : i32
      %sign3A_640 = arith.extui %sign3A_639 : i1 to i32
      %sign3A_641 = arith.subi %sign3A_637, %sign3A_640 : i32
      %sign3A_642 = arith.constant 0 : i32
      %sign3A_643 = arith.cmpi sgt, %jit3A_633, %sign3A_642 : i32
      %sign3A_644 = arith.extui %sign3A_643 : i1 to i32
      %sign3A_645 = arith.constant 0 : i32
      %sign3A_646 = arith.cmpi slt, %jit3A_633, %sign3A_645 : i32
      %sign3A_647 = arith.extui %sign3A_646 : i1 to i32
      %sign3A_648 = arith.subi %sign3A_644, %sign3A_647 : i32
      %ne3A_649 = arith.cmpi ne, %sign3A_641, %sign3A_648 : i32
      %rem3A_650 = arith.remsi %scan3A_632, %jit3A_633 : i32
      %ne3A_651 = arith.constant 0 : i32
      %ne3A_652 = arith.cmpi ne, %rem3A_650, %ne3A_651 : i32
      %and3A_653 = arith.andi %ne3A_649, %ne3A_652 : i1
      %sub3A_654 = arith.constant 1 : i32
      %sub3A_655 = arith.subi %div3A_634, %sub3A_654 : i32
      %select_n3A_656 = arith.select %and3A_653, %sub3A_655, %div3A_634 : i32
      %mul3A_657 = arith.constant 48 : i32
      %mul3A_658 = arith.muli %select_n3A_656, %mul3A_657 : i32
      %sub3A_659 = arith.subi %scan3A_632, %mul3A_658 : i32
      %mul3A_660 = arith.constant 16 : i32
      %mul3A_661 = arith.muli %sub3A_659, %mul3A_660 : i32
      %swap3A_662 = arith.index_cast %select_n3A_656 : i32 to index
      %swap3A_663 = arith.index_cast %mul3A_661 : i32 to index
      %swap3A_664 = tpu.vector_load %arg6[%swap3A_662, %swap3A_663] {strides = array<i32>} : memref<64x768xf32, #tpu.memory_space<vmem>>, vector<16xf32>,
      tpu.vector_store %arg6[%swap3A_662, %swap3A_663], %broadcast_in_dim3A_22 {strides = array<i32>} : memref<64x768xf32, #tpu.memory_space<vmem>>, vector<16xf32>,
      %scan3A_665 = arith.constant 0 : i32
      scf.yield %scan3A_665 : i32
    }
    %scan3A_38 = arith.constant 3072 : i32
    %mul3A_39 = arith.constant 6144 : i32
    %mul3A_40 = arith.muli %add3A, %mul3A_39 : i32
    %dma_start3A = arith.constant 0 : i32
    %dma_start3A_41 = tpu.memref_slice %arg4[%dma_start3A] : memref<6160xf32, #tpu.memory_space<vmem>> -> memref<6144xf32, #tpu.memory_space<vmem>>
    %dma_start3A_42 = tpu.memref_slice %arg2[%mul3A_40] : memref<196608xf32, #tpu.memory_space<hbm>> -> memref<6144xf32, #tpu.memory_space<hbm>>
    %dma_start3A_43 = arith.constant 0 : i32
    %dma_start3A_44 = tpu.memref_slice %arg4[%dma_start3A_43] : memref<6160xf32, #tpu.memory_space<vmem>> -> memref<6144xf32, #tpu.memory_space<vmem>>
    %dma_start3A_45 = tpu.memref_slice %arg2[%mul3A_40] : memref<196608xf32, #tpu.memory_space<hbm>> -> memref<6144xf32, #tpu.memory_space<hbm>>
    tpu.enqueue_dma source(%dma_start3A_45 : memref<6144xf32, #tpu.memory_space<hbm>>) target(%dma_start3A_44 : memref<6144xf32, #tpu.memory_space<vmem>>) target_semaphore(%arg7 : memref<!tpu.dma_semaphore, #tpu.memory_space<semaphore_mem>>)
    %dma_wait3A = arith.constant 0 : i32
    %dma_wait3A_46 = tpu.memref_slice %arg4[%dma_wait3A] : memref<6160xf32, #tpu.memory_space<vmem>> -> memref<6144xf32, #tpu.memory_space<vmem>>
    %dma_wait3A_47 = tpu.memref_slice %arg2[%mul3A_40] : memref<196608xf32, #tpu.memory_space<hbm>> -> memref<6144xf32, #tpu.memory_space<hbm>>
    %dma_wait3A_48 = arith.constant 0 : i32
    %dma_wait3A_49 = tpu.memref_slice %arg4[%dma_wait3A_48] : memref<6160xf32, #tpu.memory_space<vmem>> -> memref<6144xf32, #tpu.memory_space<vmem>>
    %dma_wait3A_50 = tpu.memref_slice %arg2[%mul3A_40] : memref<196608xf32, #tpu.memory_space<hbm>> -> memref<6144xf32, #tpu.memory_space<hbm>>
    tpu.wait_dma2 semaphore(%arg7 : memref<!tpu.dma_semaphore, #tpu.memory_space<semaphore_mem>>) src(%dma_wait3A_50 : memref<6144xf32, #tpu.memory_space<hbm>>) dst(%dma_wait3A_49 : memref<6144xf32, #tpu.memory_space<vmem>>)
    %scan3A_51 = arith.constant 0 : i32
    %scan3A_52 = arith.constant 0 : i32
    %scan3A_53 = arith.constant 64 : i32
    %scan3A_54 = arith.addi %scan3A_52, %scan3A_53 : i32
    %scan3A_55 = arith.constant 4 : i32
    %scan3A_56 = scf.for %scan3A_387 = %scan3A_52 to %scan3A_54 step %scan3A_55 iter_args(%scan3A_388 = %scan3A_51) -> (i32)  : i32 {
      %add3A_389 = arith.constant 0 : i32
      %add3A_390 = arith.addi %add3A_389, %scan3A_387 : i32
      %mul3A_391 = arith.constant 6 : i32
      %mul3A_392 = arith.muli %add3A_390, %mul3A_391 : i32
      %get3A = arith.index_cast %mul3A_392 : i32 to index
      %get3A_393 = tpu.vector_load %arg4[%get3A] {strides = array<i32>} : memref<6160xf32, #tpu.memory_space<vmem>>, vector<16xf32>,
      %mul3A_394 = arith.mulf %get3A_393, %convert_element_type3A_25 : vector<16xf32>
      %swap3A = arith.index_cast %scan3A_387 : i32 to index
      %swap3A_395 = arith.constant 0 : index
      %swap3A_396 = tpu.vector_load %arg5[%swap3A, %swap3A_395] {strides = array<i32>} : memref<64x768xf32, #tpu.memory_space<vmem>>, vector<16xf32>,
      tpu.vector_store %arg5[%swap3A, %swap3A_395], %mul3A_394 {strides = array<i32>} : memref<64x768xf32, #tpu.memory_space<vmem>>, vector<16xf32>,
      %scan3A_397 = arith.constant 0 : i32
      %scan3A_398 = arith.constant 1 : i32
      %scan3A_399 = arith.addi %scan3A_387, %scan3A_398 : i32
      %add3A_400 = arith.constant 0 : i32
      %add3A_401 = arith.addi %add3A_400, %scan3A_399 : i32
      %mul3A_402 = arith.constant 6 : i32
      %mul3A_403 = arith.muli %add3A_401, %mul3A_402 : i32
      %get3A_404 = arith.index_cast %mul3A_403 : i32 to index
      %get3A_405 = tpu.vector_load %arg4[%get3A_404] {strides = array<i32>} : memref<6160xf32, #tpu.memory_space<vmem>>, vector<16xf32>,
      %mul3A_406 = arith.mulf %get3A_405, %convert_element_type3A_25 : vector<16xf32>
      %swap3A_407 = arith.index_cast %scan3A_399 : i32 to index
      %swap3A_408 = arith.constant 0 : index
      %swap3A_409 = tpu.vector_load %arg5[%swap3A_407, %swap3A_408] {strides = array<i32>} : memref<64x768xf32, #tpu.memory_space<vmem>>, vector<16xf32>,
      tpu.vector_store %arg5[%swap3A_407, %swap3A_408], %mul3A_406 {strides = array<i32>} : memref<64x768xf32, #tpu.memory_space<vmem>>, vector<16xf32>,
      %scan3A_410 = arith.constant 0 : i32
      %scan3A_411 = arith.constant 2 : i32
      %scan3A_412 = arith.addi %scan3A_387, %scan3A_411 : i32
      %add3A_413 = arith.constant 0 : i32
      %add3A_414 = arith.addi %add3A_413, %scan3A_412 : i32
      %mul3A_415 = arith.constant 6 : i32
      %mul3A_416 = arith.muli %add3A_414, %mul3A_415 : i32
      %get3A_417 = arith.index_cast %mul3A_416 : i32 to index
      %get3A_418 = tpu.vector_load %arg4[%get3A_417] {strides = array<i32>} : memref<6160xf32, #tpu.memory_space<vmem>>, vector<16xf32>,
      %mul3A_419 = arith.mulf %get3A_418, %convert_element_type3A_25 : vector<16xf32>
      %swap3A_420 = arith.index_cast %scan3A_412 : i32 to index
      %swap3A_421 = arith.constant 0 : index
      %swap3A_422 = tpu.vector_load %arg5[%swap3A_420, %swap3A_421] {strides = array<i32>} : memref<64x768xf32, #tpu.memory_space<vmem>>, vector<16xf32>,
      tpu.vector_store %arg5[%swap3A_420, %swap3A_421], %mul3A_419 {strides = array<i32>} : memref<64x768xf32, #tpu.memory_space<vmem>>, vector<16xf32>,
      %scan3A_423 = arith.constant 0 : i32
      %scan3A_424 = arith.constant 3 : i32
      %scan3A_425 = arith.addi %scan3A_387, %scan3A_424 : i32
      %add3A_426 = arith.constant 0 : i32
      %add3A_427 = arith.addi %add3A_426, %scan3A_425 : i32
      %mul3A_428 = arith.constant 6 : i32
      %mul3A_429 = arith.muli %add3A_427, %mul3A_428 : i32
      %get3A_430 = arith.index_cast %mul3A_429 : i32 to index
      %get3A_431 = tpu.vector_load %arg4[%get3A_430] {strides = array<i32>} : memref<6160xf32, #tpu.memory_space<vmem>>, vector<16xf32>,
      %mul3A_432 = arith.mulf %get3A_431, %convert_element_type3A_25 : vector<16xf32>
      %swap3A_433 = arith.index_cast %scan3A_425 : i32 to index
      %swap3A_434 = arith.constant 0 : index
      %swap3A_435 = tpu.vector_load %arg5[%swap3A_433, %swap3A_434] {strides = array<i32>} : memref<64x768xf32, #tpu.memory_space<vmem>>, vector<16xf32>,
      tpu.vector_store %arg5[%swap3A_433, %swap3A_434], %mul3A_432 {strides = array<i32>} : memref<64x768xf32, #tpu.memory_space<vmem>>, vector<16xf32>,
      %scan3A_436 = arith.constant 0 : i32
      scf.yield %scan3A_436 : i32
    }
    %scan3A_57 = arith.constant 64 : i32
    %add3A_58 = arith.constant 0 : i32
    %add3A_59 = arith.addi %sub3A_21, %add3A_58 : i32
    %dma_start3A_60 = arith.constant 0 : i32
    %dma_start3A_61 = tpu.memref_slice %arg3[%select_n3A, %add3A_59, %dma_start3A_60] : memref<4x8192x768xf32, #tpu.memory_space<hbm>> -> memref<1x64x768xf32, #tpu.memory_space<hbm>>
    %dma_start3A_62 = tpu.memref_squeeze %dma_start3A_61 : memref<1x64x768xf32, #tpu.memory_space<hbm>> -> memref<64x768xf32, #tpu.memory_space<hbm>>
    %dma_start3A_63 = arith.constant 0 : i32
    %dma_start3A_64 = tpu.memref_slice %arg3[%select_n3A, %add3A_59, %dma_start3A_63] : memref<4x8192x768xf32, #tpu.memory_space<hbm>> -> memref<1x64x768xf32, #tpu.memory_space<hbm>>
    %dma_start3A_65 = tpu.memref_squeeze %dma_start3A_64 : memref<1x64x768xf32, #tpu.memory_space<hbm>> -> memref<64x768xf32, #tpu.memory_space<hbm>>
    tpu.enqueue_dma source(%arg5 : memref<64x768xf32, #tpu.memory_space<vmem>>) target(%dma_start3A_65 : memref<64x768xf32, #tpu.memory_space<hbm>>) target_semaphore(%arg8 : memref<!tpu.dma_semaphore, #tpu.memory_space<semaphore_mem>>)
    %scan3A_66 = arith.constant 0 : i32
    %scan3A_67 = arith.constant 0 : i32
    %scan3A_68 = arith.constant 64 : i32
    %scan3A_69 = arith.addi %scan3A_67, %scan3A_68 : i32
    %scan3A_70 = arith.constant 4 : i32
    %scan3A_71 = scf.for %scan3A_387 = %scan3A_67 to %scan3A_69 step %scan3A_70 iter_args(%scan3A_388 = %scan3A_66) -> (i32)  : i32 {
      %add3A_389 = arith.constant 64 : i32
      %add3A_390 = arith.addi %add3A_389, %scan3A_387 : i32
      %mul3A_391 = arith.constant 6 : i32
      %mul3A_392 = arith.muli %add3A_390, %mul3A_391 : i32
      %get3A = arith.index_cast %mul3A_392 : i32 to index
      %get3A_393 = tpu.vector_load %arg4[%get3A] {strides = array<i32>} : memref<6160xf32, #tpu.memory_space<vmem>>, vector<16xf32>,
      %mul3A_394 = arith.mulf %get3A_393, %convert_element_type3A_25 : vector<16xf32>
      %swap3A = arith.index_cast %scan3A_387 : i32 to index
      %swap3A_395 = arith.constant 0 : index
      %swap3A_396 = tpu.vector_load %arg6[%swap3A, %swap3A_395] {strides = array<i32>} : memref<64x768xf32, #tpu.memory_space<vmem>>, vector<16xf32>,
      tpu.vector_store %arg6[%swap3A, %swap3A_395], %mul3A_394 {strides = array<i32>} : memref<64x768xf32, #tpu.memory_space<vmem>>, vector<16xf32>,
      %scan3A_397 = arith.constant 0 : i32
      %scan3A_398 = arith.constant 1 : i32
      %scan3A_399 = arith.addi %scan3A_387, %scan3A_398 : i32
      %add3A_400 = arith.constant 64 : i32
      %add3A_401 = arith.addi %add3A_400, %scan3A_399 : i32
      %mul3A_402 = arith.constant 6 : i32
      %mul3A_403 = arith.muli %add3A_401, %mul3A_402 : i32
      %get3A_404 = arith.index_cast %mul3A_403 : i32 to index
      %get3A_405 = tpu.vector_load %arg4[%get3A_404] {strides = array<i32>} : memref<6160xf32, #tpu.memory_space<vmem>>, vector<16xf32>,
      %mul3A_406 = arith.mulf %get3A_405, %convert_element_type3A_25 : vector<16xf32>
      %swap3A_407 = arith.index_cast %scan3A_399 : i32 to index
      %swap3A_408 = arith.constant 0 : index
      %swap3A_409 = tpu.vector_load %arg6[%swap3A_407, %swap3A_408] {strides = array<i32>} : memref<64x768xf32, #tpu.memory_space<vmem>>, vector<16xf32>,
      tpu.vector_store %arg6[%swap3A_407, %swap3A_408], %mul3A_406 {strides = array<i32>} : memref<64x768xf32, #tpu.memory_space<vmem>>, vector<16xf32>,
      %scan3A_410 = arith.constant 0 : i32
      %scan3A_411 = arith.constant 2 : i32
      %scan3A_412 = arith.addi %scan3A_387, %scan3A_411 : i32
      %add3A_413 = arith.constant 64 : i32
      %add3A_414 = arith.addi %add3A_413, %scan3A_412 : i32
      %mul3A_415 = arith.constant 6 : i32
      %mul3A_416 = arith.muli %add3A_414, %mul3A_415 : i32
      %get3A_417 = arith.index_cast %mul3A_416 : i32 to index
      %get3A_418 = tpu.vector_load %arg4[%get3A_417] {strides = array<i32>} : memref<6160xf32, #tpu.memory_space<vmem>>, vector<16xf32>,
      %mul3A_419 = arith.mulf %get3A_418, %convert_element_type3A_25 : vector<16xf32>
      %swap3A_420 = arith.index_cast %scan3A_412 : i32 to index
      %swap3A_421 = arith.constant 0 : index
      %swap3A_422 = tpu.vector_load %arg6[%swap3A_420, %swap3A_421] {strides = array<i32>} : memref<64x768xf32, #tpu.memory_space<vmem>>, vector<16xf32>,
      tpu.vector_store %arg6[%swap3A_420, %swap3A_421], %mul3A_419 {strides = array<i32>} : memref<64x768xf32, #tpu.memory_space<vmem>>, vector<16xf32>,
      %scan3A_423 = arith.constant 0 : i32
      %scan3A_424 = arith.constant 3 : i32
      %scan3A_425 = arith.addi %scan3A_387, %scan3A_424 : i32
      %add3A_426 = arith.constant 64 : i32
      %add3A_427 = arith.addi %add3A_426, %scan3A_425 : i32
      %mul3A_428 = arith.constant 6 : i32
      %mul3A_429 = arith.muli %add3A_427, %mul3A_428 : i32
      %get3A_430 = arith.index_cast %mul3A_429 : i32 to index
      %get3A_431 = tpu.vector_load %arg4[%get3A_430] {strides = array<i32>} : memref<6160xf32, #tpu.memory_space<vmem>>, vector<16xf32>,
      %mul3A_432 = arith.mulf %get3A_431, %convert_element_type3A_25 : vector<16xf32>
      %swap3A_433 = arith.index_cast %scan3A_425 : i32 to index
      %swap3A_434 = arith.constant 0 : index
      %swap3A_435 = tpu.vector_load %arg6[%swap3A_433, %swap3A_434] {strides = array<i32>} : memref<64x768xf32, #tpu.memory_space<vmem>>, vector<16xf32>,
      tpu.vector_store %arg6[%swap3A_433, %swap3A_434], %mul3A_432 {strides = array<i32>} : memref<64x768xf32, #tpu.memory_space<vmem>>, vector<16xf32>,
      %scan3A_436 = arith.constant 0 : i32
      scf.yield %scan3A_436 : i32
    }
    %scan3A_72 = arith.constant 64 : i32
    %add3A_73 = arith.constant 64 : i32
    %add3A_74 = arith.addi %sub3A_21, %add3A_73 : i32
    %dma_start3A_75 = arith.constant 0 : i32
    %dma_start3A_76 = tpu.memref_slice %arg3[%select_n3A, %add3A_74, %dma_start3A_75] : memref<4x8192x768xf32, #tpu.memory_space<hbm>> -> memref<1x64x768xf32, #tpu.memory_space<hbm>>
    %dma_start3A_77 = tpu.memref_squeeze %dma_start3A_76 : memref<1x64x768xf32, #tpu.memory_space<hbm>> -> memref<64x768xf32, #tpu.memory_space<hbm>>
    %dma_start3A_78 = arith.constant 0 : i32
    %dma_start3A_79 = tpu.memref_slice %arg3[%select_n3A, %add3A_74, %dma_start3A_78] : memref<4x8192x768xf32, #tpu.memory_space<hbm>> -> memref<1x64x768xf32, #tpu.memory_space<hbm>>
    %dma_start3A_80 = tpu.memref_squeeze %dma_start3A_79 : memref<1x64x768xf32, #tpu.memory_space<hbm>> -> memref<64x768xf32, #tpu.memory_space<hbm>>
    tpu.enqueue_dma source(%arg6 : memref<64x768xf32, #tpu.memory_space<vmem>>) target(%dma_start3A_80 : memref<64x768xf32, #tpu.memory_space<hbm>>) target_semaphore(%arg9 : memref<!tpu.dma_semaphore, #tpu.memory_space<semaphore_mem>>)
    %dma_wait3A_81 = arith.constant 0 : i32
    %dma_wait3A_82 = tpu.memref_slice %arg3[%select_n3A, %add3A_59, %dma_wait3A_81] : memref<4x8192x768xf32, #tpu.memory_space<hbm>> -> memref<1x64x768xf32, #tpu.memory_space<hbm>>
    %dma_wait3A_83 = tpu.memref_squeeze %dma_wait3A_82 : memref<1x64x768xf32, #tpu.memory_space<hbm>> -> memref<64x768xf32, #tpu.memory_space<hbm>>
    %dma_wait3A_84 = arith.constant 0 : i32
    %dma_wait3A_85 = tpu.memref_slice %arg3[%select_n3A, %add3A_59, %dma_wait3A_84] : memref<4x8192x768xf32, #tpu.memory_space<hbm>> -> memref<1x64x768xf32, #tpu.memory_space<hbm>>
    %dma_wait3A_86 = tpu.memref_squeeze %dma_wait3A_85 : memref<1x64x768xf32, #tpu.memory_space<hbm>> -> memref<64x768xf32, #tpu.memory_space<hbm>>
    tpu.wait_dma2 semaphore(%arg8 : memref<!tpu.dma_semaphore, #tpu.memory_space<semaphore_mem>>) src(%arg5 : memref<64x768xf32, #tpu.memory_space<vmem>>) dst(%dma_wait3A_86 : memref<64x768xf32, #tpu.memory_space<hbm>>)
    %scan3A_87 = arith.constant 0 : i32
    %scan3A_88 = arith.constant 0 : i32
    %scan3A_89 = arith.constant 64 : i32
    %scan3A_90 = arith.addi %scan3A_88, %scan3A_89 : i32
    %scan3A_91 = arith.constant 4 : i32
    %scan3A_92 = scf.for %scan3A_387 = %scan3A_88 to %scan3A_90 step %scan3A_91 iter_args(%scan3A_388 = %scan3A_87) -> (i32)  : i32 {
      %add3A_389 = arith.constant 128 : i32
      %add3A_390 = arith.addi %add3A_389, %scan3A_387 : i32
      %mul3A_391 = arith.constant 6 : i32
      %mul3A_392 = arith.muli %add3A_390, %mul3A_391 : i32
      %get3A = arith.index_cast %mul3A_392 : i32 to index
      %get3A_393 = tpu.vector_load %arg4[%get3A] {strides = array<i32>} : memref<6160xf32, #tpu.memory_space<vmem>>, vector<16xf32>,
      %mul3A_394 = arith.mulf %get3A_393, %convert_element_type3A_25 : vector<16xf32>
      %swap3A = arith.index_cast %scan3A_387 : i32 to index
      %swap3A_395 = arith.constant 0 : index
      %swap3A_396 = tpu.vector_load %arg5[%swap3A, %swap3A_395] {strides = array<i32>} : memref<64x768xf32, #tpu.memory_space<vmem>>, vector<16xf32>,
      tpu.vector_store %arg5[%swap3A, %swap3A_395], %mul3A_394 {strides = array<i32>} : memref<64x768xf32, #tpu.memory_space<vmem>>, vector<16xf32>,
      %scan3A_397 = arith.constant 0 : i32
      %scan3A_398 = arith.constant 1 : i32
      %scan3A_399 = arith.addi %scan3A_387, %scan3A_398 : i32
      %add3A_400 = arith.constant 128 : i32
      %add3A_401 = arith.addi %add3A_400, %scan3A_399 : i32
      %mul3A_402 = arith.constant 6 : i32
      %mul3A_403 = arith.muli %add3A_401, %mul3A_402 : i32
      %get3A_404 = arith.index_cast %mul3A_403 : i32 to index
      %get3A_405 = tpu.vector_load %arg4[%get3A_404] {strides = array<i32>} : memref<6160xf32, #tpu.memory_space<vmem>>, vector<16xf32>,
      %mul3A_406 = arith.mulf %get3A_405, %convert_element_type3A_25 : vector<16xf32>
      %swap3A_407 = arith.index_cast %scan3A_399 : i32 to index
      %swap3A_408 = arith.constant 0 : index
      %swap3A_409 = tpu.vector_load %arg5[%swap3A_407, %swap3A_408] {strides = array<i32>} : memref<64x768xf32, #tpu.memory_space<vmem>>, vector<16xf32>,
      tpu.vector_store %arg5[%swap3A_407, %swap3A_408], %mul3A_406 {strides = array<i32>} : memref<64x768xf32, #tpu.memory_space<vmem>>, vector<16xf32>,
      %scan3A_410 = arith.constant 0 : i32
      %scan3A_411 = arith.constant 2 : i32
      %scan3A_412 = arith.addi %scan3A_387, %scan3A_411 : i32
      %add3A_413 = arith.constant 128 : i32
      %add3A_414 = arith.addi %add3A_413, %scan3A_412 : i32
      %mul3A_415 = arith.constant 6 : i32
      %mul3A_416 = arith.muli %add3A_414, %mul3A_415 : i32
      %get3A_417 = arith.index_cast %mul3A_416 : i32 to index
      %get3A_418 = tpu.vector_load %arg4[%get3A_417] {strides = array<i32>} : memref<6160xf32, #tpu.memory_space<vmem>>, vector<16xf32>,
      %mul3A_419 = arith.mulf %get3A_418, %convert_element_type3A_25 : vector<16xf32>
      %swap3A_420 = arith.index_cast %scan3A_412 : i32 to index
      %swap3A_421 = arith.constant 0 : index
      %swap3A_422 = tpu.vector_load %arg5[%swap3A_420, %swap3A_421] {strides = array<i32>} : memref<64x768xf32, #tpu.memory_space<vmem>>, vector<16xf32>,
      tpu.vector_store %arg5[%swap3A_420, %swap3A_421], %mul3A_419 {strides = array<i32>} : memref<64x768xf32, #tpu.memory_space<vmem>>, vector<16xf32>,
      %scan3A_423 = arith.constant 0 : i32
      %scan3A_424 = arith.constant 3 : i32
      %scan3A_425 = arith.addi %scan3A_387, %scan3A_424 : i32
      %add3A_426 = arith.constant 128 : i32
      %add3A_427 = arith.addi %add3A_426, %scan3A_425 : i32
      %mul3A_428 = arith.constant 6 : i32
      %mul3A_429 = arith.muli %add3A_427, %mul3A_428 : i32
      %get3A_430 = arith.index_cast %mul3A_429 : i32 to index
      %get3A_431 = tpu.vector_load %arg4[%get3A_430] {strides = array<i32>} : memref<6160xf32, #tpu.memory_space<vmem>>, vector<16xf32>,
      %mul3A_432 = arith.mulf %get3A_431, %convert_element_type3A_25 : vector<16xf32>
      %swap3A_433 = arith.index_cast %scan3A_425 : i32 to index
      %swap3A_434 = arith.constant 0 : index
      %swap3A_435 = tpu.vector_load %arg5[%swap3A_433, %swap3A_434] {strides = array<i32>} : memref<64x768xf32, #tpu.memory_space<vmem>>, vector<16xf32>,
      tpu.vector_store %arg5[%swap3A_433, %swap3A_434], %mul3A_432 {strides = array<i32>} : memref<64x768xf32, #tpu.memory_space<vmem>>, vector<16xf32>,
      %scan3A_436 = arith.constant 0 : i32
      scf.yield %scan3A_436 : i32
    }
    %scan3A_93 = arith.constant 64 : i32
    %add3A_94 = arith.constant 128 : i32
    %add3A_95 = arith.addi %sub3A_21, %add3A_94 : i32
    %dma_start3A_96 = arith.constant 0 : i32
    %dma_start3A_97 = tpu.memref_slice %arg3[%select_n3A, %add3A_95, %dma_start3A_96] : memref<4x8192x768xf32, #tpu.memory_space<hbm>> -> memref<1x64x768xf32, #tpu.memory_space<hbm>>
    %dma_start3A_98 = tpu.memref_squeeze %dma_start3A_97 : memref<1x64x768xf32, #tpu.memory_space<hbm>> -> memref<64x768xf32, #tpu.memory_space<hbm>>
    %dma_start3A_99 = arith.constant 0 : i32
    %dma_start3A_100 = tpu.memref_slice %arg3[%select_n3A, %add3A_95, %dma_start3A_99] : memref<4x8192x768xf32, #tpu.memory_space<hbm>> -> memref<1x64x768xf32, #tpu.memory_space<hbm>>
    %dma_start3A_101 = tpu.memref_squeeze %dma_start3A_100 : memref<1x64x768xf32, #tpu.memory_space<hbm>> -> memref<64x768xf32, #tpu.memory_space<hbm>>
    tpu.enqueue_dma source(%arg5 : memref<64x768xf32, #tpu.memory_space<vmem>>) target(%dma_start3A_101 : memref<64x768xf32, #tpu.memory_space<hbm>>) target_semaphore(%arg8 : memref<!tpu.dma_semaphore, #tpu.memory_space<semaphore_mem>>)
    %dma_wait3A_102 = arith.constant 0 : i32
    %dma_wait3A_103 = tpu.memref_slice %arg3[%select_n3A, %add3A_74, %dma_wait3A_102] : memref<4x8192x768xf32, #tpu.memory_space<hbm>> -> memref<1x64x768xf32, #tpu.memory_space<hbm>>
    %dma_wait3A_104 = tpu.memref_squeeze %dma_wait3A_103 : memref<1x64x768xf32, #tpu.memory_space<hbm>> -> memref<64x768xf32, #tpu.memory_space<hbm>>
    %dma_wait3A_105 = arith.constant 0 : i32
    %dma_wait3A_106 = tpu.memref_slice %arg3[%select_n3A, %add3A_74, %dma_wait3A_105] : memref<4x8192x768xf32, #tpu.memory_space<hbm>> -> memref<1x64x768xf32, #tpu.memory_space<hbm>>
    %dma_wait3A_107 = tpu.memref_squeeze %dma_wait3A_106 : memref<1x64x768xf32, #tpu.memory_space<hbm>> -> memref<64x768xf32, #tpu.memory_space<hbm>>
    tpu.wait_dma2 semaphore(%arg9 : memref<!tpu.dma_semaphore, #tpu.memory_space<semaphore_mem>>) src(%arg6 : memref<64x768xf32, #tpu.memory_space<vmem>>) dst(%dma_wait3A_107 : memref<64x768xf32, #tpu.memory_space<hbm>>)
    %scan3A_108 = arith.constant 0 : i32
    %scan3A_109 = arith.constant 0 : i32
    %scan3A_110 = arith.constant 64 : i32
    %scan3A_111 = arith.addi %scan3A_109, %scan3A_110 : i32
    %scan3A_112 = arith.constant 4 : i32
    %scan3A_113 = scf.for %scan3A_387 = %scan3A_109 to %scan3A_111 step %scan3A_112 iter_args(%scan3A_388 = %scan3A_108) -> (i32)  : i32 {
      %add3A_389 = arith.constant 192 : i32
      %add3A_390 = arith.addi %add3A_389, %scan3A_387 : i32
      %mul3A_391 = arith.constant 6 : i32
      %mul3A_392 = arith.muli %add3A_390, %mul3A_391 : i32
      %get3A = arith.index_cast %mul3A_392 : i32 to index
      %get3A_393 = tpu.vector_load %arg4[%get3A] {strides = array<i32>} : memref<6160xf32, #tpu.memory_space<vmem>>, vector<16xf32>,
      %mul3A_394 = arith.mulf %get3A_393, %convert_element_type3A_25 : vector<16xf32>
      %swap3A = arith.index_cast %scan3A_387 : i32 to index
      %swap3A_395 = arith.constant 0 : index
      %swap3A_396 = tpu.vector_load %arg6[%swap3A, %swap3A_395] {strides = array<i32>} : memref<64x768xf32, #tpu.memory_space<vmem>>, vector<16xf32>,
      tpu.vector_store %arg6[%swap3A, %swap3A_395], %mul3A_394 {strides = array<i32>} : memref<64x768xf32, #tpu.memory_space<vmem>>, vector<16xf32>,
      %scan3A_397 = arith.constant 0 : i32
      %scan3A_398 = arith.constant 1 : i32
      %scan3A_399 = arith.addi %scan3A_387, %scan3A_398 : i32
      %add3A_400 = arith.constant 192 : i32
      %add3A_401 = arith.addi %add3A_400, %scan3A_399 : i32
      %mul3A_402 = arith.constant 6 : i32
      %mul3A_403 = arith.muli %add3A_401, %mul3A_402 : i32
      %get3A_404 = arith.index_cast %mul3A_403 : i32 to index
      %get3A_405 = tpu.vector_load %arg4[%get3A_404] {strides = array<i32>} : memref<6160xf32, #tpu.memory_space<vmem>>, vector<16xf32>,
      %mul3A_406 = arith.mulf %get3A_405, %convert_element_type3A_25 : vector<16xf32>
      %swap3A_407 = arith.index_cast %scan3A_399 : i32 to index
      %swap3A_408 = arith.constant 0 : index
      %swap3A_409 = tpu.vector_load %arg6[%swap3A_407, %swap3A_408] {strides = array<i32>} : memref<64x768xf32, #tpu.memory_space<vmem>>, vector<16xf32>,
      tpu.vector_store %arg6[%swap3A_407, %swap3A_408], %mul3A_406 {strides = array<i32>} : memref<64x768xf32, #tpu.memory_space<vmem>>, vector<16xf32>,
      %scan3A_410 = arith.constant 0 : i32
      %scan3A_411 = arith.constant 2 : i32
      %scan3A_412 = arith.addi %scan3A_387, %scan3A_411 : i32
      %add3A_413 = arith.constant 192 : i32
      %add3A_414 = arith.addi %add3A_413, %scan3A_412 : i32
      %mul3A_415 = arith.constant 6 : i32
      %mul3A_416 = arith.muli %add3A_414, %mul3A_415 : i32
      %get3A_417 = arith.index_cast %mul3A_416 : i32 to index
      %get3A_418 = tpu.vector_load %arg4[%get3A_417] {strides = array<i32>} : memref<6160xf32, #tpu.memory_space<vmem>>, vector<16xf32>,
      %mul3A_419 = arith.mulf %get3A_418, %convert_element_type3A_25 : vector<16xf32>
      %swap3A_420 = arith.index_cast %scan3A_412 : i32 to index
      %swap3A_421 = arith.constant 0 : index
      %swap3A_422 = tpu.vector_load %arg6[%swap3A_420, %swap3A_421] {strides = array<i32>} : memref<64x768xf32, #tpu.memory_space<vmem>>, vector<16xf32>,
      tpu.vector_store %arg6[%swap3A_420, %swap3A_421], %mul3A_419 {strides = array<i32>} : memref<64x768xf32, #tpu.memory_space<vmem>>, vector<16xf32>,
      %scan3A_423 = arith.constant 0 : i32
      %scan3A_424 = arith.constant 3 : i32
      %scan3A_425 = arith.addi %scan3A_387, %scan3A_424 : i32
      %add3A_426 = arith.constant 192 : i32
      %add3A_427 = arith.addi %add3A_426, %scan3A_425 : i32
      %mul3A_428 = arith.constant 6 : i32
      %mul3A_429 = arith.muli %add3A_427, %mul3A_428 : i32
      %get3A_430 = arith.index_cast %mul3A_429 : i32 to index
      %get3A_431 = tpu.vector_load %arg4[%get3A_430] {strides = array<i32>} : memref<6160xf32, #tpu.memory_space<vmem>>, vector<16xf32>,
      %mul3A_432 = arith.mulf %get3A_431, %convert_element_type3A_25 : vector<16xf32>
      %swap3A_433 = arith.index_cast %scan3A_425 : i32 to index
      %swap3A_434 = arith.constant 0 : index
      %swap3A_435 = tpu.vector_load %arg6[%swap3A_433, %swap3A_434] {strides = array<i32>} : memref<64x768xf32, #tpu.memory_space<vmem>>, vector<16xf32>,
      tpu.vector_store %arg6[%swap3A_433, %swap3A_434], %mul3A_432 {strides = array<i32>} : memref<64x768xf32, #tpu.memory_space<vmem>>, vector<16xf32>,
      %scan3A_436 = arith.constant 0 : i32
      scf.yield %scan3A_436 : i32
    }
    %scan3A_114 = arith.constant 64 : i32
    %add3A_115 = arith.constant 192 : i32
    %add3A_116 = arith.addi %sub3A_21, %add3A_115 : i32
    %dma_start3A_117 = arith.constant 0 : i32
    %dma_start3A_118 = tpu.memref_slice %arg3[%select_n3A, %add3A_116, %dma_start3A_117] : memref<4x8192x768xf32, #tpu.memory_space<hbm>> -> memref<1x64x768xf32, #tpu.memory_space<hbm>>
    %dma_start3A_119 = tpu.memref_squeeze %dma_start3A_118 : memref<1x64x768xf32, #tpu.memory_space<hbm>> -> memref<64x768xf32, #tpu.memory_space<hbm>>
    %dma_start3A_120 = arith.constant 0 : i32
    %dma_start3A_121 = tpu.memref_slice %arg3[%select_n3A, %add3A_116, %dma_start3A_120] : memref<4x8192x768xf32, #tpu.memory_space<hbm>> -> memref<1x64x768xf32, #tpu.memory_space<hbm>>
    %dma_start3A_122 = tpu.memref_squeeze %dma_start3A_121 : memref<1x64x768xf32, #tpu.memory_space<hbm>> -> memref<64x768xf32, #tpu.memory_space<hbm>>
    tpu.enqueue_dma source(%arg6 : memref<64x768xf32, #tpu.memory_space<vmem>>) target(%dma_start3A_122 : memref<64x768xf32, #tpu.memory_space<hbm>>) target_semaphore(%arg9 : memref<!tpu.dma_semaphore, #tpu.memory_space<semaphore_mem>>)
    %dma_wait3A_123 = arith.constant 0 : i32
    %dma_wait3A_124 = tpu.memref_slice %arg3[%select_n3A, %add3A_95, %dma_wait3A_123] : memref<4x8192x768xf32, #tpu.memory_space<hbm>> -> memref<1x64x768xf32, #tpu.memory_space<hbm>>
    %dma_wait3A_125 = tpu.memref_squeeze %dma_wait3A_124 : memref<1x64x768xf32, #tpu.memory_space<hbm>> -> memref<64x768xf32, #tpu.memory_space<hbm>>
    %dma_wait3A_126 = arith.constant 0 : i32
    %dma_wait3A_127 = tpu.memref_slice %arg3[%select_n3A, %add3A_95, %dma_wait3A_126] : memref<4x8192x768xf32, #tpu.memory_space<hbm>> -> memref<1x64x768xf32, #tpu.memory_space<hbm>>
    %dma_wait3A_128 = tpu.memref_squeeze %dma_wait3A_127 : memref<1x64x768xf32, #tpu.memory_space<hbm>> -> memref<64x768xf32, #tpu.memory_space<hbm>>
    tpu.wait_dma2 semaphore(%arg8 : memref<!tpu.dma_semaphore, #tpu.memory_space<semaphore_mem>>) src(%arg5 : memref<64x768xf32, #tpu.memory_space<vmem>>) dst(%dma_wait3A_128 : memref<64x768xf32, #tpu.memory_space<hbm>>)
    %scan3A_129 = arith.constant 0 : i32
    %scan3A_130 = arith.constant 0 : i32
    %scan3A_131 = arith.constant 64 : i32
    %scan3A_132 = arith.addi %scan3A_130, %scan3A_131 : i32
    %scan3A_133 = arith.constant 4 : i32
    %scan3A_134 = scf.for %scan3A_387 = %scan3A_130 to %scan3A_132 step %scan3A_133 iter_args(%scan3A_388 = %scan3A_129) -> (i32)  : i32 {
      %add3A_389 = arith.constant 256 : i32
      %add3A_390 = arith.addi %add3A_389, %scan3A_387 : i32
      %mul3A_391 = arith.constant 6 : i32
      %mul3A_392 = arith.muli %add3A_390, %mul3A_391 : i32
      %get3A = arith.index_cast %mul3A_392 : i32 to index
      %get3A_393 = tpu.vector_load %arg4[%get3A] {strides = array<i32>} : memref<6160xf32, #tpu.memory_space<vmem>>, vector<16xf32>,
      %mul3A_394 = arith.mulf %get3A_393, %convert_element_type3A_25 : vector<16xf32>
      %swap3A = arith.index_cast %scan3A_387 : i32 to index
      %swap3A_395 = arith.constant 0 : index
      %swap3A_396 = tpu.vector_load %arg5[%swap3A, %swap3A_395] {strides = array<i32>} : memref<64x768xf32, #tpu.memory_space<vmem>>, vector<16xf32>,
      tpu.vector_store %arg5[%swap3A, %swap3A_395], %mul3A_394 {strides = array<i32>} : memref<64x768xf32, #tpu.memory_space<vmem>>, vector<16xf32>,
      %scan3A_397 = arith.constant 0 : i32
      %scan3A_398 = arith.constant 1 : i32
      %scan3A_399 = arith.addi %scan3A_387, %scan3A_398 : i32
      %add3A_400 = arith.constant 256 : i32
      %add3A_401 = arith.addi %add3A_400, %scan3A_399 : i32
      %mul3A_402 = arith.constant 6 : i32
      %mul3A_403 = arith.muli %add3A_401, %mul3A_402 : i32
      %get3A_404 = arith.index_cast %mul3A_403 : i32 to index
      %get3A_405 = tpu.vector_load %arg4[%get3A_404] {strides = array<i32>} : memref<6160xf32, #tpu.memory_space<vmem>>, vector<16xf32>,
      %mul3A_406 = arith.mulf %get3A_405, %convert_element_type3A_25 : vector<16xf32>
      %swap3A_407 = arith.index_cast %scan3A_399 : i32 to index
      %swap3A_408 = arith.constant 0 : index
      %swap3A_409 = tpu.vector_load %arg5[%swap3A_407, %swap3A_408] {strides = array<i32>} : memref<64x768xf32, #tpu.memory_space<vmem>>, vector<16xf32>,
      tpu.vector_store %arg5[%swap3A_407, %swap3A_408], %mul3A_406 {strides = array<i32>} : memref<64x768xf32, #tpu.memory_space<vmem>>, vector<16xf32>,
      %scan3A_410 = arith.constant 0 : i32
      %scan3A_411 = arith.constant 2 : i32
      %scan3A_412 = arith.addi %scan3A_387, %scan3A_411 : i32
      %add3A_413 = arith.constant 256 : i32
      %add3A_414 = arith.addi %add3A_413, %scan3A_412 : i32
      %mul3A_415 = arith.constant 6 : i32
      %mul3A_416 = arith.muli %add3A_414, %mul3A_415 : i32
      %get3A_417 = arith.index_cast %mul3A_416 : i32 to index
      %get3A_418 = tpu.vector_load %arg4[%get3A_417] {strides = array<i32>} : memref<6160xf32, #tpu.memory_space<vmem>>, vector<16xf32>,
      %mul3A_419 = arith.mulf %get3A_418, %convert_element_type3A_25 : vector<16xf32>
      %swap3A_420 = arith.index_cast %scan3A_412 : i32 to index
      %swap3A_421 = arith.constant 0 : index
      %swap3A_422 = tpu.vector_load %arg5[%swap3A_420, %swap3A_421] {strides = array<i32>} : memref<64x768xf32, #tpu.memory_space<vmem>>, vector<16xf32>,
      tpu.vector_store %arg5[%swap3A_420, %swap3A_421], %mul3A_419 {strides = array<i32>} : memref<64x768xf32, #tpu.memory_space<vmem>>, vector<16xf32>,
      %scan3A_423 = arith.constant 0 : i32
      %scan3A_424 = arith.constant 3 : i32
      %scan3A_425 = arith.addi %scan3A_387, %scan3A_424 : i32
      %add3A_426 = arith.constant 256 : i32
      %add3A_427 = arith.addi %add3A_426, %scan3A_425 : i32
      %mul3A_428 = arith.constant 6 : i32
      %mul3A_429 = arith.muli %add3A_427, %mul3A_428 : i32
      %get3A_430 = arith.index_cast %mul3A_429 : i32 to index
      %get3A_431 = tpu.vector_load %arg4[%get3A_430] {strides = array<i32>} : memref<6160xf32, #tpu.memory_space<vmem>>, vector<16xf32>,
      %mul3A_432 = arith.mulf %get3A_431, %convert_element_type3A_25 : vector<16xf32>
      %swap3A_433 = arith.index_cast %scan3A_425 : i32 to index
      %swap3A_434 = arith.constant 0 : index
      %swap3A_435 = tpu.vector_load %arg5[%swap3A_433, %swap3A_434] {strides = array<i32>} : memref<64x768xf32, #tpu.memory_space<vmem>>, vector<16xf32>,
      tpu.vector_store %arg5[%swap3A_433, %swap3A_434], %mul3A_432 {strides = array<i32>} : memref<64x768xf32, #tpu.memory_space<vmem>>, vector<16xf32>,
      %scan3A_436 = arith.constant 0 : i32
      scf.yield %scan3A_436 : i32
    }
    %scan3A_135 = arith.constant 64 : i32
    %add3A_136 = arith.constant 256 : i32
    %add3A_137 = arith.addi %sub3A_21, %add3A_136 : i32
    %dma_start3A_138 = arith.constant 0 : i32
    %dma_start3A_139 = tpu.memref_slice %arg3[%select_n3A, %add3A_137, %dma_start3A_138] : memref<4x8192x768xf32, #tpu.memory_space<hbm>> -> memref<1x64x768xf32, #tpu.memory_space<hbm>>
    %dma_start3A_140 = tpu.memref_squeeze %dma_start3A_139 : memref<1x64x768xf32, #tpu.memory_space<hbm>> -> memref<64x768xf32, #tpu.memory_space<hbm>>
    %dma_start3A_141 = arith.constant 0 : i32
    %dma_start3A_142 = tpu.memref_slice %arg3[%select_n3A, %add3A_137, %dma_start3A_141] : memref<4x8192x768xf32, #tpu.memory_space<hbm>> -> memref<1x64x768xf32, #tpu.memory_space<hbm>>
    %dma_start3A_143 = tpu.memref_squeeze %dma_start3A_142 : memref<1x64x768xf32, #tpu.memory_space<hbm>> -> memref<64x768xf32, #tpu.memory_space<hbm>>
    tpu.enqueue_dma source(%arg5 : memref<64x768xf32, #tpu.memory_space<vmem>>) target(%dma_start3A_143 : memref<64x768xf32, #tpu.memory_space<hbm>>) target_semaphore(%arg8 : memref<!tpu.dma_semaphore, #tpu.memory_space<semaphore_mem>>)
    %dma_wait3A_144 = arith.constant 0 : i32
    %dma_wait3A_145 = tpu.memref_slice %arg3[%select_n3A, %add3A_116, %dma_wait3A_144] : memref<4x8192x768xf32, #tpu.memory_space<hbm>> -> memref<1x64x768xf32, #tpu.memory_space<hbm>>
    %dma_wait3A_146 = tpu.memref_squeeze %dma_wait3A_145 : memref<1x64x768xf32, #tpu.memory_space<hbm>> -> memref<64x768xf32, #tpu.memory_space<hbm>>
    %dma_wait3A_147 = arith.constant 0 : i32
    %dma_wait3A_148 = tpu.memref_slice %arg3[%select_n3A, %add3A_116, %dma_wait3A_147] : memref<4x8192x768xf32, #tpu.memory_space<hbm>> -> memref<1x64x768xf32, #tpu.memory_space<hbm>>
    %dma_wait3A_149 = tpu.memref_squeeze %dma_wait3A_148 : memref<1x64x768xf32, #tpu.memory_space<hbm>> -> memref<64x768xf32, #tpu.memory_space<hbm>>
    tpu.wait_dma2 semaphore(%arg9 : memref<!tpu.dma_semaphore, #tpu.memory_space<semaphore_mem>>) src(%arg6 : memref<64x768xf32, #tpu.memory_space<vmem>>) dst(%dma_wait3A_149 : memref<64x768xf32, #tpu.memory_space<hbm>>)
    %scan3A_150 = arith.constant 0 : i32
    %scan3A_151 = arith.constant 0 : i32
    %scan3A_152 = arith.constant 64 : i32
    %scan3A_153 = arith.addi %scan3A_151, %scan3A_152 : i32
    %scan3A_154 = arith.constant 4 : i32
    %scan3A_155 = scf.for %scan3A_387 = %scan3A_151 to %scan3A_153 step %scan3A_154 iter_args(%scan3A_388 = %scan3A_150) -> (i32)  : i32 {
      %add3A_389 = arith.constant 320 : i32
      %add3A_390 = arith.addi %add3A_389, %scan3A_387 : i32
      %mul3A_391 = arith.constant 6 : i32
      %mul3A_392 = arith.muli %add3A_390, %mul3A_391 : i32
      %get3A = arith.index_cast %mul3A_392 : i32 to index
      %get3A_393 = tpu.vector_load %arg4[%get3A] {strides = array<i32>} : memref<6160xf32, #tpu.memory_space<vmem>>, vector<16xf32>,
      %mul3A_394 = arith.mulf %get3A_393, %convert_element_type3A_25 : vector<16xf32>
      %swap3A = arith.index_cast %scan3A_387 : i32 to index
      %swap3A_395 = arith.constant 0 : index
      %swap3A_396 = tpu.vector_load %arg6[%swap3A, %swap3A_395] {strides = array<i32>} : memref<64x768xf32, #tpu.memory_space<vmem>>, vector<16xf32>,
      tpu.vector_store %arg6[%swap3A, %swap3A_395], %mul3A_394 {strides = array<i32>} : memref<64x768xf32, #tpu.memory_space<vmem>>, vector<16xf32>,
      %scan3A_397 = arith.constant 0 : i32
      %scan3A_398 = arith.constant 1 : i32
      %scan3A_399 = arith.addi %scan3A_387, %scan3A_398 : i32
      %add3A_400 = arith.constant 320 : i32
      %add3A_401 = arith.addi %add3A_400, %scan3A_399 : i32
      %mul3A_402 = arith.constant 6 : i32
      %mul3A_403 = arith.muli %add3A_401, %mul3A_402 : i32
      %get3A_404 = arith.index_cast %mul3A_403 : i32 to index
      %get3A_405 = tpu.vector_load %arg4[%get3A_404] {strides = array<i32>} : memref<6160xf32, #tpu.memory_space<vmem>>, vector<16xf32>,
      %mul3A_406 = arith.mulf %get3A_405, %convert_element_type3A_25 : vector<16xf32>
      %swap3A_407 = arith.index_cast %scan3A_399 : i32 to index
      %swap3A_408 = arith.constant 0 : index
      %swap3A_409 = tpu.vector_load %arg6[%swap3A_407, %swap3A_408] {strides = array<i32>} : memref<64x768xf32, #tpu.memory_space<vmem>>, vector<16xf32>,
      tpu.vector_store %arg6[%swap3A_407, %swap3A_408], %mul3A_406 {strides = array<i32>} : memref<64x768xf32, #tpu.memory_space<vmem>>, vector<16xf32>,
      %scan3A_410 = arith.constant 0 : i32
      %scan3A_411 = arith.constant 2 : i32
      %scan3A_412 = arith.addi %scan3A_387, %scan3A_411 : i32
      %add3A_413 = arith.constant 320 : i32
      %add3A_414 = arith.addi %add3A_413, %scan3A_412 : i32
      %mul3A_415 = arith.constant 6 : i32
      %mul3A_416 = arith.muli %add3A_414, %mul3A_415 : i32
      %get3A_417 = arith.index_cast %mul3A_416 : i32 to index
      %get3A_418 = tpu.vector_load %arg4[%get3A_417] {strides = array<i32>} : memref<6160xf32, #tpu.memory_space<vmem>>, vector<16xf32>,
      %mul3A_419 = arith.mulf %get3A_418, %convert_element_type3A_25 : vector<16xf32>
      %swap3A_420 = arith.index_cast %scan3A_412 : i32 to index
      %swap3A_421 = arith.constant 0 : index
      %swap3A_422 = tpu.vector_load %arg6[%swap3A_420, %swap3A_421] {strides = array<i32>} : memref<64x768xf32, #tpu.memory_space<vmem>>, vector<16xf32>,
      tpu.vector_store %arg6[%swap3A_420, %swap3A_421], %mul3A_419 {strides = array<i32>} : memref<64x768xf32, #tpu.memory_space<vmem>>, vector<16xf32>,
      %scan3A_423 = arith.constant 0 : i32
      %scan3A_424 = arith.constant 3 : i32
      %scan3A_425 = arith.addi %scan3A_387, %scan3A_424 : i32
      %add3A_426 = arith.constant 320 : i32
      %add3A_427 = arith.addi %add3A_426, %scan3A_425 : i32
      %mul3A_428 = arith.constant 6 : i32
      %mul3A_429 = arith.muli %add3A_427, %mul3A_428 : i32
      %get3A_430 = arith.index_cast %mul3A_429 : i32 to index
      %get3A_431 = tpu.vector_load %arg4[%get3A_430] {strides = array<i32>} : memref<6160xf32, #tpu.memory_space<vmem>>, vector<16xf32>,
      %mul3A_432 = arith.mulf %get3A_431, %convert_element_type3A_25 : vector<16xf32>
      %swap3A_433 = arith.index_cast %scan3A_425 : i32 to index
      %swap3A_434 = arith.constant 0 : index
      %swap3A_435 = tpu.vector_load %arg6[%swap3A_433, %swap3A_434] {strides = array<i32>} : memref<64x768xf32, #tpu.memory_space<vmem>>, vector<16xf32>,
      tpu.vector_store %arg6[%swap3A_433, %swap3A_434], %mul3A_432 {strides = array<i32>} : memref<64x768xf32, #tpu.memory_space<vmem>>, vector<16xf32>,
      %scan3A_436 = arith.constant 0 : i32
      scf.yield %scan3A_436 : i32
    }
    %scan3A_156 = arith.constant 64 : i32
    %add3A_157 = arith.constant 320 : i32
    %add3A_158 = arith.addi %sub3A_21, %add3A_157 : i32
    %dma_start3A_159 = arith.constant 0 : i32
    %dma_start3A_160 = tpu.memref_slice %arg3[%select_n3A, %add3A_158, %dma_start3A_159] : memref<4x8192x768xf32, #tpu.memory_space<hbm>> -> memref<1x64x768xf32, #tpu.memory_space<hbm>>
    %dma_start3A_161 = tpu.memref_squeeze %dma_start3A_160 : memref<1x64x768xf32, #tpu.memory_space<hbm>> -> memref<64x768xf32, #tpu.memory_space<hbm>>
    %dma_start3A_162 = arith.constant 0 : i32
    %dma_start3A_163 = tpu.memref_slice %arg3[%select_n3A, %add3A_158, %dma_start3A_162] : memref<4x8192x768xf32, #tpu.memory_space<hbm>> -> memref<1x64x768xf32, #tpu.memory_space<hbm>>
    %dma_start3A_164 = tpu.memref_squeeze %dma_start3A_163 : memref<1x64x768xf32, #tpu.memory_space<hbm>> -> memref<64x768xf32, #tpu.memory_space<hbm>>
    tpu.enqueue_dma source(%arg6 : memref<64x768xf32, #tpu.memory_space<vmem>>) target(%dma_start3A_164 : memref<64x768xf32, #tpu.memory_space<hbm>>) target_semaphore(%arg9 : memref<!tpu.dma_semaphore, #tpu.memory_space<semaphore_mem>>)
    %dma_wait3A_165 = arith.constant 0 : i32
    %dma_wait3A_166 = tpu.memref_slice %arg3[%select_n3A, %add3A_137, %dma_wait3A_165] : memref<4x8192x768xf32, #tpu.memory_space<hbm>> -> memref<1x64x768xf32, #tpu.memory_space<hbm>>
    %dma_wait3A_167 = tpu.memref_squeeze %dma_wait3A_166 : memref<1x64x768xf32, #tpu.memory_space<hbm>> -> memref<64x768xf32, #tpu.memory_space<hbm>>
    %dma_wait3A_168 = arith.constant 0 : i32
    %dma_wait3A_169 = tpu.memref_slice %arg3[%select_n3A, %add3A_137, %dma_wait3A_168] : memref<4x8192x768xf32, #tpu.memory_space<hbm>> -> memref<1x64x768xf32, #tpu.memory_space<hbm>>
    %dma_wait3A_170 = tpu.memref_squeeze %dma_wait3A_169 : memref<1x64x768xf32, #tpu.memory_space<hbm>> -> memref<64x768xf32, #tpu.memory_space<hbm>>
    tpu.wait_dma2 semaphore(%arg8 : memref<!tpu.dma_semaphore, #tpu.memory_space<semaphore_mem>>) src(%arg5 : memref<64x768xf32, #tpu.memory_space<vmem>>) dst(%dma_wait3A_170 : memref<64x768xf32, #tpu.memory_space<hbm>>)
    %scan3A_171 = arith.constant 0 : i32
    %scan3A_172 = arith.constant 0 : i32
    %scan3A_173 = arith.constant 64 : i32
    %scan3A_174 = arith.addi %scan3A_172, %scan3A_173 : i32
    %scan3A_175 = arith.constant 4 : i32
    %scan3A_176 = scf.for %scan3A_387 = %scan3A_172 to %scan3A_174 step %scan3A_175 iter_args(%scan3A_388 = %scan3A_171) -> (i32)  : i32 {
      %add3A_389 = arith.constant 384 : i32
      %add3A_390 = arith.addi %add3A_389, %scan3A_387 : i32
      %mul3A_391 = arith.constant 6 : i32
      %mul3A_392 = arith.muli %add3A_390, %mul3A_391 : i32
      %get3A = arith.index_cast %mul3A_392 : i32 to index
      %get3A_393 = tpu.vector_load %arg4[%get3A] {strides = array<i32>} : memref<6160xf32, #tpu.memory_space<vmem>>, vector<16xf32>,
      %mul3A_394 = arith.mulf %get3A_393, %convert_element_type3A_25 : vector<16xf32>
      %swap3A = arith.index_cast %scan3A_387 : i32 to index
      %swap3A_395 = arith.constant 0 : index
      %swap3A_396 = tpu.vector_load %arg5[%swap3A, %swap3A_395] {strides = array<i32>} : memref<64x768xf32, #tpu.memory_space<vmem>>, vector<16xf32>,
      tpu.vector_store %arg5[%swap3A, %swap3A_395], %mul3A_394 {strides = array<i32>} : memref<64x768xf32, #tpu.memory_space<vmem>>, vector<16xf32>,
      %scan3A_397 = arith.constant 0 : i32
      %scan3A_398 = arith.constant 1 : i32
      %scan3A_399 = arith.addi %scan3A_387, %scan3A_398 : i32
      %add3A_400 = arith.constant 384 : i32
      %add3A_401 = arith.addi %add3A_400, %scan3A_399 : i32
      %mul3A_402 = arith.constant 6 : i32
      %mul3A_403 = arith.muli %add3A_401, %mul3A_402 : i32
      %get3A_404 = arith.index_cast %mul3A_403 : i32 to index
      %get3A_405 = tpu.vector_load %arg4[%get3A_404] {strides = array<i32>} : memref<6160xf32, #tpu.memory_space<vmem>>, vector<16xf32>,
      %mul3A_406 = arith.mulf %get3A_405, %convert_element_type3A_25 : vector<16xf32>
      %swap3A_407 = arith.index_cast %scan3A_399 : i32 to index
      %swap3A_408 = arith.constant 0 : index
      %swap3A_409 = tpu.vector_load %arg5[%swap3A_407, %swap3A_408] {strides = array<i32>} : memref<64x768xf32, #tpu.memory_space<vmem>>, vector<16xf32>,
      tpu.vector_store %arg5[%swap3A_407, %swap3A_408], %mul3A_406 {strides = array<i32>} : memref<64x768xf32, #tpu.memory_space<vmem>>, vector<16xf32>,
      %scan3A_410 = arith.constant 0 : i32
      %scan3A_411 = arith.constant 2 : i32
      %scan3A_412 = arith.addi %scan3A_387, %scan3A_411 : i32
      %add3A_413 = arith.constant 384 : i32
      %add3A_414 = arith.addi %add3A_413, %scan3A_412 : i32
      %mul3A_415 = arith.constant 6 : i32
      %mul3A_416 = arith.muli %add3A_414, %mul3A_415 : i32
      %get3A_417 = arith.index_cast %mul3A_416 : i32 to index
      %get3A_418 = tpu.vector_load %arg4[%get3A_417] {strides = array<i32>} : memref<6160xf32, #tpu.memory_space<vmem>>, vector<16xf32>,
      %mul3A_419 = arith.mulf %get3A_418, %convert_element_type3A_25 : vector<16xf32>
      %swap3A_420 = arith.index_cast %scan3A_412 : i32 to index
      %swap3A_421 = arith.constant 0 : index
      %swap3A_422 = tpu.vector_load %arg5[%swap3A_420, %swap3A_421] {strides = array<i32>} : memref<64x768xf32, #tpu.memory_space<vmem>>, vector<16xf32>,
      tpu.vector_store %arg5[%swap3A_420, %swap3A_421], %mul3A_419 {strides = array<i32>} : memref<64x768xf32, #tpu.memory_space<vmem>>, vector<16xf32>,
      %scan3A_423 = arith.constant 0 : i32
      %scan3A_424 = arith.constant 3 : i32
      %scan3A_425 = arith.addi %scan3A_387, %scan3A_424 : i32
      %add3A_426 = arith.constant 384 : i32
      %add3A_427 = arith.addi %add3A_426, %scan3A_425 : i32
      %mul3A_428 = arith.constant 6 : i32
      %mul3A_429 = arith.muli %add3A_427, %mul3A_428 : i32
      %get3A_430 = arith.index_cast %mul3A_429 : i32 to index
      %get3A_431 = tpu.vector_load %arg4[%get3A_430] {strides = array<i32>} : memref<6160xf32, #tpu.memory_space<vmem>>, vector<16xf32>,
      %mul3A_432 = arith.mulf %get3A_431, %convert_element_type3A_25 : vector<16xf32>
      %swap3A_433 = arith.index_cast %scan3A_425 : i32 to index
      %swap3A_434 = arith.constant 0 : index
      %swap3A_435 = tpu.vector_load %arg5[%swap3A_433, %swap3A_434] {strides = array<i32>} : memref<64x768xf32, #tpu.memory_space<vmem>>, vector<16xf32>,
      tpu.vector_store %arg5[%swap3A_433, %swap3A_434], %mul3A_432 {strides = array<i32>} : memref<64x768xf32, #tpu.memory_space<vmem>>, vector<16xf32>,
      %scan3A_436 = arith.constant 0 : i32
      scf.yield %scan3A_436 : i32
    }
    %scan3A_177 = arith.constant 64 : i32
    %add3A_178 = arith.constant 384 : i32
    %add3A_179 = arith.addi %sub3A_21, %add3A_178 : i32
    %dma_start3A_180 = arith.constant 0 : i32
    %dma_start3A_181 = tpu.memref_slice %arg3[%select_n3A, %add3A_179, %dma_start3A_180] : memref<4x8192x768xf32, #tpu.memory_space<hbm>> -> memref<1x64x768xf32, #tpu.memory_space<hbm>>
    %dma_start3A_182 = tpu.memref_squeeze %dma_start3A_181 : memref<1x64x768xf32, #tpu.memory_space<hbm>> -> memref<64x768xf32, #tpu.memory_space<hbm>>
    %dma_start3A_183 = arith.constant 0 : i32
    %dma_start3A_184 = tpu.memref_slice %arg3[%select_n3A, %add3A_179, %dma_start3A_183] : memref<4x8192x768xf32, #tpu.memory_space<hbm>> -> memref<1x64x768xf32, #tpu.memory_space<hbm>>
    %dma_start3A_185 = tpu.memref_squeeze %dma_start3A_184 : memref<1x64x768xf32, #tpu.memory_space<hbm>> -> memref<64x768xf32, #tpu.memory_space<hbm>>
    tpu.enqueue_dma source(%arg5 : memref<64x768xf32, #tpu.memory_space<vmem>>) target(%dma_start3A_185 : memref<64x768xf32, #tpu.memory_space<hbm>>) target_semaphore(%arg8 : memref<!tpu.dma_semaphore, #tpu.memory_space<semaphore_mem>>)
    %dma_wait3A_186 = arith.constant 0 : i32
    %dma_wait3A_187 = tpu.memref_slice %arg3[%select_n3A, %add3A_158, %dma_wait3A_186] : memref<4x8192x768xf32, #tpu.memory_space<hbm>> -> memref<1x64x768xf32, #tpu.memory_space<hbm>>
    %dma_wait3A_188 = tpu.memref_squeeze %dma_wait3A_187 : memref<1x64x768xf32, #tpu.memory_space<hbm>> -> memref<64x768xf32, #tpu.memory_space<hbm>>
    %dma_wait3A_189 = arith.constant 0 : i32
    %dma_wait3A_190 = tpu.memref_slice %arg3[%select_n3A, %add3A_158, %dma_wait3A_189] : memref<4x8192x768xf32, #tpu.memory_space<hbm>> -> memref<1x64x768xf32, #tpu.memory_space<hbm>>
    %dma_wait3A_191 = tpu.memref_squeeze %dma_wait3A_190 : memref<1x64x768xf32, #tpu.memory_space<hbm>> -> memref<64x768xf32, #tpu.memory_space<hbm>>
    tpu.wait_dma2 semaphore(%arg9 : memref<!tpu.dma_semaphore, #tpu.memory_space<semaphore_mem>>) src(%arg6 : memref<64x768xf32, #tpu.memory_space<vmem>>) dst(%dma_wait3A_191 : memref<64x768xf32, #tpu.memory_space<hbm>>)
    %scan3A_192 = arith.constant 0 : i32
    %scan3A_193 = arith.constant 0 : i32
    %scan3A_194 = arith.constant 64 : i32
    %scan3A_195 = arith.addi %scan3A_193, %scan3A_194 : i32
    %scan3A_196 = arith.constant 4 : i32
    %scan3A_197 = scf.for %scan3A_387 = %scan3A_193 to %scan3A_195 step %scan3A_196 iter_args(%scan3A_388 = %scan3A_192) -> (i32)  : i32 {
      %add3A_389 = arith.constant 448 : i32
      %add3A_390 = arith.addi %add3A_389, %scan3A_387 : i32
      %mul3A_391 = arith.constant 6 : i32
      %mul3A_392 = arith.muli %add3A_390, %mul3A_391 : i32
      %get3A = arith.index_cast %mul3A_392 : i32 to index
      %get3A_393 = tpu.vector_load %arg4[%get3A] {strides = array<i32>} : memref<6160xf32, #tpu.memory_space<vmem>>, vector<16xf32>,
      %mul3A_394 = arith.mulf %get3A_393, %convert_element_type3A_25 : vector<16xf32>
      %swap3A = arith.index_cast %scan3A_387 : i32 to index
      %swap3A_395 = arith.constant 0 : index
      %swap3A_396 = tpu.vector_load %arg6[%swap3A, %swap3A_395] {strides = array<i32>} : memref<64x768xf32, #tpu.memory_space<vmem>>, vector<16xf32>,
      tpu.vector_store %arg6[%swap3A, %swap3A_395], %mul3A_394 {strides = array<i32>} : memref<64x768xf32, #tpu.memory_space<vmem>>, vector<16xf32>,
      %scan3A_397 = arith.constant 0 : i32
      %scan3A_398 = arith.constant 1 : i32
      %scan3A_399 = arith.addi %scan3A_387, %scan3A_398 : i32
      %add3A_400 = arith.constant 448 : i32
      %add3A_401 = arith.addi %add3A_400, %scan3A_399 : i32
      %mul3A_402 = arith.constant 6 : i32
      %mul3A_403 = arith.muli %add3A_401, %mul3A_402 : i32
      %get3A_404 = arith.index_cast %mul3A_403 : i32 to index
      %get3A_405 = tpu.vector_load %arg4[%get3A_404] {strides = array<i32>} : memref<6160xf32, #tpu.memory_space<vmem>>, vector<16xf32>,
      %mul3A_406 = arith.mulf %get3A_405, %convert_element_type3A_25 : vector<16xf32>
      %swap3A_407 = arith.index_cast %scan3A_399 : i32 to index
      %swap3A_408 = arith.constant 0 : index
      %swap3A_409 = tpu.vector_load %arg6[%swap3A_407, %swap3A_408] {strides = array<i32>} : memref<64x768xf32, #tpu.memory_space<vmem>>, vector<16xf32>,
      tpu.vector_store %arg6[%swap3A_407, %swap3A_408], %mul3A_406 {strides = array<i32>} : memref<64x768xf32, #tpu.memory_space<vmem>>, vector<16xf32>,
      %scan3A_410 = arith.constant 0 : i32
      %scan3A_411 = arith.constant 2 : i32
      %scan3A_412 = arith.addi %scan3A_387, %scan3A_411 : i32
      %add3A_413 = arith.constant 448 : i32
      %add3A_414 = arith.addi %add3A_413, %scan3A_412 : i32
      %mul3A_415 = arith.constant 6 : i32
      %mul3A_416 = arith.muli %add3A_414, %mul3A_415 : i32
      %get3A_417 = arith.index_cast %mul3A_416 : i32 to index
      %get3A_418 = tpu.vector_load %arg4[%get3A_417] {strides = array<i32>} : memref<6160xf32, #tpu.memory_space<vmem>>, vector<16xf32>,
      %mul3A_419 = arith.mulf %get3A_418, %convert_element_type3A_25 : vector<16xf32>
      %swap3A_420 = arith.index_cast %scan3A_412 : i32 to index
      %swap3A_421 = arith.constant 0 : index
      %swap3A_422 = tpu.vector_load %arg6[%swap3A_420, %swap3A_421] {strides = array<i32>} : memref<64x768xf32, #tpu.memory_space<vmem>>, vector<16xf32>,
      tpu.vector_store %arg6[%swap3A_420, %swap3A_421], %mul3A_419 {strides = array<i32>} : memref<64x768xf32, #tpu.memory_space<vmem>>, vector<16xf32>,
      %scan3A_423 = arith.constant 0 : i32
      %scan3A_424 = arith.constant 3 : i32
      %scan3A_425 = arith.addi %scan3A_387, %scan3A_424 : i32
      %add3A_426 = arith.constant 448 : i32
      %add3A_427 = arith.addi %add3A_426, %scan3A_425 : i32
      %mul3A_428 = arith.constant 6 : i32
      %mul3A_429 = arith.muli %add3A_427, %mul3A_428 : i32
      %get3A_430 = arith.index_cast %mul3A_429 : i32 to index
      %get3A_431 = tpu.vector_load %arg4[%get3A_430] {strides = array<i32>} : memref<6160xf32, #tpu.memory_space<vmem>>, vector<16xf32>,
      %mul3A_432 = arith.mulf %get3A_431, %convert_element_type3A_25 : vector<16xf32>
      %swap3A_433 = arith.index_cast %scan3A_425 : i32 to index
      %swap3A_434 = arith.constant 0 : index
      %swap3A_435 = tpu.vector_load %arg6[%swap3A_433, %swap3A_434] {strides = array<i32>} : memref<64x768xf32, #tpu.memory_space<vmem>>, vector<16xf32>,
      tpu.vector_store %arg6[%swap3A_433, %swap3A_434], %mul3A_432 {strides = array<i32>} : memref<64x768xf32, #tpu.memory_space<vmem>>, vector<16xf32>,
      %scan3A_436 = arith.constant 0 : i32
      scf.yield %scan3A_436 : i32
    }
    %scan3A_198 = arith.constant 64 : i32
    %add3A_199 = arith.constant 448 : i32
    %add3A_200 = arith.addi %sub3A_21, %add3A_199 : i32
    %dma_start3A_201 = arith.constant 0 : i32
    %dma_start3A_202 = tpu.memref_slice %arg3[%select_n3A, %add3A_200, %dma_start3A_201] : memref<4x8192x768xf32, #tpu.memory_space<hbm>> -> memref<1x64x768xf32, #tpu.memory_space<hbm>>
    %dma_start3A_203 = tpu.memref_squeeze %dma_start3A_202 : memref<1x64x768xf32, #tpu.memory_space<hbm>> -> memref<64x768xf32, #tpu.memory_space<hbm>>
    %dma_start3A_204 = arith.constant 0 : i32
    %dma_start3A_205 = tpu.memref_slice %arg3[%select_n3A, %add3A_200, %dma_start3A_204] : memref<4x8192x768xf32, #tpu.memory_space<hbm>> -> memref<1x64x768xf32, #tpu.memory_space<hbm>>
    %dma_start3A_206 = tpu.memref_squeeze %dma_start3A_205 : memref<1x64x768xf32, #tpu.memory_space<hbm>> -> memref<64x768xf32, #tpu.memory_space<hbm>>
    tpu.enqueue_dma source(%arg6 : memref<64x768xf32, #tpu.memory_space<vmem>>) target(%dma_start3A_206 : memref<64x768xf32, #tpu.memory_space<hbm>>) target_semaphore(%arg9 : memref<!tpu.dma_semaphore, #tpu.memory_space<semaphore_mem>>)
    %dma_wait3A_207 = arith.constant 0 : i32
    %dma_wait3A_208 = tpu.memref_slice %arg3[%select_n3A, %add3A_179, %dma_wait3A_207] : memref<4x8192x768xf32, #tpu.memory_space<hbm>> -> memref<1x64x768xf32, #tpu.memory_space<hbm>>
    %dma_wait3A_209 = tpu.memref_squeeze %dma_wait3A_208 : memref<1x64x768xf32, #tpu.memory_space<hbm>> -> memref<64x768xf32, #tpu.memory_space<hbm>>
    %dma_wait3A_210 = arith.constant 0 : i32
    %dma_wait3A_211 = tpu.memref_slice %arg3[%select_n3A, %add3A_179, %dma_wait3A_210] : memref<4x8192x768xf32, #tpu.memory_space<hbm>> -> memref<1x64x768xf32, #tpu.memory_space<hbm>>
    %dma_wait3A_212 = tpu.memref_squeeze %dma_wait3A_211 : memref<1x64x768xf32, #tpu.memory_space<hbm>> -> memref<64x768xf32, #tpu.memory_space<hbm>>
    tpu.wait_dma2 semaphore(%arg8 : memref<!tpu.dma_semaphore, #tpu.memory_space<semaphore_mem>>) src(%arg5 : memref<64x768xf32, #tpu.memory_space<vmem>>) dst(%dma_wait3A_212 : memref<64x768xf32, #tpu.memory_space<hbm>>)
    %scan3A_213 = arith.constant 0 : i32
    %scan3A_214 = arith.constant 0 : i32
    %scan3A_215 = arith.constant 64 : i32
    %scan3A_216 = arith.addi %scan3A_214, %scan3A_215 : i32
    %scan3A_217 = arith.constant 4 : i32
    %scan3A_218 = scf.for %scan3A_387 = %scan3A_214 to %scan3A_216 step %scan3A_217 iter_args(%scan3A_388 = %scan3A_213) -> (i32)  : i32 {
      %add3A_389 = arith.constant 512 : i32
      %add3A_390 = arith.addi %add3A_389, %scan3A_387 : i32
      %mul3A_391 = arith.constant 6 : i32
      %mul3A_392 = arith.muli %add3A_390, %mul3A_391 : i32
      %get3A = arith.index_cast %mul3A_392 : i32 to index
      %get3A_393 = tpu.vector_load %arg4[%get3A] {strides = array<i32>} : memref<6160xf32, #tpu.memory_space<vmem>>, vector<16xf32>,
      %mul3A_394 = arith.mulf %get3A_393, %convert_element_type3A_25 : vector<16xf32>
      %swap3A = arith.index_cast %scan3A_387 : i32 to index
      %swap3A_395 = arith.constant 0 : index
      %swap3A_396 = tpu.vector_load %arg5[%swap3A, %swap3A_395] {strides = array<i32>} : memref<64x768xf32, #tpu.memory_space<vmem>>, vector<16xf32>,
      tpu.vector_store %arg5[%swap3A, %swap3A_395], %mul3A_394 {strides = array<i32>} : memref<64x768xf32, #tpu.memory_space<vmem>>, vector<16xf32>,
      %scan3A_397 = arith.constant 0 : i32
      %scan3A_398 = arith.constant 1 : i32
      %scan3A_399 = arith.addi %scan3A_387, %scan3A_398 : i32
      %add3A_400 = arith.constant 512 : i32
      %add3A_401 = arith.addi %add3A_400, %scan3A_399 : i32
      %mul3A_402 = arith.constant 6 : i32
      %mul3A_403 = arith.muli %add3A_401, %mul3A_402 : i32
      %get3A_404 = arith.index_cast %mul3A_403 : i32 to index
      %get3A_405 = tpu.vector_load %arg4[%get3A_404] {strides = array<i32>} : memref<6160xf32, #tpu.memory_space<vmem>>, vector<16xf32>,
      %mul3A_406 = arith.mulf %get3A_405, %convert_element_type3A_25 : vector<16xf32>
      %swap3A_407 = arith.index_cast %scan3A_399 : i32 to index
      %swap3A_408 = arith.constant 0 : index
      %swap3A_409 = tpu.vector_load %arg5[%swap3A_407, %swap3A_408] {strides = array<i32>} : memref<64x768xf32, #tpu.memory_space<vmem>>, vector<16xf32>,
      tpu.vector_store %arg5[%swap3A_407, %swap3A_408], %mul3A_406 {strides = array<i32>} : memref<64x768xf32, #tpu.memory_space<vmem>>, vector<16xf32>,
      %scan3A_410 = arith.constant 0 : i32
      %scan3A_411 = arith.constant 2 : i32
      %scan3A_412 = arith.addi %scan3A_387, %scan3A_411 : i32
      %add3A_413 = arith.constant 512 : i32
      %add3A_414 = arith.addi %add3A_413, %scan3A_412 : i32
      %mul3A_415 = arith.constant 6 : i32
      %mul3A_416 = arith.muli %add3A_414, %mul3A_415 : i32
      %get3A_417 = arith.index_cast %mul3A_416 : i32 to index
      %get3A_418 = tpu.vector_load %arg4[%get3A_417] {strides = array<i32>} : memref<6160xf32, #tpu.memory_space<vmem>>, vector<16xf32>,
      %mul3A_419 = arith.mulf %get3A_418, %convert_element_type3A_25 : vector<16xf32>
      %swap3A_420 = arith.index_cast %scan3A_412 : i32 to index
      %swap3A_421 = arith.constant 0 : index
      %swap3A_422 = tpu.vector_load %arg5[%swap3A_420, %swap3A_421] {strides = array<i32>} : memref<64x768xf32, #tpu.memory_space<vmem>>, vector<16xf32>,
      tpu.vector_store %arg5[%swap3A_420, %swap3A_421], %mul3A_419 {strides = array<i32>} : memref<64x768xf32, #tpu.memory_space<vmem>>, vector<16xf32>,
      %scan3A_423 = arith.constant 0 : i32
      %scan3A_424 = arith.constant 3 : i32
      %scan3A_425 = arith.addi %scan3A_387, %scan3A_424 : i32
      %add3A_426 = arith.constant 512 : i32
      %add3A_427 = arith.addi %add3A_426, %scan3A_425 : i32
      %mul3A_428 = arith.constant 6 : i32
      %mul3A_429 = arith.muli %add3A_427, %mul3A_428 : i32
      %get3A_430 = arith.index_cast %mul3A_429 : i32 to index
      %get3A_431 = tpu.vector_load %arg4[%get3A_430] {strides = array<i32>} : memref<6160xf32, #tpu.memory_space<vmem>>, vector<16xf32>,
      %mul3A_432 = arith.mulf %get3A_431, %convert_element_type3A_25 : vector<16xf32>
      %swap3A_433 = arith.index_cast %scan3A_425 : i32 to index
      %swap3A_434 = arith.constant 0 : index
      %swap3A_435 = tpu.vector_load %arg5[%swap3A_433, %swap3A_434] {strides = array<i32>} : memref<64x768xf32, #tpu.memory_space<vmem>>, vector<16xf32>,
      tpu.vector_store %arg5[%swap3A_433, %swap3A_434], %mul3A_432 {strides = array<i32>} : memref<64x768xf32, #tpu.memory_space<vmem>>, vector<16xf32>,
      %scan3A_436 = arith.constant 0 : i32
      scf.yield %scan3A_436 : i32
    }
    %scan3A_219 = arith.constant 64 : i32
    %add3A_220 = arith.constant 512 : i32
    %add3A_221 = arith.addi %sub3A_21, %add3A_220 : i32
    %dma_start3A_222 = arith.constant 0 : i32
    %dma_start3A_223 = tpu.memref_slice %arg3[%select_n3A, %add3A_221, %dma_start3A_222] : memref<4x8192x768xf32, #tpu.memory_space<hbm>> -> memref<1x64x768xf32, #tpu.memory_space<hbm>>
    %dma_start3A_224 = tpu.memref_squeeze %dma_start3A_223 : memref<1x64x768xf32, #tpu.memory_space<hbm>> -> memref<64x768xf32, #tpu.memory_space<hbm>>
    %dma_start3A_225 = arith.constant 0 : i32
    %dma_start3A_226 = tpu.memref_slice %arg3[%select_n3A, %add3A_221, %dma_start3A_225] : memref<4x8192x768xf32, #tpu.memory_space<hbm>> -> memref<1x64x768xf32, #tpu.memory_space<hbm>>
    %dma_start3A_227 = tpu.memref_squeeze %dma_start3A_226 : memref<1x64x768xf32, #tpu.memory_space<hbm>> -> memref<64x768xf32, #tpu.memory_space<hbm>>
    tpu.enqueue_dma source(%arg5 : memref<64x768xf32, #tpu.memory_space<vmem>>) target(%dma_start3A_227 : memref<64x768xf32, #tpu.memory_space<hbm>>) target_semaphore(%arg8 : memref<!tpu.dma_semaphore, #tpu.memory_space<semaphore_mem>>)
    %dma_wait3A_228 = arith.constant 0 : i32
    %dma_wait3A_229 = tpu.memref_slice %arg3[%select_n3A, %add3A_200, %dma_wait3A_228] : memref<4x8192x768xf32, #tpu.memory_space<hbm>> -> memref<1x64x768xf32, #tpu.memory_space<hbm>>
    %dma_wait3A_230 = tpu.memref_squeeze %dma_wait3A_229 : memref<1x64x768xf32, #tpu.memory_space<hbm>> -> memref<64x768xf32, #tpu.memory_space<hbm>>
    %dma_wait3A_231 = arith.constant 0 : i32
    %dma_wait3A_232 = tpu.memref_slice %arg3[%select_n3A, %add3A_200, %dma_wait3A_231] : memref<4x8192x768xf32, #tpu.memory_space<hbm>> -> memref<1x64x768xf32, #tpu.memory_space<hbm>>
    %dma_wait3A_233 = tpu.memref_squeeze %dma_wait3A_232 : memref<1x64x768xf32, #tpu.memory_space<hbm>> -> memref<64x768xf32, #tpu.memory_space<hbm>>
    tpu.wait_dma2 semaphore(%arg9 : memref<!tpu.dma_semaphore, #tpu.memory_space<semaphore_mem>>) src(%arg6 : memref<64x768xf32, #tpu.memory_space<vmem>>) dst(%dma_wait3A_233 : memref<64x768xf32, #tpu.memory_space<hbm>>)
    %scan3A_234 = arith.constant 0 : i32
    %scan3A_235 = arith.constant 0 : i32
    %scan3A_236 = arith.constant 64 : i32
    %scan3A_237 = arith.addi %scan3A_235, %scan3A_236 : i32
    %scan3A_238 = arith.constant 4 : i32
    %scan3A_239 = scf.for %scan3A_387 = %scan3A_235 to %scan3A_237 step %scan3A_238 iter_args(%scan3A_388 = %scan3A_234) -> (i32)  : i32 {
      %add3A_389 = arith.constant 576 : i32
      %add3A_390 = arith.addi %add3A_389, %scan3A_387 : i32
      %mul3A_391 = arith.constant 6 : i32
      %mul3A_392 = arith.muli %add3A_390, %mul3A_391 : i32
      %get3A = arith.index_cast %mul3A_392 : i32 to index
      %get3A_393 = tpu.vector_load %arg4[%get3A] {strides = array<i32>} : memref<6160xf32, #tpu.memory_space<vmem>>, vector<16xf32>,
      %mul3A_394 = arith.mulf %get3A_393, %convert_element_type3A_25 : vector<16xf32>
      %swap3A = arith.index_cast %scan3A_387 : i32 to index
      %swap3A_395 = arith.constant 0 : index
      %swap3A_396 = tpu.vector_load %arg6[%swap3A, %swap3A_395] {strides = array<i32>} : memref<64x768xf32, #tpu.memory_space<vmem>>, vector<16xf32>,
      tpu.vector_store %arg6[%swap3A, %swap3A_395], %mul3A_394 {strides = array<i32>} : memref<64x768xf32, #tpu.memory_space<vmem>>, vector<16xf32>,
      %scan3A_397 = arith.constant 0 : i32
      %scan3A_398 = arith.constant 1 : i32
      %scan3A_399 = arith.addi %scan3A_387, %scan3A_398 : i32
      %add3A_400 = arith.constant 576 : i32
      %add3A_401 = arith.addi %add3A_400, %scan3A_399 : i32
      %mul3A_402 = arith.constant 6 : i32
      %mul3A_403 = arith.muli %add3A_401, %mul3A_402 : i32
      %get3A_404 = arith.index_cast %mul3A_403 : i32 to index
      %get3A_405 = tpu.vector_load %arg4[%get3A_404] {strides = array<i32>} : memref<6160xf32, #tpu.memory_space<vmem>>, vector<16xf32>,
      %mul3A_406 = arith.mulf %get3A_405, %convert_element_type3A_25 : vector<16xf32>
      %swap3A_407 = arith.index_cast %scan3A_399 : i32 to index
      %swap3A_408 = arith.constant 0 : index
      %swap3A_409 = tpu.vector_load %arg6[%swap3A_407, %swap3A_408] {strides = array<i32>} : memref<64x768xf32, #tpu.memory_space<vmem>>, vector<16xf32>,
      tpu.vector_store %arg6[%swap3A_407, %swap3A_408], %mul3A_406 {strides = array<i32>} : memref<64x768xf32, #tpu.memory_space<vmem>>, vector<16xf32>,
      %scan3A_410 = arith.constant 0 : i32
      %scan3A_411 = arith.constant 2 : i32
      %scan3A_412 = arith.addi %scan3A_387, %scan3A_411 : i32
      %add3A_413 = arith.constant 576 : i32
      %add3A_414 = arith.addi %add3A_413, %scan3A_412 : i32
      %mul3A_415 = arith.constant 6 : i32
      %mul3A_416 = arith.muli %add3A_414, %mul3A_415 : i32
      %get3A_417 = arith.index_cast %mul3A_416 : i32 to index
      %get3A_418 = tpu.vector_load %arg4[%get3A_417] {strides = array<i32>} : memref<6160xf32, #tpu.memory_space<vmem>>, vector<16xf32>,
      %mul3A_419 = arith.mulf %get3A_418, %convert_element_type3A_25 : vector<16xf32>
      %swap3A_420 = arith.index_cast %scan3A_412 : i32 to index
      %swap3A_421 = arith.constant 0 : index
      %swap3A_422 = tpu.vector_load %arg6[%swap3A_420, %swap3A_421] {strides = array<i32>} : memref<64x768xf32, #tpu.memory_space<vmem>>, vector<16xf32>,
      tpu.vector_store %arg6[%swap3A_420, %swap3A_421], %mul3A_419 {strides = array<i32>} : memref<64x768xf32, #tpu.memory_space<vmem>>, vector<16xf32>,
      %scan3A_423 = arith.constant 0 : i32
      %scan3A_424 = arith.constant 3 : i32
      %scan3A_425 = arith.addi %scan3A_387, %scan3A_424 : i32
      %add3A_426 = arith.constant 576 : i32
      %add3A_427 = arith.addi %add3A_426, %scan3A_425 : i32
      %mul3A_428 = arith.constant 6 : i32
      %mul3A_429 = arith.muli %add3A_427, %mul3A_428 : i32
      %get3A_430 = arith.index_cast %mul3A_429 : i32 to index
      %get3A_431 = tpu.vector_load %arg4[%get3A_430] {strides = array<i32>} : memref<6160xf32, #tpu.memory_space<vmem>>, vector<16xf32>,
      %mul3A_432 = arith.mulf %get3A_431, %convert_element_type3A_25 : vector<16xf32>
      %swap3A_433 = arith.index_cast %scan3A_425 : i32 to index
      %swap3A_434 = arith.constant 0 : index
      %swap3A_435 = tpu.vector_load %arg6[%swap3A_433, %swap3A_434] {strides = array<i32>} : memref<64x768xf32, #tpu.memory_space<vmem>>, vector<16xf32>,
      tpu.vector_store %arg6[%swap3A_433, %swap3A_434], %mul3A_432 {strides = array<i32>} : memref<64x768xf32, #tpu.memory_space<vmem>>, vector<16xf32>,
      %scan3A_436 = arith.constant 0 : i32
      scf.yield %scan3A_436 : i32
    }
    %scan3A_240 = arith.constant 64 : i32
    %add3A_241 = arith.constant 576 : i32
    %add3A_242 = arith.addi %sub3A_21, %add3A_241 : i32
    %dma_start3A_243 = arith.constant 0 : i32
    %dma_start3A_244 = tpu.memref_slice %arg3[%select_n3A, %add3A_242, %dma_start3A_243] : memref<4x8192x768xf32, #tpu.memory_space<hbm>> -> memref<1x64x768xf32, #tpu.memory_space<hbm>>
    %dma_start3A_245 = tpu.memref_squeeze %dma_start3A_244 : memref<1x64x768xf32, #tpu.memory_space<hbm>> -> memref<64x768xf32, #tpu.memory_space<hbm>>
    %dma_start3A_246 = arith.constant 0 : i32
    %dma_start3A_247 = tpu.memref_slice %arg3[%select_n3A, %add3A_242, %dma_start3A_246] : memref<4x8192x768xf32, #tpu.memory_space<hbm>> -> memref<1x64x768xf32, #tpu.memory_space<hbm>>
    %dma_start3A_248 = tpu.memref_squeeze %dma_start3A_247 : memref<1x64x768xf32, #tpu.memory_space<hbm>> -> memref<64x768xf32, #tpu.memory_space<hbm>>
    tpu.enqueue_dma source(%arg6 : memref<64x768xf32, #tpu.memory_space<vmem>>) target(%dma_start3A_248 : memref<64x768xf32, #tpu.memory_space<hbm>>) target_semaphore(%arg9 : memref<!tpu.dma_semaphore, #tpu.memory_space<semaphore_mem>>)
    %dma_wait3A_249 = arith.constant 0 : i32
    %dma_wait3A_250 = tpu.memref_slice %arg3[%select_n3A, %add3A_221, %dma_wait3A_249] : memref<4x8192x768xf32, #tpu.memory_space<hbm>> -> memref<1x64x768xf32, #tpu.memory_space<hbm>>
    %dma_wait3A_251 = tpu.memref_squeeze %dma_wait3A_250 : memref<1x64x768xf32, #tpu.memory_space<hbm>> -> memref<64x768xf32, #tpu.memory_space<hbm>>
    %dma_wait3A_252 = arith.constant 0 : i32
    %dma_wait3A_253 = tpu.memref_slice %arg3[%select_n3A, %add3A_221, %dma_wait3A_252] : memref<4x8192x768xf32, #tpu.memory_space<hbm>> -> memref<1x64x768xf32, #tpu.memory_space<hbm>>
    %dma_wait3A_254 = tpu.memref_squeeze %dma_wait3A_253 : memref<1x64x768xf32, #tpu.memory_space<hbm>> -> memref<64x768xf32, #tpu.memory_space<hbm>>
    tpu.wait_dma2 semaphore(%arg8 : memref<!tpu.dma_semaphore, #tpu.memory_space<semaphore_mem>>) src(%arg5 : memref<64x768xf32, #tpu.memory_space<vmem>>) dst(%dma_wait3A_254 : memref<64x768xf32, #tpu.memory_space<hbm>>)
    %scan3A_255 = arith.constant 0 : i32
    %scan3A_256 = arith.constant 0 : i32
    %scan3A_257 = arith.constant 64 : i32
    %scan3A_258 = arith.addi %scan3A_256, %scan3A_257 : i32
    %scan3A_259 = arith.constant 4 : i32
    %scan3A_260 = scf.for %scan3A_387 = %scan3A_256 to %scan3A_258 step %scan3A_259 iter_args(%scan3A_388 = %scan3A_255) -> (i32)  : i32 {
      %add3A_389 = arith.constant 640 : i32
      %add3A_390 = arith.addi %add3A_389, %scan3A_387 : i32
      %mul3A_391 = arith.constant 6 : i32
      %mul3A_392 = arith.muli %add3A_390, %mul3A_391 : i32
      %get3A = arith.index_cast %mul3A_392 : i32 to index
      %get3A_393 = tpu.vector_load %arg4[%get3A] {strides = array<i32>} : memref<6160xf32, #tpu.memory_space<vmem>>, vector<16xf32>,
      %mul3A_394 = arith.mulf %get3A_393, %convert_element_type3A_25 : vector<16xf32>
      %swap3A = arith.index_cast %scan3A_387 : i32 to index
      %swap3A_395 = arith.constant 0 : index
      %swap3A_396 = tpu.vector_load %arg5[%swap3A, %swap3A_395] {strides = array<i32>} : memref<64x768xf32, #tpu.memory_space<vmem>>, vector<16xf32>,
      tpu.vector_store %arg5[%swap3A, %swap3A_395], %mul3A_394 {strides = array<i32>} : memref<64x768xf32, #tpu.memory_space<vmem>>, vector<16xf32>,
      %scan3A_397 = arith.constant 0 : i32
      %scan3A_398 = arith.constant 1 : i32
      %scan3A_399 = arith.addi %scan3A_387, %scan3A_398 : i32
      %add3A_400 = arith.constant 640 : i32
      %add3A_401 = arith.addi %add3A_400, %scan3A_399 : i32
      %mul3A_402 = arith.constant 6 : i32
      %mul3A_403 = arith.muli %add3A_401, %mul3A_402 : i32
      %get3A_404 = arith.index_cast %mul3A_403 : i32 to index
      %get3A_405 = tpu.vector_load %arg4[%get3A_404] {strides = array<i32>} : memref<6160xf32, #tpu.memory_space<vmem>>, vector<16xf32>,
      %mul3A_406 = arith.mulf %get3A_405, %convert_element_type3A_25 : vector<16xf32>
      %swap3A_407 = arith.index_cast %scan3A_399 : i32 to index
      %swap3A_408 = arith.constant 0 : index
      %swap3A_409 = tpu.vector_load %arg5[%swap3A_407, %swap3A_408] {strides = array<i32>} : memref<64x768xf32, #tpu.memory_space<vmem>>, vector<16xf32>,
      tpu.vector_store %arg5[%swap3A_407, %swap3A_408], %mul3A_406 {strides = array<i32>} : memref<64x768xf32, #tpu.memory_space<vmem>>, vector<16xf32>,
      %scan3A_410 = arith.constant 0 : i32
      %scan3A_411 = arith.constant 2 : i32
      %scan3A_412 = arith.addi %scan3A_387, %scan3A_411 : i32
      %add3A_413 = arith.constant 640 : i32
      %add3A_414 = arith.addi %add3A_413, %scan3A_412 : i32
      %mul3A_415 = arith.constant 6 : i32
      %mul3A_416 = arith.muli %add3A_414, %mul3A_415 : i32
      %get3A_417 = arith.index_cast %mul3A_416 : i32 to index
      %get3A_418 = tpu.vector_load %arg4[%get3A_417] {strides = array<i32>} : memref<6160xf32, #tpu.memory_space<vmem>>, vector<16xf32>,
      %mul3A_419 = arith.mulf %get3A_418, %convert_element_type3A_25 : vector<16xf32>
      %swap3A_420 = arith.index_cast %scan3A_412 : i32 to index
      %swap3A_421 = arith.constant 0 : index
      %swap3A_422 = tpu.vector_load %arg5[%swap3A_420, %swap3A_421] {strides = array<i32>} : memref<64x768xf32, #tpu.memory_space<vmem>>, vector<16xf32>,
      tpu.vector_store %arg5[%swap3A_420, %swap3A_421], %mul3A_419 {strides = array<i32>} : memref<64x768xf32, #tpu.memory_space<vmem>>, vector<16xf32>,
      %scan3A_423 = arith.constant 0 : i32
      %scan3A_424 = arith.constant 3 : i32
      %scan3A_425 = arith.addi %scan3A_387, %scan3A_424 : i32
      %add3A_426 = arith.constant 640 : i32
      %add3A_427 = arith.addi %add3A_426, %scan3A_425 : i32
      %mul3A_428 = arith.constant 6 : i32
      %mul3A_429 = arith.muli %add3A_427, %mul3A_428 : i32
      %get3A_430 = arith.index_cast %mul3A_429 : i32 to index
      %get3A_431 = tpu.vector_load %arg4[%get3A_430] {strides = array<i32>} : memref<6160xf32, #tpu.memory_space<vmem>>, vector<16xf32>,
      %mul3A_432 = arith.mulf %get3A_431, %convert_element_type3A_25 : vector<16xf32>
      %swap3A_433 = arith.index_cast %scan3A_425 : i32 to index
      %swap3A_434 = arith.constant 0 : index
      %swap3A_435 = tpu.vector_load %arg5[%swap3A_433, %swap3A_434] {strides = array<i32>} : memref<64x768xf32, #tpu.memory_space<vmem>>, vector<16xf32>,
      tpu.vector_store %arg5[%swap3A_433, %swap3A_434], %mul3A_432 {strides = array<i32>} : memref<64x768xf32, #tpu.memory_space<vmem>>, vector<16xf32>,
      %scan3A_436 = arith.constant 0 : i32
      scf.yield %scan3A_436 : i32
    }
    %scan3A_261 = arith.constant 64 : i32
    %add3A_262 = arith.constant 640 : i32
    %add3A_263 = arith.addi %sub3A_21, %add3A_262 : i32
    %dma_start3A_264 = arith.constant 0 : i32
    %dma_start3A_265 = tpu.memref_slice %arg3[%select_n3A, %add3A_263, %dma_start3A_264] : memref<4x8192x768xf32, #tpu.memory_space<hbm>> -> memref<1x64x768xf32, #tpu.memory_space<hbm>>
    %dma_start3A_266 = tpu.memref_squeeze %dma_start3A_265 : memref<1x64x768xf32, #tpu.memory_space<hbm>> -> memref<64x768xf32, #tpu.memory_space<hbm>>
    %dma_start3A_267 = arith.constant 0 : i32
    %dma_start3A_268 = tpu.memref_slice %arg3[%select_n3A, %add3A_263, %dma_start3A_267] : memref<4x8192x768xf32, #tpu.memory_space<hbm>> -> memref<1x64x768xf32, #tpu.memory_space<hbm>>
    %dma_start3A_269 = tpu.memref_squeeze %dma_start3A_268 : memref<1x64x768xf32, #tpu.memory_space<hbm>> -> memref<64x768xf32, #tpu.memory_space<hbm>>
    tpu.enqueue_dma source(%arg5 : memref<64x768xf32, #tpu.memory_space<vmem>>) target(%dma_start3A_269 : memref<64x768xf32, #tpu.memory_space<hbm>>) target_semaphore(%arg8 : memref<!tpu.dma_semaphore, #tpu.memory_space<semaphore_mem>>)
    %dma_wait3A_270 = arith.constant 0 : i32
    %dma_wait3A_271 = tpu.memref_slice %arg3[%select_n3A, %add3A_242, %dma_wait3A_270] : memref<4x8192x768xf32, #tpu.memory_space<hbm>> -> memref<1x64x768xf32, #tpu.memory_space<hbm>>
    %dma_wait3A_272 = tpu.memref_squeeze %dma_wait3A_271 : memref<1x64x768xf32, #tpu.memory_space<hbm>> -> memref<64x768xf32, #tpu.memory_space<hbm>>
    %dma_wait3A_273 = arith.constant 0 : i32
    %dma_wait3A_274 = tpu.memref_slice %arg3[%select_n3A, %add3A_242, %dma_wait3A_273] : memref<4x8192x768xf32, #tpu.memory_space<hbm>> -> memref<1x64x768xf32, #tpu.memory_space<hbm>>
    %dma_wait3A_275 = tpu.memref_squeeze %dma_wait3A_274 : memref<1x64x768xf32, #tpu.memory_space<hbm>> -> memref<64x768xf32, #tpu.memory_space<hbm>>
    tpu.wait_dma2 semaphore(%arg9 : memref<!tpu.dma_semaphore, #tpu.memory_space<semaphore_mem>>) src(%arg6 : memref<64x768xf32, #tpu.memory_space<vmem>>) dst(%dma_wait3A_275 : memref<64x768xf32, #tpu.memory_space<hbm>>)
    %scan3A_276 = arith.constant 0 : i32
    %scan3A_277 = arith.constant 0 : i32
    %scan3A_278 = arith.constant 64 : i32
    %scan3A_279 = arith.addi %scan3A_277, %scan3A_278 : i32
    %scan3A_280 = arith.constant 4 : i32
    %scan3A_281 = scf.for %scan3A_387 = %scan3A_277 to %scan3A_279 step %scan3A_280 iter_args(%scan3A_388 = %scan3A_276) -> (i32)  : i32 {
      %add3A_389 = arith.constant 704 : i32
      %add3A_390 = arith.addi %add3A_389, %scan3A_387 : i32
      %mul3A_391 = arith.constant 6 : i32
      %mul3A_392 = arith.muli %add3A_390, %mul3A_391 : i32
      %get3A = arith.index_cast %mul3A_392 : i32 to index
      %get3A_393 = tpu.vector_load %arg4[%get3A] {strides = array<i32>} : memref<6160xf32, #tpu.memory_space<vmem>>, vector<16xf32>,
      %mul3A_394 = arith.mulf %get3A_393, %convert_element_type3A_25 : vector<16xf32>
      %swap3A = arith.index_cast %scan3A_387 : i32 to index
      %swap3A_395 = arith.constant 0 : index
      %swap3A_396 = tpu.vector_load %arg6[%swap3A, %swap3A_395] {strides = array<i32>} : memref<64x768xf32, #tpu.memory_space<vmem>>, vector<16xf32>,
      tpu.vector_store %arg6[%swap3A, %swap3A_395], %mul3A_394 {strides = array<i32>} : memref<64x768xf32, #tpu.memory_space<vmem>>, vector<16xf32>,
      %scan3A_397 = arith.constant 0 : i32
      %scan3A_398 = arith.constant 1 : i32
      %scan3A_399 = arith.addi %scan3A_387, %scan3A_398 : i32
      %add3A_400 = arith.constant 704 : i32
      %add3A_401 = arith.addi %add3A_400, %scan3A_399 : i32
      %mul3A_402 = arith.constant 6 : i32
      %mul3A_403 = arith.muli %add3A_401, %mul3A_402 : i32
      %get3A_404 = arith.index_cast %mul3A_403 : i32 to index
      %get3A_405 = tpu.vector_load %arg4[%get3A_404] {strides = array<i32>} : memref<6160xf32, #tpu.memory_space<vmem>>, vector<16xf32>,
      %mul3A_406 = arith.mulf %get3A_405, %convert_element_type3A_25 : vector<16xf32>
      %swap3A_407 = arith.index_cast %scan3A_399 : i32 to index
      %swap3A_408 = arith.constant 0 : index
      %swap3A_409 = tpu.vector_load %arg6[%swap3A_407, %swap3A_408] {strides = array<i32>} : memref<64x768xf32, #tpu.memory_space<vmem>>, vector<16xf32>,
      tpu.vector_store %arg6[%swap3A_407, %swap3A_408], %mul3A_406 {strides = array<i32>} : memref<64x768xf32, #tpu.memory_space<vmem>>, vector<16xf32>,
      %scan3A_410 = arith.constant 0 : i32
      %scan3A_411 = arith.constant 2 : i32
      %scan3A_412 = arith.addi %scan3A_387, %scan3A_411 : i32
      %add3A_413 = arith.constant 704 : i32
      %add3A_414 = arith.addi %add3A_413, %scan3A_412 : i32
      %mul3A_415 = arith.constant 6 : i32
      %mul3A_416 = arith.muli %add3A_414, %mul3A_415 : i32
      %get3A_417 = arith.index_cast %mul3A_416 : i32 to index
      %get3A_418 = tpu.vector_load %arg4[%get3A_417] {strides = array<i32>} : memref<6160xf32, #tpu.memory_space<vmem>>, vector<16xf32>,
      %mul3A_419 = arith.mulf %get3A_418, %convert_element_type3A_25 : vector<16xf32>
      %swap3A_420 = arith.index_cast %scan3A_412 : i32 to index
      %swap3A_421 = arith.constant 0 : index
      %swap3A_422 = tpu.vector_load %arg6[%swap3A_420, %swap3A_421] {strides = array<i32>} : memref<64x768xf32, #tpu.memory_space<vmem>>, vector<16xf32>,
      tpu.vector_store %arg6[%swap3A_420, %swap3A_421], %mul3A_419 {strides = array<i32>} : memref<64x768xf32, #tpu.memory_space<vmem>>, vector<16xf32>,
      %scan3A_423 = arith.constant 0 : i32
      %scan3A_424 = arith.constant 3 : i32
      %scan3A_425 = arith.addi %scan3A_387, %scan3A_424 : i32
      %add3A_426 = arith.constant 704 : i32
      %add3A_427 = arith.addi %add3A_426, %scan3A_425 : i32
      %mul3A_428 = arith.constant 6 : i32
      %mul3A_429 = arith.muli %add3A_427, %mul3A_428 : i32
      %get3A_430 = arith.index_cast %mul3A_429 : i32 to index
      %get3A_431 = tpu.vector_load %arg4[%get3A_430] {strides = array<i32>} : memref<6160xf32, #tpu.memory_space<vmem>>, vector<16xf32>,
      %mul3A_432 = arith.mulf %get3A_431, %convert_element_type3A_25 : vector<16xf32>
      %swap3A_433 = arith.index_cast %scan3A_425 : i32 to index
      %swap3A_434 = arith.constant 0 : index
      %swap3A_435 = tpu.vector_load %arg6[%swap3A_433, %swap3A_434] {strides = array<i32>} : memref<64x768xf32, #tpu.memory_space<vmem>>, vector<16xf32>,
      tpu.vector_store %arg6[%swap3A_433, %swap3A_434], %mul3A_432 {strides = array<i32>} : memref<64x768xf32, #tpu.memory_space<vmem>>, vector<16xf32>,
      %scan3A_436 = arith.constant 0 : i32
      scf.yield %scan3A_436 : i32
    }
    %scan3A_282 = arith.constant 64 : i32
    %add3A_283 = arith.constant 704 : i32
    %add3A_284 = arith.addi %sub3A_21, %add3A_283 : i32
    %dma_start3A_285 = arith.constant 0 : i32
    %dma_start3A_286 = tpu.memref_slice %arg3[%select_n3A, %add3A_284, %dma_start3A_285] : memref<4x8192x768xf32, #tpu.memory_space<hbm>> -> memref<1x64x768xf32, #tpu.memory_space<hbm>>
    %dma_start3A_287 = tpu.memref_squeeze %dma_start3A_286 : memref<1x64x768xf32, #tpu.memory_space<hbm>> -> memref<64x768xf32, #tpu.memory_space<hbm>>
    %dma_start3A_288 = arith.constant 0 : i32
    %dma_start3A_289 = tpu.memref_slice %arg3[%select_n3A, %add3A_284, %dma_start3A_288] : memref<4x8192x768xf32, #tpu.memory_space<hbm>> -> memref<1x64x768xf32, #tpu.memory_space<hbm>>
    %dma_start3A_290 = tpu.memref_squeeze %dma_start3A_289 : memref<1x64x768xf32, #tpu.memory_space<hbm>> -> memref<64x768xf32, #tpu.memory_space<hbm>>
    tpu.enqueue_dma source(%arg6 : memref<64x768xf32, #tpu.memory_space<vmem>>) target(%dma_start3A_290 : memref<64x768xf32, #tpu.memory_space<hbm>>) target_semaphore(%arg9 : memref<!tpu.dma_semaphore, #tpu.memory_space<semaphore_mem>>)
    %dma_wait3A_291 = arith.constant 0 : i32
    %dma_wait3A_292 = tpu.memref_slice %arg3[%select_n3A, %add3A_263, %dma_wait3A_291] : memref<4x8192x768xf32, #tpu.memory_space<hbm>> -> memref<1x64x768xf32, #tpu.memory_space<hbm>>
    %dma_wait3A_293 = tpu.memref_squeeze %dma_wait3A_292 : memref<1x64x768xf32, #tpu.memory_space<hbm>> -> memref<64x768xf32, #tpu.memory_space<hbm>>
    %dma_wait3A_294 = arith.constant 0 : i32
    %dma_wait3A_295 = tpu.memref_slice %arg3[%select_n3A, %add3A_263, %dma_wait3A_294] : memref<4x8192x768xf32, #tpu.memory_space<hbm>> -> memref<1x64x768xf32, #tpu.memory_space<hbm>>
    %dma_wait3A_296 = tpu.memref_squeeze %dma_wait3A_295 : memref<1x64x768xf32, #tpu.memory_space<hbm>> -> memref<64x768xf32, #tpu.memory_space<hbm>>
    tpu.wait_dma2 semaphore(%arg8 : memref<!tpu.dma_semaphore, #tpu.memory_space<semaphore_mem>>) src(%arg5 : memref<64x768xf32, #tpu.memory_space<vmem>>) dst(%dma_wait3A_296 : memref<64x768xf32, #tpu.memory_space<hbm>>)
    %scan3A_297 = arith.constant 0 : i32
    %scan3A_298 = arith.constant 0 : i32
    %scan3A_299 = arith.constant 64 : i32
    %scan3A_300 = arith.addi %scan3A_298, %scan3A_299 : i32
    %scan3A_301 = arith.constant 4 : i32
    %scan3A_302 = scf.for %scan3A_387 = %scan3A_298 to %scan3A_300 step %scan3A_301 iter_args(%scan3A_388 = %scan3A_297) -> (i32)  : i32 {
      %add3A_389 = arith.constant 768 : i32
      %add3A_390 = arith.addi %add3A_389, %scan3A_387 : i32
      %mul3A_391 = arith.constant 6 : i32
      %mul3A_392 = arith.muli %add3A_390, %mul3A_391 : i32
      %get3A = arith.index_cast %mul3A_392 : i32 to index
      %get3A_393 = tpu.vector_load %arg4[%get3A] {strides = array<i32>} : memref<6160xf32, #tpu.memory_space<vmem>>, vector<16xf32>,
      %mul3A_394 = arith.mulf %get3A_393, %convert_element_type3A_25 : vector<16xf32>
      %swap3A = arith.index_cast %scan3A_387 : i32 to index
      %swap3A_395 = arith.constant 0 : index
      %swap3A_396 = tpu.vector_load %arg5[%swap3A, %swap3A_395] {strides = array<i32>} : memref<64x768xf32, #tpu.memory_space<vmem>>, vector<16xf32>,
      tpu.vector_store %arg5[%swap3A, %swap3A_395], %mul3A_394 {strides = array<i32>} : memref<64x768xf32, #tpu.memory_space<vmem>>, vector<16xf32>,
      %scan3A_397 = arith.constant 0 : i32
      %scan3A_398 = arith.constant 1 : i32
      %scan3A_399 = arith.addi %scan3A_387, %scan3A_398 : i32
      %add3A_400 = arith.constant 768 : i32
      %add3A_401 = arith.addi %add3A_400, %scan3A_399 : i32
      %mul3A_402 = arith.constant 6 : i32
      %mul3A_403 = arith.muli %add3A_401, %mul3A_402 : i32
      %get3A_404 = arith.index_cast %mul3A_403 : i32 to index
      %get3A_405 = tpu.vector_load %arg4[%get3A_404] {strides = array<i32>} : memref<6160xf32, #tpu.memory_space<vmem>>, vector<16xf32>,
      %mul3A_406 = arith.mulf %get3A_405, %convert_element_type3A_25 : vector<16xf32>
      %swap3A_407 = arith.index_cast %scan3A_399 : i32 to index
      %swap3A_408 = arith.constant 0 : index
      %swap3A_409 = tpu.vector_load %arg5[%swap3A_407, %swap3A_408] {strides = array<i32>} : memref<64x768xf32, #tpu.memory_space<vmem>>, vector<16xf32>,
      tpu.vector_store %arg5[%swap3A_407, %swap3A_408], %mul3A_406 {strides = array<i32>} : memref<64x768xf32, #tpu.memory_space<vmem>>, vector<16xf32>,
      %scan3A_410 = arith.constant 0 : i32
      %scan3A_411 = arith.constant 2 : i32
      %scan3A_412 = arith.addi %scan3A_387, %scan3A_411 : i32
      %add3A_413 = arith.constant 768 : i32
      %add3A_414 = arith.addi %add3A_413, %scan3A_412 : i32
      %mul3A_415 = arith.constant 6 : i32
      %mul3A_416 = arith.muli %add3A_414, %mul3A_415 : i32
      %get3A_417 = arith.index_cast %mul3A_416 : i32 to index
      %get3A_418 = tpu.vector_load %arg4[%get3A_417] {strides = array<i32>} : memref<6160xf32, #tpu.memory_space<vmem>>, vector<16xf32>,
      %mul3A_419 = arith.mulf %get3A_418, %convert_element_type3A_25 : vector<16xf32>
      %swap3A_420 = arith.index_cast %scan3A_412 : i32 to index
      %swap3A_421 = arith.constant 0 : index
      %swap3A_422 = tpu.vector_load %arg5[%swap3A_420, %swap3A_421] {strides = array<i32>} : memref<64x768xf32, #tpu.memory_space<vmem>>, vector<16xf32>,
      tpu.vector_store %arg5[%swap3A_420, %swap3A_421], %mul3A_419 {strides = array<i32>} : memref<64x768xf32, #tpu.memory_space<vmem>>, vector<16xf32>,
      %scan3A_423 = arith.constant 0 : i32
      %scan3A_424 = arith.constant 3 : i32
      %scan3A_425 = arith.addi %scan3A_387, %scan3A_424 : i32
      %add3A_426 = arith.constant 768 : i32
      %add3A_427 = arith.addi %add3A_426, %scan3A_425 : i32
      %mul3A_428 = arith.constant 6 : i32
      %mul3A_429 = arith.muli %add3A_427, %mul3A_428 : i32
      %get3A_430 = arith.index_cast %mul3A_429 : i32 to index
      %get3A_431 = tpu.vector_load %arg4[%get3A_430] {strides = array<i32>} : memref<6160xf32, #tpu.memory_space<vmem>>, vector<16xf32>,
      %mul3A_432 = arith.mulf %get3A_431, %convert_element_type3A_25 : vector<16xf32>
      %swap3A_433 = arith.index_cast %scan3A_425 : i32 to index
      %swap3A_434 = arith.constant 0 : index
      %swap3A_435 = tpu.vector_load %arg5[%swap3A_433, %swap3A_434] {strides = array<i32>} : memref<64x768xf32, #tpu.memory_space<vmem>>, vector<16xf32>,
      tpu.vector_store %arg5[%swap3A_433, %swap3A_434], %mul3A_432 {strides = array<i32>} : memref<64x768xf32, #tpu.memory_space<vmem>>, vector<16xf32>,
      %scan3A_436 = arith.constant 0 : i32
      scf.yield %scan3A_436 : i32
    }
    %scan3A_303 = arith.constant 64 : i32
    %add3A_304 = arith.constant 768 : i32
    %add3A_305 = arith.addi %sub3A_21, %add3A_304 : i32
    %dma_start3A_306 = arith.constant 0 : i32
    %dma_start3A_307 = tpu.memref_slice %arg3[%select_n3A, %add3A_305, %dma_start3A_306] : memref<4x8192x768xf32, #tpu.memory_space<hbm>> -> memref<1x64x768xf32, #tpu.memory_space<hbm>>
    %dma_start3A_308 = tpu.memref_squeeze %dma_start3A_307 : memref<1x64x768xf32, #tpu.memory_space<hbm>> -> memref<64x768xf32, #tpu.memory_space<hbm>>
    %dma_start3A_309 = arith.constant 0 : i32
    %dma_start3A_310 = tpu.memref_slice %arg3[%select_n3A, %add3A_305, %dma_start3A_309] : memref<4x8192x768xf32, #tpu.memory_space<hbm>> -> memref<1x64x768xf32, #tpu.memory_space<hbm>>
    %dma_start3A_311 = tpu.memref_squeeze %dma_start3A_310 : memref<1x64x768xf32, #tpu.memory_space<hbm>> -> memref<64x768xf32, #tpu.memory_space<hbm>>
    tpu.enqueue_dma source(%arg5 : memref<64x768xf32, #tpu.memory_space<vmem>>) target(%dma_start3A_311 : memref<64x768xf32, #tpu.memory_space<hbm>>) target_semaphore(%arg8 : memref<!tpu.dma_semaphore, #tpu.memory_space<semaphore_mem>>)
    %dma_wait3A_312 = arith.constant 0 : i32
    %dma_wait3A_313 = tpu.memref_slice %arg3[%select_n3A, %add3A_284, %dma_wait3A_312] : memref<4x8192x768xf32, #tpu.memory_space<hbm>> -> memref<1x64x768xf32, #tpu.memory_space<hbm>>
    %dma_wait3A_314 = tpu.memref_squeeze %dma_wait3A_313 : memref<1x64x768xf32, #tpu.memory_space<hbm>> -> memref<64x768xf32, #tpu.memory_space<hbm>>
    %dma_wait3A_315 = arith.constant 0 : i32
    %dma_wait3A_316 = tpu.memref_slice %arg3[%select_n3A, %add3A_284, %dma_wait3A_315] : memref<4x8192x768xf32, #tpu.memory_space<hbm>> -> memref<1x64x768xf32, #tpu.memory_space<hbm>>
    %dma_wait3A_317 = tpu.memref_squeeze %dma_wait3A_316 : memref<1x64x768xf32, #tpu.memory_space<hbm>> -> memref<64x768xf32, #tpu.memory_space<hbm>>
    tpu.wait_dma2 semaphore(%arg9 : memref<!tpu.dma_semaphore, #tpu.memory_space<semaphore_mem>>) src(%arg6 : memref<64x768xf32, #tpu.memory_space<vmem>>) dst(%dma_wait3A_317 : memref<64x768xf32, #tpu.memory_space<hbm>>)
    %scan3A_318 = arith.constant 0 : i32
    %scan3A_319 = arith.constant 0 : i32
    %scan3A_320 = arith.constant 64 : i32
    %scan3A_321 = arith.addi %scan3A_319, %scan3A_320 : i32
    %scan3A_322 = arith.constant 4 : i32
    %scan3A_323 = scf.for %scan3A_387 = %scan3A_319 to %scan3A_321 step %scan3A_322 iter_args(%scan3A_388 = %scan3A_318) -> (i32)  : i32 {
      %add3A_389 = arith.constant 832 : i32
      %add3A_390 = arith.addi %add3A_389, %scan3A_387 : i32
      %mul3A_391 = arith.constant 6 : i32
      %mul3A_392 = arith.muli %add3A_390, %mul3A_391 : i32
      %get3A = arith.index_cast %mul3A_392 : i32 to index
      %get3A_393 = tpu.vector_load %arg4[%get3A] {strides = array<i32>} : memref<6160xf32, #tpu.memory_space<vmem>>, vector<16xf32>,
      %mul3A_394 = arith.mulf %get3A_393, %convert_element_type3A_25 : vector<16xf32>
      %swap3A = arith.index_cast %scan3A_387 : i32 to index
      %swap3A_395 = arith.constant 0 : index
      %swap3A_396 = tpu.vector_load %arg6[%swap3A, %swap3A_395] {strides = array<i32>} : memref<64x768xf32, #tpu.memory_space<vmem>>, vector<16xf32>,
      tpu.vector_store %arg6[%swap3A, %swap3A_395], %mul3A_394 {strides = array<i32>} : memref<64x768xf32, #tpu.memory_space<vmem>>, vector<16xf32>,
      %scan3A_397 = arith.constant 0 : i32
      %scan3A_398 = arith.constant 1 : i32
      %scan3A_399 = arith.addi %scan3A_387, %scan3A_398 : i32
      %add3A_400 = arith.constant 832 : i32
      %add3A_401 = arith.addi %add3A_400, %scan3A_399 : i32
      %mul3A_402 = arith.constant 6 : i32
      %mul3A_403 = arith.muli %add3A_401, %mul3A_402 : i32
      %get3A_404 = arith.index_cast %mul3A_403 : i32 to index
      %get3A_405 = tpu.vector_load %arg4[%get3A_404] {strides = array<i32>} : memref<6160xf32, #tpu.memory_space<vmem>>, vector<16xf32>,
      %mul3A_406 = arith.mulf %get3A_405, %convert_element_type3A_25 : vector<16xf32>
      %swap3A_407 = arith.index_cast %scan3A_399 : i32 to index
      %swap3A_408 = arith.constant 0 : index
      %swap3A_409 = tpu.vector_load %arg6[%swap3A_407, %swap3A_408] {strides = array<i32>} : memref<64x768xf32, #tpu.memory_space<vmem>>, vector<16xf32>,
      tpu.vector_store %arg6[%swap3A_407, %swap3A_408], %mul3A_406 {strides = array<i32>} : memref<64x768xf32, #tpu.memory_space<vmem>>, vector<16xf32>,
      %scan3A_410 = arith.constant 0 : i32
      %scan3A_411 = arith.constant 2 : i32
      %scan3A_412 = arith.addi %scan3A_387, %scan3A_411 : i32
      %add3A_413 = arith.constant 832 : i32
      %add3A_414 = arith.addi %add3A_413, %scan3A_412 : i32
      %mul3A_415 = arith.constant 6 : i32
      %mul3A_416 = arith.muli %add3A_414, %mul3A_415 : i32
      %get3A_417 = arith.index_cast %mul3A_416 : i32 to index
      %get3A_418 = tpu.vector_load %arg4[%get3A_417] {strides = array<i32>} : memref<6160xf32, #tpu.memory_space<vmem>>, vector<16xf32>,
      %mul3A_419 = arith.mulf %get3A_418, %convert_element_type3A_25 : vector<16xf32>
      %swap3A_420 = arith.index_cast %scan3A_412 : i32 to index
      %swap3A_421 = arith.constant 0 : index
      %swap3A_422 = tpu.vector_load %arg6[%swap3A_420, %swap3A_421] {strides = array<i32>} : memref<64x768xf32, #tpu.memory_space<vmem>>, vector<16xf32>,
      tpu.vector_store %arg6[%swap3A_420, %swap3A_421], %mul3A_419 {strides = array<i32>} : memref<64x768xf32, #tpu.memory_space<vmem>>, vector<16xf32>,
      %scan3A_423 = arith.constant 0 : i32
      %scan3A_424 = arith.constant 3 : i32
      %scan3A_425 = arith.addi %scan3A_387, %scan3A_424 : i32
      %add3A_426 = arith.constant 832 : i32
      %add3A_427 = arith.addi %add3A_426, %scan3A_425 : i32
      %mul3A_428 = arith.constant 6 : i32
      %mul3A_429 = arith.muli %add3A_427, %mul3A_428 : i32
      %get3A_430 = arith.index_cast %mul3A_429 : i32 to index
      %get3A_431 = tpu.vector_load %arg4[%get3A_430] {strides = array<i32>} : memref<6160xf32, #tpu.memory_space<vmem>>, vector<16xf32>,
      %mul3A_432 = arith.mulf %get3A_431, %convert_element_type3A_25 : vector<16xf32>
      %swap3A_433 = arith.index_cast %scan3A_425 : i32 to index
      %swap3A_434 = arith.constant 0 : index
      %swap3A_435 = tpu.vector_load %arg6[%swap3A_433, %swap3A_434] {strides = array<i32>} : memref<64x768xf32, #tpu.memory_space<vmem>>, vector<16xf32>,
      tpu.vector_store %arg6[%swap3A_433, %swap3A_434], %mul3A_432 {strides = array<i32>} : memref<64x768xf32, #tpu.memory_space<vmem>>, vector<16xf32>,
      %scan3A_436 = arith.constant 0 : i32
      scf.yield %scan3A_436 : i32
    }
    %scan3A_324 = arith.constant 64 : i32
    %add3A_325 = arith.constant 832 : i32
    %add3A_326 = arith.addi %sub3A_21, %add3A_325 : i32
    %dma_start3A_327 = arith.constant 0 : i32
    %dma_start3A_328 = tpu.memref_slice %arg3[%select_n3A, %add3A_326, %dma_start3A_327] : memref<4x8192x768xf32, #tpu.memory_space<hbm>> -> memref<1x64x768xf32, #tpu.memory_space<hbm>>
    %dma_start3A_329 = tpu.memref_squeeze %dma_start3A_328 : memref<1x64x768xf32, #tpu.memory_space<hbm>> -> memref<64x768xf32, #tpu.memory_space<hbm>>
    %dma_start3A_330 = arith.constant 0 : i32
    %dma_start3A_331 = tpu.memref_slice %arg3[%select_n3A, %add3A_326, %dma_start3A_330] : memref<4x8192x768xf32, #tpu.memory_space<hbm>> -> memref<1x64x768xf32, #tpu.memory_space<hbm>>
    %dma_start3A_332 = tpu.memref_squeeze %dma_start3A_331 : memref<1x64x768xf32, #tpu.memory_space<hbm>> -> memref<64x768xf32, #tpu.memory_space<hbm>>
    tpu.enqueue_dma source(%arg6 : memref<64x768xf32, #tpu.memory_space<vmem>>) target(%dma_start3A_332 : memref<64x768xf32, #tpu.memory_space<hbm>>) target_semaphore(%arg9 : memref<!tpu.dma_semaphore, #tpu.memory_space<semaphore_mem>>)
    %dma_wait3A_333 = arith.constant 0 : i32
    %dma_wait3A_334 = tpu.memref_slice %arg3[%select_n3A, %add3A_305, %dma_wait3A_333] : memref<4x8192x768xf32, #tpu.memory_space<hbm>> -> memref<1x64x768xf32, #tpu.memory_space<hbm>>
    %dma_wait3A_335 = tpu.memref_squeeze %dma_wait3A_334 : memref<1x64x768xf32, #tpu.memory_space<hbm>> -> memref<64x768xf32, #tpu.memory_space<hbm>>
    %dma_wait3A_336 = arith.constant 0 : i32
    %dma_wait3A_337 = tpu.memref_slice %arg3[%select_n3A, %add3A_305, %dma_wait3A_336] : memref<4x8192x768xf32, #tpu.memory_space<hbm>> -> memref<1x64x768xf32, #tpu.memory_space<hbm>>
    %dma_wait3A_338 = tpu.memref_squeeze %dma_wait3A_337 : memref<1x64x768xf32, #tpu.memory_space<hbm>> -> memref<64x768xf32, #tpu.memory_space<hbm>>
    tpu.wait_dma2 semaphore(%arg8 : memref<!tpu.dma_semaphore, #tpu.memory_space<semaphore_mem>>) src(%arg5 : memref<64x768xf32, #tpu.memory_space<vmem>>) dst(%dma_wait3A_338 : memref<64x768xf32, #tpu.memory_space<hbm>>)
    %scan3A_339 = arith.constant 0 : i32
    %scan3A_340 = arith.constant 0 : i32
    %scan3A_341 = arith.constant 64 : i32
    %scan3A_342 = arith.addi %scan3A_340, %scan3A_341 : i32
    %scan3A_343 = arith.constant 4 : i32
    %scan3A_344 = scf.for %scan3A_387 = %scan3A_340 to %scan3A_342 step %scan3A_343 iter_args(%scan3A_388 = %scan3A_339) -> (i32)  : i32 {
      %add3A_389 = arith.constant 896 : i32
      %add3A_390 = arith.addi %add3A_389, %scan3A_387 : i32
      %mul3A_391 = arith.constant 6 : i32
      %mul3A_392 = arith.muli %add3A_390, %mul3A_391 : i32
      %get3A = arith.index_cast %mul3A_392 : i32 to index
      %get3A_393 = tpu.vector_load %arg4[%get3A] {strides = array<i32>} : memref<6160xf32, #tpu.memory_space<vmem>>, vector<16xf32>,
      %mul3A_394 = arith.mulf %get3A_393, %convert_element_type3A_25 : vector<16xf32>
      %swap3A = arith.index_cast %scan3A_387 : i32 to index
      %swap3A_395 = arith.constant 0 : index
      %swap3A_396 = tpu.vector_load %arg5[%swap3A, %swap3A_395] {strides = array<i32>} : memref<64x768xf32, #tpu.memory_space<vmem>>, vector<16xf32>,
      tpu.vector_store %arg5[%swap3A, %swap3A_395], %mul3A_394 {strides = array<i32>} : memref<64x768xf32, #tpu.memory_space<vmem>>, vector<16xf32>,
      %scan3A_397 = arith.constant 0 : i32
      %scan3A_398 = arith.constant 1 : i32
      %scan3A_399 = arith.addi %scan3A_387, %scan3A_398 : i32
      %add3A_400 = arith.constant 896 : i32
      %add3A_401 = arith.addi %add3A_400, %scan3A_399 : i32
      %mul3A_402 = arith.constant 6 : i32
      %mul3A_403 = arith.muli %add3A_401, %mul3A_402 : i32
      %get3A_404 = arith.index_cast %mul3A_403 : i32 to index
      %get3A_405 = tpu.vector_load %arg4[%get3A_404] {strides = array<i32>} : memref<6160xf32, #tpu.memory_space<vmem>>, vector<16xf32>,
      %mul3A_406 = arith.mulf %get3A_405, %convert_element_type3A_25 : vector<16xf32>
      %swap3A_407 = arith.index_cast %scan3A_399 : i32 to index
      %swap3A_408 = arith.constant 0 : index
      %swap3A_409 = tpu.vector_load %arg5[%swap3A_407, %swap3A_408] {strides = array<i32>} : memref<64x768xf32, #tpu.memory_space<vmem>>, vector<16xf32>,
      tpu.vector_store %arg5[%swap3A_407, %swap3A_408], %mul3A_406 {strides = array<i32>} : memref<64x768xf32, #tpu.memory_space<vmem>>, vector<16xf32>,
      %scan3A_410 = arith.constant 0 : i32
      %scan3A_411 = arith.constant 2 : i32
      %scan3A_412 = arith.addi %scan3A_387, %scan3A_411 : i32
      %add3A_413 = arith.constant 896 : i32
      %add3A_414 = arith.addi %add3A_413, %scan3A_412 : i32
      %mul3A_415 = arith.constant 6 : i32
      %mul3A_416 = arith.muli %add3A_414, %mul3A_415 : i32
      %get3A_417 = arith.index_cast %mul3A_416 : i32 to index
      %get3A_418 = tpu.vector_load %arg4[%get3A_417] {strides = array<i32>} : memref<6160xf32, #tpu.memory_space<vmem>>, vector<16xf32>,
      %mul3A_419 = arith.mulf %get3A_418, %convert_element_type3A_25 : vector<16xf32>
      %swap3A_420 = arith.index_cast %scan3A_412 : i32 to index
      %swap3A_421 = arith.constant 0 : index
      %swap3A_422 = tpu.vector_load %arg5[%swap3A_420, %swap3A_421] {strides = array<i32>} : memref<64x768xf32, #tpu.memory_space<vmem>>, vector<16xf32>,
      tpu.vector_store %arg5[%swap3A_420, %swap3A_421], %mul3A_419 {strides = array<i32>} : memref<64x768xf32, #tpu.memory_space<vmem>>, vector<16xf32>,
      %scan3A_423 = arith.constant 0 : i32
      %scan3A_424 = arith.constant 3 : i32
      %scan3A_425 = arith.addi %scan3A_387, %scan3A_424 : i32
      %add3A_426 = arith.constant 896 : i32
      %add3A_427 = arith.addi %add3A_426, %scan3A_425 : i32
      %mul3A_428 = arith.constant 6 : i32
      %mul3A_429 = arith.muli %add3A_427, %mul3A_428 : i32
      %get3A_430 = arith.index_cast %mul3A_429 : i32 to index
      %get3A_431 = tpu.vector_load %arg4[%get3A_430] {strides = array<i32>} : memref<6160xf32, #tpu.memory_space<vmem>>, vector<16xf32>,
      %mul3A_432 = arith.mulf %get3A_431, %convert_element_type3A_25 : vector<16xf32>
      %swap3A_433 = arith.index_cast %scan3A_425 : i32 to index
      %swap3A_434 = arith.constant 0 : index
      %swap3A_435 = tpu.vector_load %arg5[%swap3A_433, %swap3A_434] {strides = array<i32>} : memref<64x768xf32, #tpu.memory_space<vmem>>, vector<16xf32>,
      tpu.vector_store %arg5[%swap3A_433, %swap3A_434], %mul3A_432 {strides = array<i32>} : memref<64x768xf32, #tpu.memory_space<vmem>>, vector<16xf32>,
      %scan3A_436 = arith.constant 0 : i32
      scf.yield %scan3A_436 : i32
    }
    %scan3A_345 = arith.constant 64 : i32
    %add3A_346 = arith.constant 896 : i32
    %add3A_347 = arith.addi %sub3A_21, %add3A_346 : i32
    %dma_start3A_348 = arith.constant 0 : i32
    %dma_start3A_349 = tpu.memref_slice %arg3[%select_n3A, %add3A_347, %dma_start3A_348] : memref<4x8192x768xf32, #tpu.memory_space<hbm>> -> memref<1x64x768xf32, #tpu.memory_space<hbm>>
    %dma_start3A_350 = tpu.memref_squeeze %dma_start3A_349 : memref<1x64x768xf32, #tpu.memory_space<hbm>> -> memref<64x768xf32, #tpu.memory_space<hbm>>
    %dma_start3A_351 = arith.constant 0 : i32
    %dma_start3A_352 = tpu.memref_slice %arg3[%select_n3A, %add3A_347, %dma_start3A_351] : memref<4x8192x768xf32, #tpu.memory_space<hbm>> -> memref<1x64x768xf32, #tpu.memory_space<hbm>>
    %dma_start3A_353 = tpu.memref_squeeze %dma_start3A_352 : memref<1x64x768xf32, #tpu.memory_space<hbm>> -> memref<64x768xf32, #tpu.memory_space<hbm>>
    tpu.enqueue_dma source(%arg5 : memref<64x768xf32, #tpu.memory_space<vmem>>) target(%dma_start3A_353 : memref<64x768xf32, #tpu.memory_space<hbm>>) target_semaphore(%arg8 : memref<!tpu.dma_semaphore, #tpu.memory_space<semaphore_mem>>)
    %dma_wait3A_354 = arith.constant 0 : i32
    %dma_wait3A_355 = tpu.memref_slice %arg3[%select_n3A, %add3A_326, %dma_wait3A_354] : memref<4x8192x768xf32, #tpu.memory_space<hbm>> -> memref<1x64x768xf32, #tpu.memory_space<hbm>>
    %dma_wait3A_356 = tpu.memref_squeeze %dma_wait3A_355 : memref<1x64x768xf32, #tpu.memory_space<hbm>> -> memref<64x768xf32, #tpu.memory_space<hbm>>
    %dma_wait3A_357 = arith.constant 0 : i32
    %dma_wait3A_358 = tpu.memref_slice %arg3[%select_n3A, %add3A_326, %dma_wait3A_357] : memref<4x8192x768xf32, #tpu.memory_space<hbm>> -> memref<1x64x768xf32, #tpu.memory_space<hbm>>
    %dma_wait3A_359 = tpu.memref_squeeze %dma_wait3A_358 : memref<1x64x768xf32, #tpu.memory_space<hbm>> -> memref<64x768xf32, #tpu.memory_space<hbm>>
    tpu.wait_dma2 semaphore(%arg9 : memref<!tpu.dma_semaphore, #tpu.memory_space<semaphore_mem>>) src(%arg6 : memref<64x768xf32, #tpu.memory_space<vmem>>) dst(%dma_wait3A_359 : memref<64x768xf32, #tpu.memory_space<hbm>>)
    %scan3A_360 = arith.constant 0 : i32
    %scan3A_361 = arith.constant 0 : i32
    %scan3A_362 = arith.constant 64 : i32
    %scan3A_363 = arith.addi %scan3A_361, %scan3A_362 : i32
    %scan3A_364 = arith.constant 4 : i32
    %scan3A_365 = scf.for %scan3A_387 = %scan3A_361 to %scan3A_363 step %scan3A_364 iter_args(%scan3A_388 = %scan3A_360) -> (i32)  : i32 {
      %add3A_389 = arith.constant 960 : i32
      %add3A_390 = arith.addi %add3A_389, %scan3A_387 : i32
      %mul3A_391 = arith.constant 6 : i32
      %mul3A_392 = arith.muli %add3A_390, %mul3A_391 : i32
      %get3A = arith.index_cast %mul3A_392 : i32 to index
      %get3A_393 = tpu.vector_load %arg4[%get3A] {strides = array<i32>} : memref<6160xf32, #tpu.memory_space<vmem>>, vector<16xf32>,
      %mul3A_394 = arith.mulf %get3A_393, %convert_element_type3A_25 : vector<16xf32>
      %swap3A = arith.index_cast %scan3A_387 : i32 to index
      %swap3A_395 = arith.constant 0 : index
      %swap3A_396 = tpu.vector_load %arg6[%swap3A, %swap3A_395] {strides = array<i32>} : memref<64x768xf32, #tpu.memory_space<vmem>>, vector<16xf32>,
      tpu.vector_store %arg6[%swap3A, %swap3A_395], %mul3A_394 {strides = array<i32>} : memref<64x768xf32, #tpu.memory_space<vmem>>, vector<16xf32>,
      %scan3A_397 = arith.constant 0 : i32
      %scan3A_398 = arith.constant 1 : i32
      %scan3A_399 = arith.addi %scan3A_387, %scan3A_398 : i32
      %add3A_400 = arith.constant 960 : i32
      %add3A_401 = arith.addi %add3A_400, %scan3A_399 : i32
      %mul3A_402 = arith.constant 6 : i32
      %mul3A_403 = arith.muli %add3A_401, %mul3A_402 : i32
      %get3A_404 = arith.index_cast %mul3A_403 : i32 to index
      %get3A_405 = tpu.vector_load %arg4[%get3A_404] {strides = array<i32>} : memref<6160xf32, #tpu.memory_space<vmem>>, vector<16xf32>,
      %mul3A_406 = arith.mulf %get3A_405, %convert_element_type3A_25 : vector<16xf32>
      %swap3A_407 = arith.index_cast %scan3A_399 : i32 to index
      %swap3A_408 = arith.constant 0 : index
      %swap3A_409 = tpu.vector_load %arg6[%swap3A_407, %swap3A_408] {strides = array<i32>} : memref<64x768xf32, #tpu.memory_space<vmem>>, vector<16xf32>,
      tpu.vector_store %arg6[%swap3A_407, %swap3A_408], %mul3A_406 {strides = array<i32>} : memref<64x768xf32, #tpu.memory_space<vmem>>, vector<16xf32>,
      %scan3A_410 = arith.constant 0 : i32
      %scan3A_411 = arith.constant 2 : i32
      %scan3A_412 = arith.addi %scan3A_387, %scan3A_411 : i32
      %add3A_413 = arith.constant 960 : i32
      %add3A_414 = arith.addi %add3A_413, %scan3A_412 : i32
      %mul3A_415 = arith.constant 6 : i32
      %mul3A_416 = arith.muli %add3A_414, %mul3A_415 : i32
      %get3A_417 = arith.index_cast %mul3A_416 : i32 to index
      %get3A_418 = tpu.vector_load %arg4[%get3A_417] {strides = array<i32>} : memref<6160xf32, #tpu.memory_space<vmem>>, vector<16xf32>,
      %mul3A_419 = arith.mulf %get3A_418, %convert_element_type3A_25 : vector<16xf32>
      %swap3A_420 = arith.index_cast %scan3A_412 : i32 to index
      %swap3A_421 = arith.constant 0 : index
      %swap3A_422 = tpu.vector_load %arg6[%swap3A_420, %swap3A_421] {strides = array<i32>} : memref<64x768xf32, #tpu.memory_space<vmem>>, vector<16xf32>,
      tpu.vector_store %arg6[%swap3A_420, %swap3A_421], %mul3A_419 {strides = array<i32>} : memref<64x768xf32, #tpu.memory_space<vmem>>, vector<16xf32>,
      %scan3A_423 = arith.constant 0 : i32
      %scan3A_424 = arith.constant 3 : i32
      %scan3A_425 = arith.addi %scan3A_387, %scan3A_424 : i32
      %add3A_426 = arith.constant 960 : i32
      %add3A_427 = arith.addi %add3A_426, %scan3A_425 : i32
      %mul3A_428 = arith.constant 6 : i32
      %mul3A_429 = arith.muli %add3A_427, %mul3A_428 : i32
      %get3A_430 = arith.index_cast %mul3A_429 : i32 to index
      %get3A_431 = tpu.vector_load %arg4[%get3A_430] {strides = array<i32>} : memref<6160xf32, #tpu.memory_space<vmem>>, vector<16xf32>,
      %mul3A_432 = arith.mulf %get3A_431, %convert_element_type3A_25 : vector<16xf32>
      %swap3A_433 = arith.index_cast %scan3A_425 : i32 to index
      %swap3A_434 = arith.constant 0 : index
      %swap3A_435 = tpu.vector_load %arg6[%swap3A_433, %swap3A_434] {strides = array<i32>} : memref<64x768xf32, #tpu.memory_space<vmem>>, vector<16xf32>,
      tpu.vector_store %arg6[%swap3A_433, %swap3A_434], %mul3A_432 {strides = array<i32>} : memref<64x768xf32, #tpu.memory_space<vmem>>, vector<16xf32>,
      %scan3A_436 = arith.constant 0 : i32
      scf.yield %scan3A_436 : i32
    }
    %scan3A_366 = arith.constant 64 : i32
    %add3A_367 = arith.constant 960 : i32
    %add3A_368 = arith.addi %sub3A_21, %add3A_367 : i32
    %dma_start3A_369 = arith.constant 0 : i32
    %dma_start3A_370 = tpu.memref_slice %arg3[%select_n3A, %add3A_368, %dma_start3A_369] : memref<4x8192x768xf32, #tpu.memory_space<hbm>> -> memref<1x64x768xf32, #tpu.memory_space<hbm>>
    %dma_start3A_371 = tpu.memref_squeeze %dma_start3A_370 : memref<1x64x768xf32, #tpu.memory_space<hbm>> -> memref<64x768xf32, #tpu.memory_space<hbm>>
    %dma_start3A_372 = arith.constant 0 : i32
    %dma_start3A_373 = tpu.memref_slice %arg3[%select_n3A, %add3A_368, %dma_start3A_372] : memref<4x8192x768xf32, #tpu.memory_space<hbm>> -> memref<1x64x768xf32, #tpu.memory_space<hbm>>
    %dma_start3A_374 = tpu.memref_squeeze %dma_start3A_373 : memref<1x64x768xf32, #tpu.memory_space<hbm>> -> memref<64x768xf32, #tpu.memory_space<hbm>>
    tpu.enqueue_dma source(%arg6 : memref<64x768xf32, #tpu.memory_space<vmem>>) target(%dma_start3A_374 : memref<64x768xf32, #tpu.memory_space<hbm>>) target_semaphore(%arg9 : memref<!tpu.dma_semaphore, #tpu.memory_space<semaphore_mem>>)
    %dma_wait3A_375 = arith.constant 0 : i32
    %dma_wait3A_376 = tpu.memref_slice %arg3[%select_n3A, %add3A_347, %dma_wait3A_375] : memref<4x8192x768xf32, #tpu.memory_space<hbm>> -> memref<1x64x768xf32, #tpu.memory_space<hbm>>
    %dma_wait3A_377 = tpu.memref_squeeze %dma_wait3A_376 : memref<1x64x768xf32, #tpu.memory_space<hbm>> -> memref<64x768xf32, #tpu.memory_space<hbm>>
    %dma_wait3A_378 = arith.constant 0 : i32
    %dma_wait3A_379 = tpu.memref_slice %arg3[%select_n3A, %add3A_347, %dma_wait3A_378] : memref<4x8192x768xf32, #tpu.memory_space<hbm>> -> memref<1x64x768xf32, #tpu.memory_space<hbm>>
    %dma_wait3A_380 = tpu.memref_squeeze %dma_wait3A_379 : memref<1x64x768xf32, #tpu.memory_space<hbm>> -> memref<64x768xf32, #tpu.memory_space<hbm>>
    tpu.wait_dma2 semaphore(%arg8 : memref<!tpu.dma_semaphore, #tpu.memory_space<semaphore_mem>>) src(%arg5 : memref<64x768xf32, #tpu.memory_space<vmem>>) dst(%dma_wait3A_380 : memref<64x768xf32, #tpu.memory_space<hbm>>)
    %dma_wait3A_381 = arith.constant 0 : i32
    %dma_wait3A_382 = tpu.memref_slice %arg3[%select_n3A, %add3A_368, %dma_wait3A_381] : memref<4x8192x768xf32, #tpu.memory_space<hbm>> -> memref<1x64x768xf32, #tpu.memory_space<hbm>>
    %dma_wait3A_383 = tpu.memref_squeeze %dma_wait3A_382 : memref<1x64x768xf32, #tpu.memory_space<hbm>> -> memref<64x768xf32, #tpu.memory_space<hbm>>
    %dma_wait3A_384 = arith.constant 0 : i32
    %dma_wait3A_385 = tpu.memref_slice %arg3[%select_n3A, %add3A_368, %dma_wait3A_384] : memref<4x8192x768xf32, #tpu.memory_space<hbm>> -> memref<1x64x768xf32, #tpu.memory_space<hbm>>
    %dma_wait3A_386 = tpu.memref_squeeze %dma_wait3A_385 : memref<1x64x768xf32, #tpu.memory_space<hbm>> -> memref<64x768xf32, #tpu.memory_space<hbm>>
    tpu.wait_dma2 semaphore(%arg9 : memref<!tpu.dma_semaphore, #tpu.memory_space<semaphore_mem>>) src(%arg6 : memref<64x768xf32, #tpu.memory_space<vmem>>) dst(%dma_wait3A_386 : memref<64x768xf32, #tpu.memory_space<hbm>>)
    return
  }
}

</mosaic_0001>

<sc_bundles>
// kernel: kernel.3.cloned.1.call-start
scs
__scs_entry_jumppad:
0x0: {  	(pc) =	sbr.rel $0x88, $3  }
0x1: {  	(tag) =	ssettag $0x0;
	lr =	simm.s32 $0x1  }
0x2: {  	[smem:$0x3FA0] =	sst lr;
	_ =	strace $0xD0000000  }
0x3: {  	_ = 	snop  }
0x4: {  	_ = 	snop  }
0x5: {  	_ = 	snop  }
0x6: {  	_ = 	snop  }
0x7: {  	_ = 	snop  }
__scs_overlays_trampoline_lowered:
0x8: {  	[smem:$0x3FAF] =	sst s0  }
0x9: {  	[smem:$0x3FB0] =	sst s1  }
0xa: {  	[smem:$0x3FB1] =	sst s2  }
0xb: {  	[smem:$0x3FB2] =	sst s3  }
0xc: {  	[smem:$0x3FB3] =	sst s4  }
0xd: {  	[smem:$0x3FB4] =	sst s5  }
0xe: {  	[smem:$0x3FB5] =	sst s6  }
0xf: {  	[smem:$0x3FB6] =	sst s7  }
0x10: {  	[smem:$0x3FB7] =	sst s8  }
0x11: {  	[smem:$0x3FB8] =	sst s9;
	s0 =	simm.s32 @!p0 $0x0  }
0x12: {  	s1 =	sld [smem:$0x3F9E];
	s0 =	simm.s32 @p0 $0x1  }
0x13: {  	[smem:$0x3FB9] =	sst s0;
	s0 =	simm.s32 @!p1 $0x0  }
0x14: {  	s2 =	sld [smem:$0x3F9D];
	s0 =	simm.s32 @p1 $0x1  }
0x15: {  	[smem:$0x3FBA] =	sst s0;
	s0 =	simm.s32 @!p2 $0x0  }
0x16: {  	s3 =	sld [smem:$0x3FDB];
	s0 =	simm.s32 @p2 $0x1  }
0x17: {  	s4 =	simm.s32 $0x1BF5;
	[smem:$0x3FBC] =	sst s0  }
0x18: {  	s0 =	sld [smem:$0x3F9F];
	_ =	swait.ge [sflag:s4], $0x0  }
0x19: {  	s7 =	sld [smem:$0x3FA0]  }
0x1a: {  	s8 =	sadd.s32 $0xFFFFE003, lr  }
0x1b: {  	s9 =	sadd.s32 $0xFFFFFEF7, lr;
	s5 =	simm.s32 $0xFFFFFFFF;
	p2 =	slt.u32 s8, $0xFFFFF086  }
0x1c: {  	p1 =	slt.u32 s9, $0xF7A;
	s5 =	simm.s32 @!p2 $0x0  }
0x1d: {  	s5 =	simm.s32 @p1 $0x1;
	p0 =	seq.s32 s7, s2  }
0x1e: {  	s7 =	smul.u32 @!p0 $0xF7A, s2;
	p2 =	seq.s32 @!p0 s5, $0x0  }
0x1f: {  	s9 =	smul.u32 $0xF7A, s1;
	s8 =	simm.s32 @!p0 $0x1BF5;
	p2 =	por !p2, p0  }
0x20: {  	[sflag:s8] =	ssyncset.s32 @!p0 $0xFFFFF086;
	s6 =	sadd.s32 @!p0 s3, s7;
	s7 =	simm.s32 @!p0 $0x108  }
0x21: {  	s3 =	sadd.s32 s3, s9;
	s6 =	sadd.s32 @!p0 $0x88, s6;
	s7 =	simm.s32 @p2 $0x1082  }
0x22: {  	[simem:s7], [sflag:s8] =	dma.local @!p0 [hbm:s6], $0xF7A  }
0x23: {  	s9 =	sor.u32 $0xD0000000, s2;
	s6 =	simm.s32 $0x108;
	_ =	swait.ge @!p0 [sflag:s8], $0x0  }
0x24: {  	s3 =	sadd.s32 $0x88, s3;
	s6 =	simm.s32 @!p1 $0x1082;
	[sflag:s4] =	ssyncset.s32 $0xFFFFF086  }
0x25: {  	[simem:s6], [sflag:s4] =	dma.local [hbm:s3], $0xF7A  }
0x26: {  	[smem:$0x3FA0] =	sst s1;
	(tag) =	ssettag s2;
	_ =	strace s9  }
0x27: {  	s1 =	sld [smem:$0x3FB0]  }
0x28: {  	s2 =	sld [smem:$0x3FB1]  }
0x29: {  	s4 =	sld [smem:$0x3FB3]  }
0x2a: {  	p0 =	seq.s32 s5, $0x0;
	s5 =	sld [smem:$0x3FB4]  }
0x2b: {  	s6 =	sld [smem:$0x3FB5]  }
0x2c: {  	s7 =	sld [smem:$0x3FB6]  }
0x2d: {  	s3 =	simm.s32 $0x108;
	s8 =	sld [smem:$0x3FB7]  }
0x2e: {  	s3 =	simm.s32 @!p0 $0x1082;
	s9 =	sld [smem:$0x3FB8]  }
0x2f: {  	lr =	sadd.s32 s0, s3;
	s0 =	sld [smem:$0x3FAF]  }
0x30: {  	s3 =	sld [smem:$0x3FB2]  }
0x31: {  	[smem:$0x3FBB] =	sst s10  }
0x32: {  	s10 =	sld [smem:$0x3FB9];
	_ =	sdelay $0x3  }
0x33: {  	p0 =	seq.s32 s10, $0x1;
	s10 =	sld [smem:$0x3FBB];
	_ =	sdelay $0x3  }
0x34: {  	[smem:$0x3FBB] =	sst s10  }
0x35: {  	s10 =	sld [smem:$0x3FBA];
	_ =	sdelay $0x3  }
0x36: {  	p1 =	seq.s32 s10, $0x1;
	s10 =	sld [smem:$0x3FBB];
	_ =	sdelay $0x3  }
0x37: {  	[smem:$0x3FBB] =	sst s10  }
0x38: {  	s10 =	sld [smem:$0x3FBC]  }
0x39: {  	_ = 	snop;
	(pc) =	sbr.ind lr, $3  }
0x3a: {  	_ = 	snop  }
0x3b: {  	_ = 	snop  }
0x3c: {  	p2 =	seq.s32 s10, $0x1;
	s10 =	sld [smem:$0x3FBB]  }
0x3d: {  	_ =	shalt  }
0x3e: {  	_ =	shalt  }
0x3f: {  	_ =	shalt  }
0x40: {  	_ =	shalt  }
0x41: {  	_ =	shalt  }
0x42: {  	_ =	shalt  }
0x43: {  	_ =	shalt  }
0x44: {  	_ =	shalt  }
0x45: {  	_ =	shalt  }
0x46: {  	_ =	shalt  }
0x47: {  	_ =	shalt  }
0x48: {  	_ =	shalt  }
0x49: {  	_ =	shalt  }
0x4a: {  	_ =	shalt  }
0x4b: {  	_ =	shalt  }
0x4c: {  	_ =	shalt  }
0x4d: {  	_ =	shalt  }
0x4e: {  	_ =	shalt  }
0x4f: {  	_ =	shalt  }
0x50: {  	_ =	shalt  }
0x51: {  	_ =	shalt  }
0x52: {  	_ =	shalt  }
0x53: {  	_ =	shalt  }
0x54: {  	_ =	shalt  }
0x55: {  	_ =	shalt  }
0x56: {  	_ =	shalt  }
0x57: {  	_ =	shalt  }
0x58: {  	_ =	shalt  }
0x59: {  	_ =	shalt  }
0x5a: {  	_ =	shalt  }
0x5b: {  	_ =	shalt  }
0x5c: {  	_ =	shalt  }
0x5d: {  	_ =	shalt  }
0x5e: {  	_ =	shalt  }
0x5f: {  	_ =	shalt  }
0x60: {  	_ =	shalt  }
0x61: {  	_ =	shalt  }
0x62: {  	_ =	shalt  }
0x63: {  	_ =	shalt  }
0x64: {  	_ =	shalt  }
0x65: {  	_ =	shalt  }
0x66: {  	_ =	shalt  }
0x67: {  	_ =	shalt  }
0x68: {  	_ =	shalt  }
0x69: {  	_ =	shalt  }
0x6a: {  	_ =	shalt  }
0x6b: {  	_ =	shalt  }
0x6c: {  	_ =	shalt  }
0x6d: {  	_ =	shalt  }
0x6e: {  	_ =	shalt  }
0x6f: {  	_ =	shalt  }
0x70: {  	_ =	shalt  }
0x71: {  	_ =	shalt  }
0x72: {  	_ =	shalt  }
0x73: {  	_ =	shalt  }
0x74: {  	_ =	shalt  }
0x75: {  	_ =	shalt  }
0x76: {  	_ =	shalt  }
0x77: {  	_ =	shalt  }
0x78: {  	_ =	shalt  }
0x79: {  	_ =	shalt  }
0x7a: {  	_ =	shalt  }
0x7b: {  	_ =	shalt  }
0x7c: {  	_ =	shalt  }
0x7d: {  	_ =	shalt  }
0x7e: {  	_ =	shalt  }
0x7f: {  	_ =	shalt  }
0x80: {  	_ =	shalt  }
0x81: {  	_ =	shalt  }
0x82: {  	_ =	shalt  }
0x83: {  	_ =	shalt  }
0x84: {  	_ =	shalt  }
0x85: {  	_ =	shalt  }
0x86: {  	_ =	shalt  }
0x87: {  	_ =	shalt  }
.Lfunc_end0:
.L_simem_size_0:
called_computation_lowered:
.L_overlay_start_0:
0x88: {  	s2 =	sld [smem:$0x3FD9]  }
0x89: {  	s3 =	sld [smem:$0x3FFE];
	_ =	sdelay $0x1  }
0x8a: {  	s1 =	srdreg.scid  }
0x8b: {  	s0 =	sand.u32 $0x1, s1  }
0x8c: {  	s17 =	sshll.u32 s0, $0xA;
	s2 =	sadd.s32 s3, s2  }
0x8d: {  	s2 =	sadd.s32 s2, s17  }
0x8e: {  	[smem:$0x3FC7] =	sst s2  }
0x8f: {  	_ = 	snop  }
0x90: {  	s2 =	sld [smem:$0x3FD0];
	(tm) =	ssettm $0x1  }
0x91: {  	s18 =	sld [smem:$0x3FFB];
	_ =	sdelay $0x3  }
0x92: {  	_ =	strace s18  }
0x93: {  	s3 =	sld [smem:$0x3FFC];
	_ =	sdelay $0x3  }
0x94: {  	_ =	strace s3  }
0x95: {  	s3 =	sld [smem:$0x3FFD];
	_ =	sdelay $0x3  }
0x96: {  	_ =	strace s3  }
0x97: {  	_ =	strace $0x8FFFFFFF  }
0x98: {  	s19 =	sld [smem:$0x3FDB];
	_ =	sdelay $0x1  }
0x99: {  	s4 =	simm.s32 $_scs_section_size  }
0x9a: {  	s5 =	simm.s32 $_size__tile_overlayer_lowered;
	s6 =	simm.s32 $_tile_overlayer_lowered  }
0x9b: {  	s22 =	simm.s32 $0x1BFF;
	s21 =	sshll.u32 s6, $0x1;
	s3 =	sadd.s32 s4, s19  }
0x9c: {  	s7 =	simm.s32 $0x0;
	s20 =	sshll.u32 s5, $0x1;
	s5 =	sadd.s32 s21, s3  }
0x9d: {  	[timem:s7], [sflag:s22] =	dma.local [hbm:s5], s20  }
0x9e: {  	_ =	swait.ge [sflag:s22], s20  }
0x9f: {  	s4 =	ssub.s32 $0x0, s20;
	[sflag:s22] =	ssyncset.done $0x0  }
0xa0: {  	[sflag:s22] =	ssyncadd.s32 s4;
	_ =	sdelay $0x1  }
0xa1: {  	s23 =	simm.s32 $0x1B8B  }
0xa2: {  	_ =	swait.ge [sflag:s23], $0x1  }
0xa3: {  	[sflag:s23] =	ssyncset.done $0x0  }
0xa4: {  	s25 =	simm.s32 $0x1B8E;
	s24 =	sld [smem:$0x3FFE];
	[sflag:s23] =	ssyncadd.s32 $0xFFFFFFFF  }
0xa5: {  	s26 =	simm.s32 $execute0_lowered;
	[smem:$0x3FD2] =	sst s25  }
0xa6: {  	s5 =	sshll.u32 s26, $0x1;
	_ =	strace $0x80000046;
	[dreg:$0x1] =	wrdreg $0xFFFFFFFF  }
0xa7: {  	s28 =	simm.s32 $_size_execute0_lowered;
	s3 =	sadd.s32 s3, s5;
	[dreg:$0x0] =	wrdreg $0x0  }
0xa8: {  	s5 =	sshll.u32 s28, $0x1;
	[dreg:$0x2] =	wrdreg s3  }
0xa9: {  	[dreg:$0x3] =	wrdreg s5  }
0xaa: {  	[dreg:$0x4] =	wrdreg $0xC0  }
0xab: {  	_ =	task [dreg:s7], $0x5FFFF  }
0xac: {  	[dreg:$0x1] =	wrdreg $0xFFFFFFFF  }
0xad: {  	[dreg:$0x0] =	wrdreg $0x60  }
0xae: {  	[dreg:$0x2] =	wrdreg s24  }
0xaf: {  	[dreg:$0x3] =	wrdreg s2  }
0xb0: {  	[dreg:$0x4] =	wrdreg $0x9  }
0xb1: {  	_ =	task.clear_ibuf [dreg:s7], $0x5FFFF;
	_ =	strace $0x90000046  }
0xb2: {  	s29 =	simm.s32 $0x9;
	_ =	strace $0x80000048  }
0xb3: {  	_ =	swait.ge [sflag:s29], $0x1  }
0xb4: {  	[sflag:s29] =	ssyncadd.s32 $0xFFFFFFFF  }
0xb5: {  	_ =	strace $0x90000048  }
0xb6: {  	_ =	sfence  }
0xb7: {  	s30 =	sld [smem:$0x0];
	_ =	sdelay $0x2  }
0xb8: {  	s31 =	sshll.u32 s1, $0xD;
	s1 =	sshrl.u32 s1, $0x2  }
0xb9: {  	s3 =	sand.u32 $0x4000, s31;
	s1 =	sadd.s32 s1, s30  }
0xba: {  	s0 =	sor.u32 s3, s0;
	s1 =	sshll.u32 s1, $0x11  }
0xbb: {  	s0 =	sor.u32 s1, s0  }
0xbc: {  	s0 =	sadd.s32 $0x8F2B, s0  }
0xbd: {  	[sflag:s0] =	ssyncadd.remote.s32 $0x1  }
0xbe: {  	_ =	sfence.sel $0xFFFF  }
0xbf: {  	[dreg:$0x0] =	wrdreg $0xFFFFFFFF;
	(pc) =	sbr.abs _section_cstart, $3  }
0xc0: {  	[dreg:$0x1] =	wrdreg $0xFFFFFFFF  }
0xc1: {  	_ =	task.clear_ibuf [dreg:s7], $0x2FFFF;
	_ =	strace $0x9FFFFFFF  }
0xc2: {  	(tm) =	ssettm $0x7FFFFFFF  }
0xc3: {  	_ =	shalt  }
tec
execute0_lowered:
.L_overlay_start_1:
0x0: {  	(tag) =	ssettag $0x1  }
0x1: {  	s1 =	srdreg.scid  }
0x2: {  	s0 =	stileid.u32;
	s6 =	rddreg [dreg:$0x0]  }
0x3: {  	s19 =	rddreg [dreg:$0x1];
	s22 =	simm.s32 $0x1880;
	s23 =	simm.s32 $0xD880  }
0x4: {  	s1 =	sand.u32 $0x1, s1;
	s2 =	sshll.u32 s0, $0x1;
	s25 =	sshrl.u32 s0, $0x2  }
0x5: {  	s24 =	simm.s32 $0x2;
	s3 =	sor.u32 s1, s2;
	s5 =	sshll.u32 s25, $0xD  }
0x6: {  	s26 =	smul.u32 $0x600000, s25;
	s2 =	simm.s32 $0x0;
	s4 =	sshll.u32 s3, $0xA  }
0x7: {  	s1 =	ssub.s32 $0x2, s1;
	s3 =	smul.u32 $0x300, s3;
	s4 =	ssub.s32 s4, s5  }
0x8: {  	s25 =	simm.s32 $0x3;
	[smem:$0x7FF] =	sst s2;
	s4 =	sshrl.u32 s4, $0x3  }
0x9: {  	s28 =	sshrl.u32 s1, $0x1;
	s3 =	sadd.s32 s3, s6;
	s4 =	smul.u32 $0x1800, s4  }
0xa: {  	_ =	strace $0x80000047;
	s1 =	ssub.s32 s1, s28;
	s29 =	sadd.s32 $0x400, s3  }
0xb: {  	[dreg:$0x3] =	wrdreg s29;
	s17 =	sadd.s32 s26, s4;
	s26 =	simm.s32 $0x0  }
0xc: {  	s5 =	sshrl.u32 s17, $0x3;
	s9 =	sadd.s32 $0x48000, s17;
	s11 =	sadd.s32 $0x54000, s17  }
0xd: {  	s12 =	sadd.s32 $0x60000, s17;
	s13 =	sadd.s32 $0x6C000, s17;
	s14 =	sadd.s32 $0x78000, s17  }
0xe: {  	s15 =	sadd.s32 $0x84000, s17;
	s16 =	sadd.s32 $0x90000, s17;
	s18 =	sadd.s32 $0x9C000, s17  }
0xf: {  	s20 =	sadd.s32 $0xA8000, s17;
	s21 =	sadd.s32 $0xB4000, s17;
	s4 =	sadd.s32 s19, s5  }
0x10: {  	s10 =	sshrl.u32 s9, $0x3;
	s11 =	sshrl.u32 s11, $0x3;
	s12 =	sshrl.u32 s12, $0x3  }
0x11: {  	s13 =	sshrl.u32 s13, $0x3;
	s14 =	sshrl.u32 s14, $0x3;
	s15 =	sshrl.u32 s15, $0x3  }
0x12: {  	s16 =	sshrl.u32 s16, $0x3;
	s18 =	sshrl.u32 s18, $0x3;
	s30 =	sshrl.u32 s20, $0x3  }
0x13: {  	s31 =	sshrl.u32 s21, $0x3;
	s20 =	smax.u32 s1, $0x1;
	s21 =	simm.s32 $0x1  }
0x14: {  	s5 =	sadd.s32 $0x1800, s4;
	s6 =	sadd.s32 $0x3000, s4;
	s7 =	sadd.s32 $0x4800, s4  }
0x15: {  	s8 =	sadd.s32 $0x6000, s4;
	s9 =	sadd.s32 $0x7800, s4;
	s10 =	sadd.s32 s19, s10  }
0x16: {  	s11 =	sadd.s32 s19, s11;
	s12 =	sadd.s32 s19, s12;
	s13 =	sadd.s32 s19, s13  }
0x17: {  	v0 =	vimm.f32 $0.0e+00;
	vm0 =	vcmask $0x1700;
	s14 =	sadd.s32 s19, s14;
	s15 =	sadd.s32 s19, s15;
	s16 =	sadd.s32 s19, s16  }
0x18: {  	v1 =	vsel vm0, $0x3F800000, v0;
	s17 =	sadd.s32 s19, s18;
	s18 =	sadd.s32 s19, s30;
	s19 =	sadd.s32 s19, s31  }
.LBB2_1:
0x19: {  	s1 =	smulhi.u32 $0xAAAAAAAB, s2;
	_ =	sdelay $0x1  }
0x1a: {  	s28 =	sshrl.u32 s1, $0x8  }
0x1b: {  	s29 =	sshrl.u32 s1, $0x5;
	s1 =	sshll.u32 s1, $0x4;
	s28 =	smul.u32 $0x6000, s28  }
0x1c: {  	s1 =	sand.u32 $0xE00, s1;
	s29 =	smul.u32 $0x6000, s29  }
0x1d: {  	s1 =	sor.u32 s1, s28  }
0x1e: {  	s1 =	ssub.s32 s1, s29  }
0x1f: {  	s28 =	simm.s32 $0x8;
	s1 =	sshra.s32 s1, $0x2  }
0x20: {  	s29 =	smulhi.u32 $0xAAAAAAAB, s28;
	s28 =	sadd.s32 $0x18C0, s1  }
0x21: {  	[tilespmem:s28+$0x30] =	vst v0  }
0x22: {  	s3 =	sshrl.u32 s29, $0x8;
	[tilespmem:s28+$0xFFFFFFC0] =	vst v0  }
0x23: {  	s30 =	sshrl.u32 s29, $0x5;
	s29 =	sshll.u32 s29, $0x4;
	s1 =	smul.u32 $0x6000, s3;
	[tilespmem:s28+$0xFFFFFFD0] =	vst v0  }
0x24: {  	s29 =	sand.u32 $0xE00, s29;
	s30 =	smul.u32 $0x6000, s30;
	[tilespmem:s28+$0xFFFFFFE0] =	vst v0  }
0x25: {  	[tilespmem:s28+$0xFFFFFFF0] =	vst v0;
	s29 =	sor.u32 s29, s1  }
0x26: {  	[tilespmem:s28+$0x0] =	vst v0;
	s1 =	simm.s32 $0x8;
	s29 =	ssub.s32 s29, s30  }
0x27: {  	[tilespmem:s28+$0x10] =	vst v0;
	s30 =	simm.s32 $0x10;
	s31 =	sshra.s32 s29, $0x2;
	s29 =	simm.s32 $0x1CC0  }
.LBB2_2:
0x28: {  	s0 =	smulhi.u32 $0xAAAAAAAB, s30  }
0x29: {  	s1 =	sadd.s32 $0x8, s1;
	[tilespmem:s28+$0x20] =	vst v0;
	s28 =	sadd.s32 s31, s29  }
0x2a: {  	p0 =	slt.u32 s1, $0xBF8;
	[tilespmem:s28+$0x30] =	vst v0;
	s31 =	sshrl.u32 s0, $0x8  }
0x2b: {  	[tilespmem:s28+$0xFFFFFFC0] =	vst v0;
	s31 =	smul.u32 $0x6000, s31  }
.Ltmp0:
0x2c: {  	s3 =	sshrl.u32 s0, $0x5;
	s0 =	sshll.u32 s0, $0x4;
	[tilespmem:s28+$0xFFFFFFD0] =	vst v0;
	(pc) =	sbr.rel @p0 .LBB2_2-.Ltmp0, $4  }
0x2d: {  	s0 =	sand.u32 $0xE00, s0;
	s3 =	smul.u32 $0x6000, s3;
	[tilespmem:s28+$0xFFFFFFE0] =	vst v0  }
0x2e: {  	s0 =	sor.u32 s0, s31;
	[tilespmem:s28+$0xFFFFFFF0] =	vst v0  }
0x2f: {  	s0 =	ssub.s32 s0, s3;
	[tilespmem:s28+$0x0] =	vst v0  }
0x30: {  	s30 =	sadd.s32 $0x8, s30;
	s29 =	sadd.s32 $0x400, s29;
	s31 =	sshra.s32 s0, $0x2;
	[tilespmem:s28+$0x10] =	vst v0  }
0x31: {  	s0 =	simm.s32 $0x0  }
0x32: {  	s1 =	sadd.s32 s31, s29;
	[tilespmem:s28+$0x20] =	vst v0;
	s0 =	smulhi.u32 $0xAAAAAAAB, s0  }
0x33: {  	[tilespmem:s1+$0x30] =	vst v0  }
0x34: {  	[tilespmem:s1+$0xFFFFFFC0] =	vst v0;
	s3 =	sshrl.u32 s0, $0x8  }
0x35: {  	[tilespmem:s1+$0xFFFFFFD0] =	vst v0;
	s28 =	sshrl.u32 s0, $0x5;
	s0 =	sshll.u32 s0, $0x4;
	s3 =	smul.u32 $0x6000, s3  }
0x36: {  	[tilespmem:s1+$0xFFFFFFE0] =	vst v0;
	s0 =	sand.u32 $0xE00, s0;
	s28 =	smul.u32 $0x6000, s28  }
0x37: {  	[tilespmem:s1+$0xFFFFFFF0] =	vst v0;
	s0 =	sor.u32 s0, s3  }
0x38: {  	[tilespmem:s1+$0x0] =	vst v0;
	s0 =	ssub.s32 s0, s28  }
0x39: {  	[tilespmem:s1+$0x10] =	vst v0;
	s3 =	simm.s32 $0x8;
	s0 =	sshra.s32 s0, $0x2  }
0x3a: {  	[tilespmem:s1+$0x20] =	vst v0;
	s1 =	smulhi.u32 $0xAAAAAAAB, s3;
	s28 =	sadd.s32 $0xD8C0, s0  }
0x3b: {  	[tilespmem:s28+$0x30] =	vst v0  }
0x3c: {  	s3 =	sshrl.u32 s1, $0x8;
	[tilespmem:s28+$0xFFFFFFC0] =	vst v0  }
0x3d: {  	s0 =	smul.u32 $0x6000, s3;
	s3 =	sshrl.u32 s1, $0x5;
	s1 =	sshll.u32 s1, $0x4;
	[tilespmem:s28+$0xFFFFFFD0] =	vst v0  }
0x3e: {  	[tilespmem:s28+$0xFFFFFFE0] =	vst v0;
	s1 =	sand.u32 $0xE00, s1;
	s3 =	smul.u32 $0x6000, s3  }
0x3f: {  	[tilespmem:s28+$0xFFFFFFF0] =	vst v0;
	s0 =	sor.u32 s1, s0  }
0x40: {  	s29 =	simm.s32 $0x10;
	[tilespmem:s28+$0x0] =	vst v0;
	s0 =	ssub.s32 s0, s3  }
0x41: {  	s30 =	simm.s32 $0xDCC0;
	[tilespmem:s28+$0x10] =	vst v0;
	s1 =	simm.s32 $0x8;
	s31 =	sshra.s32 s0, $0x2  }
.LBB2_4:
0x42: {  	s0 =	smulhi.u32 $0xAAAAAAAB, s29  }
0x43: {  	s1 =	sadd.s32 $0x8, s1;
	[tilespmem:s28+$0x20] =	vst v0;
	s28 =	sadd.s32 s31, s30  }
0x44: {  	p0 =	slt.u32 s1, $0xBF8;
	[tilespmem:s28+$0x30] =	vst v0;
	s3 =	sshrl.u32 s0, $0x8  }
0x45: {  	[tilespmem:s28+$0xFFFFFFC0] =	vst v0;
	s3 =	smul.u32 $0x6000, s3  }
.Ltmp1:
0x46: {  	s31 =	sshrl.u32 s0, $0x5;
	s0 =	sshll.u32 s0, $0x4;
	[tilespmem:s28+$0xFFFFFFD0] =	vst v0;
	(pc) =	sbr.rel @p0 .LBB2_4-.Ltmp1, $4  }
0x47: {  	s0 =	sand.u32 $0xE00, s0;
	s31 =	smul.u32 $0x6000, s31;
	[tilespmem:s28+$0xFFFFFFE0] =	vst v0  }
0x48: {  	s0 =	sor.u32 s0, s3;
	[tilespmem:s28+$0xFFFFFFF0] =	vst v0  }
0x49: {  	s0 =	ssub.s32 s0, s31;
	[tilespmem:s28+$0x0] =	vst v0  }
0x4a: {  	s29 =	sadd.s32 $0x8, s29;
	s30 =	sadd.s32 $0x400, s30;
	s31 =	sshra.s32 s0, $0x2;
	[tilespmem:s28+$0x10] =	vst v0  }
0x4b: {  	s0 =	sadd.s32 s31, s30;
	[tilespmem:s28+$0x20] =	vst v0  }
0x4c: {  	[tilespmem:s0+$0x30] =	vst v0  }
0x4d: {  	[tilespmem:s0+$0xFFFFFFC0] =	vst v0  }
0x4e: {  	[tilespmem:s0+$0xFFFFFFD0] =	vst v0  }
0x4f: {  	[tilespmem:s0+$0xFFFFFFE0] =	vst v0  }
0x50: {  	[tilespmem:s0+$0xFFFFFFF0] =	vst v0  }
0x51: {  	[tilespmem:s0+$0x0] =	vst v0  }
0x52: {  	[tilespmem:s0+$0x10] =	vst v0  }
0x53: {  	s1 =	rddreg [dreg:$0x3];
	[tilespmem:s0+$0x20] =	vst v0  }
0x54: {  	[tilespmem:s2], [sflag:$0x1] =	stream.linear.gather [hbm4b:s1+s2], $0x1800, $0x38;
	[tilespmem:$0x19880] =	vst v63  }
0x55: {  	_ =	swait.ge [sflag:s21], $0x1800  }
0x56: {  	[sflag:s21] =	ssyncset.done $0x0  }
0x57: {  	s28 =	simm.s32 $0xC;
	[sflag:s21] =	ssyncadd.s32 $0xFFFFE800  }
0x58: {  	v2 =	vld [tilespmem:s28+$0xFFFFFFF4]  }
0x59: {  	s3 =	simm.s32 $0x0  }
0x5a: {  	s0 =	smul.u32 $0x6000, s3;
	_ =	sdelay $0x1  }
0x5b: {  	s1 =	simm.s32 $0x0;
	s0 =	sshra.s32 s0, $0x2  }
0x5c: {  	s1 =	sand.u32 $0x200, s1;
	s0 =	sadd.s32 $0x1880, s0;
	v2 =	vmul.f32 v1, v2  }
0x5d: {  	s1 =	sor.u32 s1, s0  }
0x5e: {  	[tilespmem:s1+$0x0] =	vst v2  }
0x5f: {  	v2 =	vld [tilespmem:s28+$0xFFFFFFFA];
	_ =	sdelay $0x3  }
0x60: {  	s31 =	simm.s32 $0x80  }
0x61: {  	s1 =	sand.u32 $0x280, s31;
	v2 =	vmul.f32 v1, v2  }
0x62: {  	s1 =	sadd.s32 s1, s0  }
0x63: {  	[tilespmem:s1+$0x0] =	vst v2  }
0x64: {  	v2 =	vld [tilespmem:s28+$0x0];
	_ =	sdelay $0x3  }
0x65: {  	s3 =	simm.s32 $0x100  }
0x66: {  	s1 =	sand.u32 $0x300, s3;
	v2 =	vmul.f32 v1, v2  }
0x67: {  	s1 =	sor.u32 s1, s0  }
0x68: {  	[tilespmem:s1+$0x0] =	vst v2  }
0x69: {  	v2 =	vld [tilespmem:s28+$0x6];
	_ =	sdelay $0x3  }
0x6a: {  	s29 =	simm.s32 $0x180  }
0x6b: {  	s31 =	sand.u32 $0x380, s29;
	v2 =	vmul.f32 v1, v2  }
0x6c: {  	s30 =	simm.s32 $0x0;
	s1 =	sadd.s32 s31, s0  }
.LBB2_6:
0x6d: {  	s30 =	sadd.s32 $0x4, s30;
	[tilespmem:s1+$0x0] =	vst v2;
	s29 =	sadd.s32 $0x200, s29;
	s28 =	sadd.s32 $0x18, s28  }
0x6e: {  	v2 =	vld [tilespmem:s28+$0xFFFFFFF4];
	s0 =	sshrl.u32 s30, $0x3;
	p0 =	slt.u32 s30, $0x3C  }
0x6f: {  	s0 =	smul.u32 $0x6000, s0;
	_ =	sdelay $0x1  }
0x70: {  	s1 =	sadd.s32 $0xFFFFFE80, s29;
	s0 =	sshra.s32 s0, $0x2  }
0x71: {  	s1 =	sand.u32 $0x200, s1;
	s0 =	sadd.s32 $0x1880, s0  }
0x72: {  	v2 =	vmul.f32 v1, v2;
	s1 =	sor.u32 s1, s0;
	_ =	sdelay $0x1  }
0x73: {  	[tilespmem:s1+$0x0] =	vst v2  }
0x74: {  	v2 =	vld [tilespmem:s28+$0xFFFFFFFA];
	_ =	sdelay $0x3  }
0x75: {  	s1 =	sadd.s32 $0xFFFFFF00, s29  }
0x76: {  	s1 =	sand.u32 $0x280, s1;
	v2 =	vmul.f32 v1, v2  }
0x77: {  	s1 =	sadd.s32 s1, s0  }
0x78: {  	[tilespmem:s1+$0x0] =	vst v2  }
0x79: {  	v2 =	vld [tilespmem:s28+$0x0];
	_ =	sdelay $0x3  }
0x7a: {  	s1 =	sadd.s32 $0xFFFFFF80, s29  }
0x7b: {  	s1 =	sand.u32 $0x300, s1;
	v2 =	vmul.f32 v1, v2  }
0x7c: {  	s1 =	sor.u32 s1, s0  }
0x7d: {  	[tilespmem:s1+$0x0] =	vst v2  }
0x7e: {  	v2 =	vld [tilespmem:s28+$0x6];
	_ =	sdelay $0x1  }
.Ltmp2:
0x7f: {  	(pc) =	sbr.rel @p0 .LBB2_6-.Ltmp2, $3  }
0x80: {  	_ =	sdelay $0x1  }
0x81: {  	s1 =	sand.u32 $0x380, s29;
	v2 =	vmul.f32 v1, v2  }
0x82: {  	s1 =	sadd.s32 s1, s0  }
0x83: {  	[tilespmem:s1+$0x0] =	vst v2;
	s28 =	simm.s32 $0x0  }
0x84: {  	[hbm4b:s4+s28] =	stream.linear.scatter [tilespmem:s22], [sflag:$0x2], $0xC000, $0x38;
	[tilespmem:$0x19880] =	vst v63  }
0x85: {  	s0 =	sand.u32 $0x1F8, s28  }
0x86: {  	v2 =	vld [tilespmem:s0+$0x180];
	_ =	sdelay $0x1  }
0x87: {  	s1 =	simm.s32 $0x0  }
0x88: {  	s0 =	smul.u32 $0x6000, s1;
	_ =	sdelay $0x1  }
0x89: {  	s3 =	sand.u32 $0x200, s28;
	s0 =	sshra.s32 s0, $0x2;
	v2 =	vmul.f32 v1, v2  }
0x8a: {  	s1 =	sor.u32 s3, s0  }
0x8b: {  	s29 =	simm.s32 $0x192;
	[tilespmem:s1+$0xD880] =	vst v2  }
0x8c: {  	v2 =	vld [tilespmem:s29+$0xFFFFFFF4];
	_ =	sdelay $0x4  }
0x8d: {  	v2 =	vmul.f32 v1, v2;
	_ =	sdelay $0x1  }
0x8e: {  	[tilespmem:s1+$0xD900] =	vst v2  }
0x8f: {  	v2 =	vld [tilespmem:s29+$0xFFFFFFFA];
	_ =	sdelay $0x4  }
0x90: {  	v2 =	vmul.f32 v1, v2;
	_ =	sdelay $0x1  }
0x91: {  	[tilespmem:s1+$0xD980] =	vst v2  }
0x92: {  	v2 =	vld [tilespmem:s29+$0x0];
	_ =	sdelay $0x4  }
0x93: {  	v2 =	vmul.f32 v1, v2  }
0x94: {  	s30 =	simm.s32 $0x0;
	s31 =	simm.s32 $0x18  }
.LBB2_8:
0x95: {  	s0 =	sand.u32 $0x1F8, s31;
	[tilespmem:s1+$0xDA00] =	vst v2  }
0x96: {  	v2 =	vld [tilespmem:s0+$0x180]  }
0x97: {  	s30 =	sadd.s32 $0x4, s30  }
0x98: {  	s0 =	sshrl.u32 s30, $0x3;
	p0 =	slt.u32 s30, $0x3C  }
0x99: {  	s0 =	smul.u32 $0x6000, s0  }
0x9a: {  	s28 =	sadd.s32 $0x200, s28  }
0x9b: {  	s1 =	sand.u32 $0x200, s28;
	s0 =	sshra.s32 s0, $0x2;
	v2 =	vmul.f32 v1, v2  }
0x9c: {  	s1 =	sor.u32 s1, s0  }
0x9d: {  	s29 =	sadd.s32 $0x18, s29;
	[tilespmem:s1+$0xD880] =	vst v2  }
0x9e: {  	v2 =	vld [tilespmem:s29+$0xFFFFFFF4];
	_ =	sdelay $0x4  }
0x9f: {  	v2 =	vmul.f32 v1, v2;
	_ =	sdelay $0x1  }
0xa0: {  	[tilespmem:s1+$0xD900] =	vst v2  }
0xa1: {  	v2 =	vld [tilespmem:s29+$0xFFFFFFFA];
	_ =	sdelay $0x4  }
0xa2: {  	v2 =	vmul.f32 v1, v2;
	_ =	sdelay $0x1  }
0xa3: {  	[tilespmem:s1+$0xD980] =	vst v2  }
0xa4: {  	v2 =	vld [tilespmem:s29+$0x0];
	_ =	sdelay $0x1  }
.Ltmp3:
0xa5: {  	(pc) =	sbr.rel @p0 .LBB2_8-.Ltmp3, $3  }
0xa6: {  	_ =	sdelay $0x1  }
0xa7: {  	v2 =	vmul.f32 v1, v2  }
0xa8: {  	s31 =	sadd.s32 $0x18, s31  }
0xa9: {  	[tilespmem:s1+$0xDA00] =	vst v2;
	s28 =	simm.s32 $0x0  }
0xaa: {  	[hbm4b:s5+s28] =	stream.linear.scatter [tilespmem:s23], [sflag:$0x3], $0xC000, $0x38;
	[tilespmem:$0x19880] =	vst v63  }
0xab: {  	_ =	swait.ge [sflag:s24], $0xC000  }
0xac: {  	[sflag:s24] =	ssyncset.done $0x0  }
0xad: {  	s0 =	sand.u32 $0x1F8, s28;
	[sflag:s24] =	ssyncadd.s32 $0xFFFF4000  }
0xae: {  	v2 =	vld [tilespmem:s0+$0x300];
	_ =	sdelay $0x1  }
0xaf: {  	s1 =	simm.s32 $0x0  }
0xb0: {  	s0 =	smul.u32 $0x6000, s1;
	_ =	sdelay $0x1  }
0xb1: {  	s3 =	sand.u32 $0x200, s28;
	s0 =	sshra.s32 s0, $0x2;
	v2 =	vmul.f32 v1, v2  }
0xb2: {  	s1 =	sor.u32 s3, s0  }
0xb3: {  	s29 =	simm.s32 $0x312;
	[tilespmem:s1+$0x1880] =	vst v2  }
0xb4: {  	v2 =	vld [tilespmem:s29+$0xFFFFFFF4];
	_ =	sdelay $0x4  }
0xb5: {  	v2 =	vmul.f32 v1, v2;
	_ =	sdelay $0x1  }
0xb6: {  	[tilespmem:s1+$0x1900] =	vst v2  }
0xb7: {  	v2 =	vld [tilespmem:s29+$0xFFFFFFFA];
	_ =	sdelay $0x4  }
0xb8: {  	v2 =	vmul.f32 v1, v2;
	_ =	sdelay $0x1  }
0xb9: {  	[tilespmem:s1+$0x1980] =	vst v2  }
0xba: {  	v2 =	vld [tilespmem:s29+$0x0];
	_ =	sdelay $0x4  }
0xbb: {  	v2 =	vmul.f32 v1, v2  }
0xbc: {  	s30 =	simm.s32 $0x0;
	s31 =	simm.s32 $0x18  }
.LBB2_10:
0xbd: {  	s0 =	sand.u32 $0x1F8, s31;
	[tilespmem:s1+$0x1A00] =	vst v2  }
0xbe: {  	v2 =	vld [tilespmem:s0+$0x300]  }
0xbf: {  	s30 =	sadd.s32 $0x4, s30  }
0xc0: {  	s0 =	sshrl.u32 s30, $0x3;
	p0 =	slt.u32 s30, $0x3C  }
0xc1: {  	s0 =	smul.u32 $0x6000, s0  }
0xc2: {  	s28 =	sadd.s32 $0x200, s28  }
0xc3: {  	s1 =	sand.u32 $0x200, s28;
	s0 =	sshra.s32 s0, $0x2;
	v2 =	vmul.f32 v1, v2  }
0xc4: {  	s1 =	sor.u32 s1, s0  }
0xc5: {  	s29 =	sadd.s32 $0x18, s29;
	[tilespmem:s1+$0x1880] =	vst v2  }
0xc6: {  	v2 =	vld [tilespmem:s29+$0xFFFFFFF4];
	_ =	sdelay $0x4  }
0xc7: {  	v2 =	vmul.f32 v1, v2;
	_ =	sdelay $0x1  }
0xc8: {  	[tilespmem:s1+$0x1900] =	vst v2  }
0xc9: {  	v2 =	vld [tilespmem:s29+$0xFFFFFFFA];
	_ =	sdelay $0x4  }
0xca: {  	v2 =	vmul.f32 v1, v2;
	_ =	sdelay $0x1  }
0xcb: {  	[tilespmem:s1+$0x1980] =	vst v2  }
0xcc: {  	v2 =	vld [tilespmem:s29+$0x0];
	_ =	sdelay $0x1  }
.Ltmp4:
0xcd: {  	(pc) =	sbr.rel @p0 .LBB2_10-.Ltmp4, $3  }
0xce: {  	_ =	sdelay $0x1  }
0xcf: {  	v2 =	vmul.f32 v1, v2  }
0xd0: {  	s31 =	sadd.s32 $0x18, s31  }
0xd1: {  	[tilespmem:s1+$0x1A00] =	vst v2;
	s28 =	simm.s32 $0x0  }
0xd2: {  	[hbm4b:s6+s28] =	stream.linear.scatter [tilespmem:s22], [sflag:$0x2], $0xC000, $0x38;
	[tilespmem:$0x19880] =	vst v63  }
0xd3: {  	_ =	swait.ge [sflag:s25], $0xC000  }
0xd4: {  	[sflag:s25] =	ssyncset.done $0x0  }
0xd5: {  	s0 =	sand.u32 $0x1F8, s28;
	[sflag:s25] =	ssyncadd.s32 $0xFFFF4000  }
0xd6: {  	v2 =	vld [tilespmem:s0+$0x480];
	_ =	sdelay $0x1  }
0xd7: {  	s1 =	simm.s32 $0x0  }
0xd8: {  	s0 =	smul.u32 $0x6000, s1;
	_ =	sdelay $0x1  }
0xd9: {  	s3 =	sand.u32 $0x200, s28;
	s0 =	sshra.s32 s0, $0x2;
	v2 =	vmul.f32 v1, v2  }
0xda: {  	s1 =	sor.u32 s3, s0  }
0xdb: {  	s29 =	simm.s32 $0x492;
	[tilespmem:s1+$0xD880] =	vst v2  }
0xdc: {  	v2 =	vld [tilespmem:s29+$0xFFFFFFF4];
	_ =	sdelay $0x4  }
0xdd: {  	v2 =	vmul.f32 v1, v2;
	_ =	sdelay $0x1  }
0xde: {  	[tilespmem:s1+$0xD900] =	vst v2  }
0xdf: {  	v2 =	vld [tilespmem:s29+$0xFFFFFFFA];
	_ =	sdelay $0x4  }
0xe0: {  	v2 =	vmul.f32 v1, v2;
	_ =	sdelay $0x1  }
0xe1: {  	[tilespmem:s1+$0xD980] =	vst v2  }
0xe2: {  	v2 =	vld [tilespmem:s29+$0x0];
	_ =	sdelay $0x4  }
0xe3: {  	v2 =	vmul.f32 v1, v2  }
0xe4: {  	s30 =	simm.s32 $0x0;
	s31 =	simm.s32 $0x18  }
.LBB2_12:
0xe5: {  	s0 =	sand.u32 $0x1F8, s31;
	[tilespmem:s1+$0xDA00] =	vst v2  }
0xe6: {  	v2 =	vld [tilespmem:s0+$0x480]  }
0xe7: {  	s30 =	sadd.s32 $0x4, s30  }
0xe8: {  	s0 =	sshrl.u32 s30, $0x3;
	p0 =	slt.u32 s30, $0x3C  }
0xe9: {  	s0 =	smul.u32 $0x6000, s0  }
0xea: {  	s28 =	sadd.s32 $0x200, s28  }
0xeb: {  	s1 =	sand.u32 $0x200, s28;
	s0 =	sshra.s32 s0, $0x2;
	v2 =	vmul.f32 v1, v2  }
0xec: {  	s1 =	sor.u32 s1, s0  }
0xed: {  	s29 =	sadd.s32 $0x18, s29;
	[tilespmem:s1+$0xD880] =	vst v2  }
0xee: {  	v2 =	vld [tilespmem:s29+$0xFFFFFFF4];
	_ =	sdelay $0x4  }
0xef: {  	v2 =	vmul.f32 v1, v2;
	_ =	sdelay $0x1  }
0xf0: {  	[tilespmem:s1+$0xD900] =	vst v2  }
0xf1: {  	v2 =	vld [tilespmem:s29+$0xFFFFFFFA];
	_ =	sdelay $0x4  }
0xf2: {  	v2 =	vmul.f32 v1, v2;
	_ =	sdelay $0x1  }
0xf3: {  	[tilespmem:s1+$0xD980] =	vst v2  }
0xf4: {  	v2 =	vld [tilespmem:s29+$0x0];
	_ =	sdelay $0x1  }
.Ltmp5:
0xf5: {  	(pc) =	sbr.rel @p0 .LBB2_12-.Ltmp5, $3  }
0xf6: {  	_ =	sdelay $0x1  }
0xf7: {  	v2 =	vmul.f32 v1, v2  }
0xf8: {  	s31 =	sadd.s32 $0x18, s31  }
0xf9: {  	[tilespmem:s1+$0xDA00] =	vst v2;
	s28 =	simm.s32 $0x0  }
0xfa: {  	[hbm4b:s7+s28] =	stream.linear.scatter [tilespmem:s23], [sflag:$0x3], $0xC000, $0x38;
	[tilespmem:$0x19880] =	vst v63  }
0xfb: {  	_ =	swait.ge [sflag:s24], $0xC000  }
0xfc: {  	[sflag:s24] =	ssyncset.done $0x0  }
0xfd: {  	s0 =	sand.u32 $0x1F8, s28;
	[sflag:s24] =	ssyncadd.s32 $0xFFFF4000  }
0xfe: {  	v2 =	vld [tilespmem:s0+$0x600];
	_ =	sdelay $0x1  }
0xff: {  	s1 =	simm.s32 $0x0  }
0x100: {  	s0 =	smul.u32 $0x6000, s1;
	_ =	sdelay $0x1  }
0x101: {  	s3 =	sand.u32 $0x200, s28;
	s0 =	sshra.s32 s0, $0x2;
	v2 =	vmul.f32 v1, v2  }
0x102: {  	s1 =	sor.u32 s3, s0  }
0x103: {  	s29 =	simm.s32 $0x612;
	[tilespmem:s1+$0x1880] =	vst v2  }
0x104: {  	v2 =	vld [tilespmem:s29+$0xFFFFFFF4];
	_ =	sdelay $0x4  }
0x105: {  	v2 =	vmul.f32 v1, v2;
	_ =	sdelay $0x1  }
0x106: {  	[tilespmem:s1+$0x1900] =	vst v2  }
0x107: {  	v2 =	vld [tilespmem:s29+$0xFFFFFFFA];
	_ =	sdelay $0x4  }
0x108: {  	v2 =	vmul.f32 v1, v2;
	_ =	sdelay $0x1  }
0x109: {  	[tilespmem:s1+$0x1980] =	vst v2  }
0x10a: {  	v2 =	vld [tilespmem:s29+$0x0];
	_ =	sdelay $0x4  }
0x10b: {  	v2 =	vmul.f32 v1, v2  }
0x10c: {  	s30 =	simm.s32 $0x0;
	s31 =	simm.s32 $0x18  }
.LBB2_14:
0x10d: {  	s0 =	sand.u32 $0x1F8, s31;
	[tilespmem:s1+$0x1A00] =	vst v2  }
0x10e: {  	v2 =	vld [tilespmem:s0+$0x600]  }
0x10f: {  	s30 =	sadd.s32 $0x4, s30  }
0x110: {  	s0 =	sshrl.u32 s30, $0x3;
	p0 =	slt.u32 s30, $0x3C  }
0x111: {  	s0 =	smul.u32 $0x6000, s0  }
0x112: {  	s28 =	sadd.s32 $0x200, s28  }
0x113: {  	s1 =	sand.u32 $0x200, s28;
	s0 =	sshra.s32 s0, $0x2;
	v2 =	vmul.f32 v1, v2  }
0x114: {  	s1 =	sor.u32 s1, s0  }
0x115: {  	s29 =	sadd.s32 $0x18, s29;
	[tilespmem:s1+$0x1880] =	vst v2  }
0x116: {  	v2 =	vld [tilespmem:s29+$0xFFFFFFF4];
	_ =	sdelay $0x4  }
0x117: {  	v2 =	vmul.f32 v1, v2;
	_ =	sdelay $0x1  }
0x118: {  	[tilespmem:s1+$0x1900] =	vst v2  }
0x119: {  	v2 =	vld [tilespmem:s29+$0xFFFFFFFA];
	_ =	sdelay $0x4  }
0x11a: {  	v2 =	vmul.f32 v1, v2;
	_ =	sdelay $0x1  }
0x11b: {  	[tilespmem:s1+$0x1980] =	vst v2  }
0x11c: {  	v2 =	vld [tilespmem:s29+$0x0];
	_ =	sdelay $0x1  }
.Ltmp6:
0x11d: {  	(pc) =	sbr.rel @p0 .LBB2_14-.Ltmp6, $3  }
0x11e: {  	_ =	sdelay $0x1  }
0x11f: {  	v2 =	vmul.f32 v1, v2  }
0x120: {  	s31 =	sadd.s32 $0x18, s31  }
0x121: {  	[tilespmem:s1+$0x1A00] =	vst v2;
	s28 =	simm.s32 $0x0  }
0x122: {  	[hbm4b:s8+s28] =	stream.linear.scatter [tilespmem:s22], [sflag:$0x2], $0xC000, $0x38;
	[tilespmem:$0x19880] =	vst v63  }
0x123: {  	_ =	swait.ge [sflag:s25], $0xC000  }
0x124: {  	[sflag:s25] =	ssyncset.done $0x0  }
0x125: {  	s0 =	sand.u32 $0x1F8, s28;
	[sflag:s25] =	ssyncadd.s32 $0xFFFF4000  }
0x126: {  	v2 =	vld [tilespmem:s0+$0x780];
	_ =	sdelay $0x1  }
0x127: {  	s1 =	simm.s32 $0x0  }
0x128: {  	s0 =	smul.u32 $0x6000, s1;
	_ =	sdelay $0x1  }
0x129: {  	s3 =	sand.u32 $0x200, s28;
	s0 =	sshra.s32 s0, $0x2;
	v2 =	vmul.f32 v1, v2  }
0x12a: {  	s1 =	sor.u32 s3, s0  }
0x12b: {  	s29 =	simm.s32 $0x792;
	[tilespmem:s1+$0xD880] =	vst v2  }
0x12c: {  	v2 =	vld [tilespmem:s29+$0xFFFFFFF4];
	_ =	sdelay $0x4  }
0x12d: {  	v2 =	vmul.f32 v1, v2;
	_ =	sdelay $0x1  }
0x12e: {  	[tilespmem:s1+$0xD900] =	vst v2  }
0x12f: {  	v2 =	vld [tilespmem:s29+$0xFFFFFFFA];
	_ =	sdelay $0x4  }
0x130: {  	v2 =	vmul.f32 v1, v2;
	_ =	sdelay $0x1  }
0x131: {  	[tilespmem:s1+$0xD980] =	vst v2  }
0x132: {  	v2 =	vld [tilespmem:s29+$0x0];
	_ =	sdelay $0x4  }
0x133: {  	v2 =	vmul.f32 v1, v2  }
0x134: {  	s30 =	simm.s32 $0x0;
	s31 =	simm.s32 $0x18  }
.LBB2_16:
0x135: {  	s0 =	sand.u32 $0x1F8, s31;
	[tilespmem:s1+$0xDA00] =	vst v2  }
0x136: {  	v2 =	vld [tilespmem:s0+$0x780]  }
0x137: {  	s30 =	sadd.s32 $0x4, s30  }
0x138: {  	s0 =	sshrl.u32 s30, $0x3;
	p0 =	slt.u32 s30, $0x3C  }
0x139: {  	s0 =	smul.u32 $0x6000, s0  }
0x13a: {  	s28 =	sadd.s32 $0x200, s28  }
0x13b: {  	s1 =	sand.u32 $0x200, s28;
	s0 =	sshra.s32 s0, $0x2;
	v2 =	vmul.f32 v1, v2  }
0x13c: {  	s1 =	sor.u32 s1, s0  }
0x13d: {  	s29 =	sadd.s32 $0x18, s29;
	[tilespmem:s1+$0xD880] =	vst v2  }
0x13e: {  	v2 =	vld [tilespmem:s29+$0xFFFFFFF4];
	_ =	sdelay $0x4  }
0x13f: {  	v2 =	vmul.f32 v1, v2;
	_ =	sdelay $0x1  }
0x140: {  	[tilespmem:s1+$0xD900] =	vst v2  }
0x141: {  	v2 =	vld [tilespmem:s29+$0xFFFFFFFA];
	_ =	sdelay $0x4  }
0x142: {  	v2 =	vmul.f32 v1, v2;
	_ =	sdelay $0x1  }
0x143: {  	[tilespmem:s1+$0xD980] =	vst v2  }
0x144: {  	v2 =	vld [tilespmem:s29+$0x0];
	_ =	sdelay $0x1  }
.Ltmp7:
0x145: {  	(pc) =	sbr.rel @p0 .LBB2_16-.Ltmp7, $3  }
0x146: {  	_ =	sdelay $0x1  }
0x147: {  	v2 =	vmul.f32 v1, v2  }
0x148: {  	s31 =	sadd.s32 $0x18, s31  }
0x149: {  	[tilespmem:s1+$0xDA00] =	vst v2;
	s28 =	simm.s32 $0x0  }
0x14a: {  	[hbm4b:s9+s28] =	stream.linear.scatter [tilespmem:s23], [sflag:$0x3], $0xC000, $0x38;
	[tilespmem:$0x19880] =	vst v63  }
0x14b: {  	_ =	swait.ge [sflag:s24], $0xC000  }
0x14c: {  	[sflag:s24] =	ssyncset.done $0x0  }
0x14d: {  	s0 =	sand.u32 $0x1F8, s28;
	[sflag:s24] =	ssyncadd.s32 $0xFFFF4000  }
0x14e: {  	v2 =	vld [tilespmem:s0+$0x900];
	_ =	sdelay $0x1  }
0x14f: {  	s1 =	simm.s32 $0x0  }
0x150: {  	s0 =	smul.u32 $0x6000, s1;
	_ =	sdelay $0x1  }
0x151: {  	s3 =	sand.u32 $0x200, s28;
	s0 =	sshra.s32 s0, $0x2;
	v2 =	vmul.f32 v1, v2  }
0x152: {  	s1 =	sor.u32 s3, s0  }
0x153: {  	s29 =	simm.s32 $0x912;
	[tilespmem:s1+$0x1880] =	vst v2  }
0x154: {  	v2 =	vld [tilespmem:s29+$0xFFFFFFF4];
	_ =	sdelay $0x4  }
0x155: {  	v2 =	vmul.f32 v1, v2;
	_ =	sdelay $0x1  }
0x156: {  	[tilespmem:s1+$0x1900] =	vst v2  }
0x157: {  	v2 =	vld [tilespmem:s29+$0xFFFFFFFA];
	_ =	sdelay $0x4  }
0x158: {  	v2 =	vmul.f32 v1, v2;
	_ =	sdelay $0x1  }
0x159: {  	[tilespmem:s1+$0x1980] =	vst v2  }
0x15a: {  	v2 =	vld [tilespmem:s29+$0x0];
	_ =	sdelay $0x4  }
0x15b: {  	v2 =	vmul.f32 v1, v2  }
0x15c: {  	s30 =	simm.s32 $0x0;
	s31 =	simm.s32 $0x18  }
.LBB2_18:
0x15d: {  	s0 =	sand.u32 $0x1F8, s31;
	[tilespmem:s1+$0x1A00] =	vst v2  }
0x15e: {  	v2 =	vld [tilespmem:s0+$0x900]  }
0x15f: {  	s30 =	sadd.s32 $0x4, s30  }
0x160: {  	s0 =	sshrl.u32 s30, $0x3;
	p0 =	slt.u32 s30, $0x3C  }
0x161: {  	s0 =	smul.u32 $0x6000, s0  }
0x162: {  	s28 =	sadd.s32 $0x200, s28  }
0x163: {  	s1 =	sand.u32 $0x200, s28;
	s0 =	sshra.s32 s0, $0x2;
	v2 =	vmul.f32 v1, v2  }
0x164: {  	s1 =	sor.u32 s1, s0  }
0x165: {  	s29 =	sadd.s32 $0x18, s29;
	[tilespmem:s1+$0x1880] =	vst v2  }
0x166: {  	v2 =	vld [tilespmem:s29+$0xFFFFFFF4];
	_ =	sdelay $0x4  }
0x167: {  	v2 =	vmul.f32 v1, v2;
	_ =	sdelay $0x1  }
0x168: {  	[tilespmem:s1+$0x1900] =	vst v2  }
0x169: {  	v2 =	vld [tilespmem:s29+$0xFFFFFFFA];
	_ =	sdelay $0x4  }
0x16a: {  	v2 =	vmul.f32 v1, v2;
	_ =	sdelay $0x1  }
0x16b: {  	[tilespmem:s1+$0x1980] =	vst v2  }
0x16c: {  	v2 =	vld [tilespmem:s29+$0x0];
	_ =	sdelay $0x1  }
.Ltmp8:
0x16d: {  	(pc) =	sbr.rel @p0 .LBB2_18-.Ltmp8, $3  }
0x16e: {  	_ =	sdelay $0x1  }
0x16f: {  	v2 =	vmul.f32 v1, v2  }
0x170: {  	s31 =	sadd.s32 $0x18, s31  }
0x171: {  	[tilespmem:s1+$0x1A00] =	vst v2;
	s28 =	simm.s32 $0x0  }
0x172: {  	[hbm4b:s10+s28] =	stream.linear.scatter [tilespmem:s22], [sflag:$0x2], $0xC000, $0x38;
	[tilespmem:$0x19880] =	vst v63  }
0x173: {  	_ =	swait.ge [sflag:s25], $0xC000  }
0x174: {  	[sflag:s25] =	ssyncset.done $0x0  }
0x175: {  	s0 =	sand.u32 $0x1F8, s28;
	[sflag:s25] =	ssyncadd.s32 $0xFFFF4000  }
0x176: {  	v2 =	vld [tilespmem:s0+$0xA80];
	_ =	sdelay $0x1  }
0x177: {  	s1 =	simm.s32 $0x0  }
0x178: {  	s0 =	smul.u32 $0x6000, s1;
	_ =	sdelay $0x1  }
0x179: {  	s3 =	sand.u32 $0x200, s28;
	s0 =	sshra.s32 s0, $0x2;
	v2 =	vmul.f32 v1, v2  }
0x17a: {  	s1 =	sor.u32 s3, s0  }
0x17b: {  	s29 =	simm.s32 $0xA92;
	[tilespmem:s1+$0xD880] =	vst v2  }
0x17c: {  	v2 =	vld [tilespmem:s29+$0xFFFFFFF4];
	_ =	sdelay $0x4  }
0x17d: {  	v2 =	vmul.f32 v1, v2;
	_ =	sdelay $0x1  }
0x17e: {  	[tilespmem:s1+$0xD900] =	vst v2  }
0x17f: {  	v2 =	vld [tilespmem:s29+$0xFFFFFFFA];
	_ =	sdelay $0x4  }
0x180: {  	v2 =	vmul.f32 v1, v2;
	_ =	sdelay $0x1  }
0x181: {  	[tilespmem:s1+$0xD980] =	vst v2  }
0x182: {  	v2 =	vld [tilespmem:s29+$0x0];
	_ =	sdelay $0x4  }
0x183: {  	v2 =	vmul.f32 v1, v2  }
0x184: {  	s30 =	simm.s32 $0x0;
	s31 =	simm.s32 $0x18  }
.LBB2_20:
0x185: {  	s0 =	sand.u32 $0x1F8, s31;
	[tilespmem:s1+$0xDA00] =	vst v2  }
0x186: {  	v2 =	vld [tilespmem:s0+$0xA80]  }
0x187: {  	s30 =	sadd.s32 $0x4, s30  }
0x188: {  	s0 =	sshrl.u32 s30, $0x3;
	p0 =	slt.u32 s30, $0x3C  }
0x189: {  	s0 =	smul.u32 $0x6000, s0  }
0x18a: {  	s28 =	sadd.s32 $0x200, s28  }
0x18b: {  	s1 =	sand.u32 $0x200, s28;
	s0 =	sshra.s32 s0, $0x2;
	v2 =	vmul.f32 v1, v2  }
0x18c: {  	s1 =	sor.u32 s1, s0  }
0x18d: {  	s29 =	sadd.s32 $0x18, s29;
	[tilespmem:s1+$0xD880] =	vst v2  }
0x18e: {  	v2 =	vld [tilespmem:s29+$0xFFFFFFF4];
	_ =	sdelay $0x4  }
0x18f: {  	v2 =	vmul.f32 v1, v2;
	_ =	sdelay $0x1  }
0x190: {  	[tilespmem:s1+$0xD900] =	vst v2  }
0x191: {  	v2 =	vld [tilespmem:s29+$0xFFFFFFFA];
	_ =	sdelay $0x4  }
0x192: {  	v2 =	vmul.f32 v1, v2;
	_ =	sdelay $0x1  }
0x193: {  	[tilespmem:s1+$0xD980] =	vst v2  }
0x194: {  	v2 =	vld [tilespmem:s29+$0x0];
	_ =	sdelay $0x1  }
.Ltmp9:
0x195: {  	(pc) =	sbr.rel @p0 .LBB2_20-.Ltmp9, $3  }
0x196: {  	_ =	sdelay $0x1  }
0x197: {  	v2 =	vmul.f32 v1, v2  }
0x198: {  	s31 =	sadd.s32 $0x18, s31  }
0x199: {  	[tilespmem:s1+$0xDA00] =	vst v2;
	s28 =	simm.s32 $0x0  }
0x19a: {  	[hbm4b:s11+s28] =	stream.linear.scatter [tilespmem:s23], [sflag:$0x3], $0xC000, $0x38;
	[tilespmem:$0x19880] =	vst v63  }
0x19b: {  	_ =	swait.ge [sflag:s24], $0xC000  }
0x19c: {  	[sflag:s24] =	ssyncset.done $0x0  }
0x19d: {  	s0 =	sand.u32 $0x1F8, s28;
	[sflag:s24] =	ssyncadd.s32 $0xFFFF4000  }
0x19e: {  	v2 =	vld [tilespmem:s0+$0xC00];
	_ =	sdelay $0x1  }
0x19f: {  	s1 =	simm.s32 $0x0  }
0x1a0: {  	s0 =	smul.u32 $0x6000, s1;
	_ =	sdelay $0x1  }
0x1a1: {  	s3 =	sand.u32 $0x200, s28;
	s0 =	sshra.s32 s0, $0x2;
	v2 =	vmul.f32 v1, v2  }
0x1a2: {  	s1 =	sor.u32 s3, s0  }
0x1a3: {  	s29 =	simm.s32 $0xC12;
	[tilespmem:s1+$0x1880] =	vst v2  }
0x1a4: {  	v2 =	vld [tilespmem:s29+$0xFFFFFFF4];
	_ =	sdelay $0x4  }
0x1a5: {  	v2 =	vmul.f32 v1, v2;
	_ =	sdelay $0x1  }
0x1a6: {  	[tilespmem:s1+$0x1900] =	vst v2  }
0x1a7: {  	v2 =	vld [tilespmem:s29+$0xFFFFFFFA];
	_ =	sdelay $0x4  }
0x1a8: {  	v2 =	vmul.f32 v1, v2;
	_ =	sdelay $0x1  }
0x1a9: {  	[tilespmem:s1+$0x1980] =	vst v2  }
0x1aa: {  	v2 =	vld [tilespmem:s29+$0x0];
	_ =	sdelay $0x4  }
0x1ab: {  	v2 =	vmul.f32 v1, v2  }
0x1ac: {  	s30 =	simm.s32 $0x0;
	s31 =	simm.s32 $0x18  }
.LBB2_22:
0x1ad: {  	s0 =	sand.u32 $0x1F8, s31;
	[tilespmem:s1+$0x1A00] =	vst v2  }
0x1ae: {  	v2 =	vld [tilespmem:s0+$0xC00]  }
0x1af: {  	s30 =	sadd.s32 $0x4, s30  }
0x1b0: {  	s0 =	sshrl.u32 s30, $0x3;
	p0 =	slt.u32 s30, $0x3C  }
0x1b1: {  	s0 =	smul.u32 $0x6000, s0  }
0x1b2: {  	s28 =	sadd.s32 $0x200, s28  }
0x1b3: {  	s1 =	sand.u32 $0x200, s28;
	s0 =	sshra.s32 s0, $0x2;
	v2 =	vmul.f32 v1, v2  }
0x1b4: {  	s1 =	sor.u32 s1, s0  }
0x1b5: {  	s29 =	sadd.s32 $0x18, s29;
	[tilespmem:s1+$0x1880] =	vst v2  }
0x1b6: {  	v2 =	vld [tilespmem:s29+$0xFFFFFFF4];
	_ =	sdelay $0x4  }
0x1b7: {  	v2 =	vmul.f32 v1, v2;
	_ =	sdelay $0x1  }
0x1b8: {  	[tilespmem:s1+$0x1900] =	vst v2  }
0x1b9: {  	v2 =	vld [tilespmem:s29+$0xFFFFFFFA];
	_ =	sdelay $0x4  }
0x1ba: {  	v2 =	vmul.f32 v1, v2;
	_ =	sdelay $0x1  }
0x1bb: {  	[tilespmem:s1+$0x1980] =	vst v2  }
0x1bc: {  	v2 =	vld [tilespmem:s29+$0x0];
	_ =	sdelay $0x1  }
.Ltmp10:
0x1bd: {  	(pc) =	sbr.rel @p0 .LBB2_22-.Ltmp10, $3  }
0x1be: {  	_ =	sdelay $0x1  }
0x1bf: {  	v2 =	vmul.f32 v1, v2  }
0x1c0: {  	s31 =	sadd.s32 $0x18, s31  }
0x1c1: {  	[tilespmem:s1+$0x1A00] =	vst v2;
	s28 =	simm.s32 $0x0  }
0x1c2: {  	[hbm4b:s12+s28] =	stream.linear.scatter [tilespmem:s22], [sflag:$0x2], $0xC000, $0x38;
	[tilespmem:$0x19880] =	vst v63  }
0x1c3: {  	_ =	swait.ge [sflag:s25], $0xC000  }
0x1c4: {  	[sflag:s25] =	ssyncset.done $0x0  }
0x1c5: {  	s0 =	sand.u32 $0x1F8, s28;
	[sflag:s25] =	ssyncadd.s32 $0xFFFF4000  }
0x1c6: {  	v2 =	vld [tilespmem:s0+$0xD80];
	_ =	sdelay $0x1  }
0x1c7: {  	s1 =	simm.s32 $0x0  }
0x1c8: {  	s0 =	smul.u32 $0x6000, s1;
	_ =	sdelay $0x1  }
0x1c9: {  	s3 =	sand.u32 $0x200, s28;
	s0 =	sshra.s32 s0, $0x2;
	v2 =	vmul.f32 v1, v2  }
0x1ca: {  	s1 =	sor.u32 s3, s0  }
0x1cb: {  	s29 =	simm.s32 $0xD92;
	[tilespmem:s1+$0xD880] =	vst v2  }
0x1cc: {  	v2 =	vld [tilespmem:s29+$0xFFFFFFF4];
	_ =	sdelay $0x4  }
0x1cd: {  	v2 =	vmul.f32 v1, v2;
	_ =	sdelay $0x1  }
0x1ce: {  	[tilespmem:s1+$0xD900] =	vst v2  }
0x1cf: {  	v2 =	vld [tilespmem:s29+$0xFFFFFFFA];
	_ =	sdelay $0x4  }
0x1d0: {  	v2 =	vmul.f32 v1, v2;
	_ =	sdelay $0x1  }
0x1d1: {  	[tilespmem:s1+$0xD980] =	vst v2  }
0x1d2: {  	v2 =	vld [tilespmem:s29+$0x0];
	_ =	sdelay $0x4  }
0x1d3: {  	v2 =	vmul.f32 v1, v2  }
0x1d4: {  	s30 =	simm.s32 $0x0;
	s31 =	simm.s32 $0x18  }
.LBB2_24:
0x1d5: {  	s0 =	sand.u32 $0x1F8, s31;
	[tilespmem:s1+$0xDA00] =	vst v2  }
0x1d6: {  	v2 =	vld [tilespmem:s0+$0xD80]  }
0x1d7: {  	s30 =	sadd.s32 $0x4, s30  }
0x1d8: {  	s0 =	sshrl.u32 s30, $0x3;
	p0 =	slt.u32 s30, $0x3C  }
0x1d9: {  	s0 =	smul.u32 $0x6000, s0  }
0x1da: {  	s28 =	sadd.s32 $0x200, s28  }
0x1db: {  	s1 =	sand.u32 $0x200, s28;
	s0 =	sshra.s32 s0, $0x2;
	v2 =	vmul.f32 v1, v2  }
0x1dc: {  	s1 =	sor.u32 s1, s0  }
0x1dd: {  	s29 =	sadd.s32 $0x18, s29;
	[tilespmem:s1+$0xD880] =	vst v2  }
0x1de: {  	v2 =	vld [tilespmem:s29+$0xFFFFFFF4];
	_ =	sdelay $0x4  }
0x1df: {  	v2 =	vmul.f32 v1, v2;
	_ =	sdelay $0x1  }
0x1e0: {  	[tilespmem:s1+$0xD900] =	vst v2  }
0x1e1: {  	v2 =	vld [tilespmem:s29+$0xFFFFFFFA];
	_ =	sdelay $0x4  }
0x1e2: {  	v2 =	vmul.f32 v1, v2;
	_ =	sdelay $0x1  }
0x1e3: {  	[tilespmem:s1+$0xD980] =	vst v2  }
0x1e4: {  	v2 =	vld [tilespmem:s29+$0x0];
	_ =	sdelay $0x1  }
.Ltmp11:
0x1e5: {  	(pc) =	sbr.rel @p0 .LBB2_24-.Ltmp11, $3  }
0x1e6: {  	_ =	sdelay $0x1  }
0x1e7: {  	v2 =	vmul.f32 v1, v2  }
0x1e8: {  	s31 =	sadd.s32 $0x18, s31  }
0x1e9: {  	[tilespmem:s1+$0xDA00] =	vst v2;
	s28 =	simm.s32 $0x0  }
0x1ea: {  	[hbm4b:s13+s28] =	stream.linear.scatter [tilespmem:s23], [sflag:$0x3], $0xC000, $0x38;
	[tilespmem:$0x19880] =	vst v63  }
0x1eb: {  	_ =	swait.ge [sflag:s24], $0xC000  }
0x1ec: {  	[sflag:s24] =	ssyncset.done $0x0  }
0x1ed: {  	s0 =	sand.u32 $0x1F8, s28;
	[sflag:s24] =	ssyncadd.s32 $0xFFFF4000  }
0x1ee: {  	v2 =	vld [tilespmem:s0+$0xF00];
	_ =	sdelay $0x1  }
0x1ef: {  	s1 =	simm.s32 $0x0  }
0x1f0: {  	s0 =	smul.u32 $0x6000, s1;
	_ =	sdelay $0x1  }
0x1f1: {  	s3 =	sand.u32 $0x200, s28;
	s0 =	sshra.s32 s0, $0x2;
	v2 =	vmul.f32 v1, v2  }
0x1f2: {  	s1 =	sor.u32 s3, s0  }
0x1f3: {  	s29 =	simm.s32 $0xF12;
	[tilespmem:s1+$0x1880] =	vst v2  }
0x1f4: {  	v2 =	vld [tilespmem:s29+$0xFFFFFFF4];
	_ =	sdelay $0x4  }
0x1f5: {  	v2 =	vmul.f32 v1, v2;
	_ =	sdelay $0x1  }
0x1f6: {  	[tilespmem:s1+$0x1900] =	vst v2  }
0x1f7: {  	v2 =	vld [tilespmem:s29+$0xFFFFFFFA];
	_ =	sdelay $0x4  }
0x1f8: {  	v2 =	vmul.f32 v1, v2;
	_ =	sdelay $0x1  }
0x1f9: {  	[tilespmem:s1+$0x1980] =	vst v2  }
0x1fa: {  	v2 =	vld [tilespmem:s29+$0x0];
	_ =	sdelay $0x4  }
0x1fb: {  	v2 =	vmul.f32 v1, v2  }
0x1fc: {  	s30 =	simm.s32 $0x0;
	s31 =	simm.s32 $0x18  }
.LBB2_26:
0x1fd: {  	s0 =	sand.u32 $0x1F8, s31;
	[tilespmem:s1+$0x1A00] =	vst v2  }
0x1fe: {  	v2 =	vld [tilespmem:s0+$0xF00]  }
0x1ff: {  	s30 =	sadd.s32 $0x4, s30  }
0x200: {  	s0 =	sshrl.u32 s30, $0x3;
	p0 =	slt.u32 s30, $0x3C  }
0x201: {  	s0 =	smul.u32 $0x6000, s0  }
0x202: {  	s28 =	sadd.s32 $0x200, s28  }
0x203: {  	s1 =	sand.u32 $0x200, s28;
	s0 =	sshra.s32 s0, $0x2;
	v2 =	vmul.f32 v1, v2  }
0x204: {  	s1 =	sor.u32 s1, s0  }
0x205: {  	s29 =	sadd.s32 $0x18, s29;
	[tilespmem:s1+$0x1880] =	vst v2  }
0x206: {  	v2 =	vld [tilespmem:s29+$0xFFFFFFF4];
	_ =	sdelay $0x4  }
0x207: {  	v2 =	vmul.f32 v1, v2;
	_ =	sdelay $0x1  }
0x208: {  	[tilespmem:s1+$0x1900] =	vst v2  }
0x209: {  	v2 =	vld [tilespmem:s29+$0xFFFFFFFA];
	_ =	sdelay $0x4  }
0x20a: {  	v2 =	vmul.f32 v1, v2;
	_ =	sdelay $0x1  }
0x20b: {  	[tilespmem:s1+$0x1980] =	vst v2  }
0x20c: {  	v2 =	vld [tilespmem:s29+$0x0];
	_ =	sdelay $0x1  }
.Ltmp12:
0x20d: {  	(pc) =	sbr.rel @p0 .LBB2_26-.Ltmp12, $3  }
0x20e: {  	_ =	sdelay $0x1  }
0x20f: {  	v2 =	vmul.f32 v1, v2  }
0x210: {  	s31 =	sadd.s32 $0x18, s31  }
0x211: {  	[tilespmem:s1+$0x1A00] =	vst v2;
	s28 =	simm.s32 $0x0  }
0x212: {  	[hbm4b:s14+s28] =	stream.linear.scatter [tilespmem:s22], [sflag:$0x2], $0xC000, $0x38;
	[tilespmem:$0x19880] =	vst v63  }
0x213: {  	_ =	swait.ge [sflag:s25], $0xC000  }
0x214: {  	[sflag:s25] =	ssyncset.done $0x0  }
0x215: {  	s0 =	sand.u32 $0x1F8, s28;
	[sflag:s25] =	ssyncadd.s32 $0xFFFF4000  }
0x216: {  	v2 =	vld [tilespmem:s0+$0x1080];
	_ =	sdelay $0x1  }
0x217: {  	s1 =	simm.s32 $0x0  }
0x218: {  	s0 =	smul.u32 $0x6000, s1;
	_ =	sdelay $0x1  }
0x219: {  	s3 =	sand.u32 $0x200, s28;
	s0 =	sshra.s32 s0, $0x2;
	v2 =	vmul.f32 v1, v2  }
0x21a: {  	s1 =	sor.u32 s3, s0  }
0x21b: {  	s29 =	simm.s32 $0x1092;
	[tilespmem:s1+$0xD880] =	vst v2  }
0x21c: {  	v2 =	vld [tilespmem:s29+$0xFFFFFFF4];
	_ =	sdelay $0x4  }
0x21d: {  	v2 =	vmul.f32 v1, v2;
	_ =	sdelay $0x1  }
0x21e: {  	[tilespmem:s1+$0xD900] =	vst v2  }
0x21f: {  	v2 =	vld [tilespmem:s29+$0xFFFFFFFA];
	_ =	sdelay $0x4  }
0x220: {  	v2 =	vmul.f32 v1, v2;
	_ =	sdelay $0x1  }
0x221: {  	[tilespmem:s1+$0xD980] =	vst v2  }
0x222: {  	v2 =	vld [tilespmem:s29+$0x0];
	_ =	sdelay $0x4  }
0x223: {  	v2 =	vmul.f32 v1, v2  }
0x224: {  	s30 =	simm.s32 $0x0;
	s31 =	simm.s32 $0x18  }
.LBB2_28:
0x225: {  	s0 =	sand.u32 $0x1F8, s31;
	[tilespmem:s1+$0xDA00] =	vst v2  }
0x226: {  	v2 =	vld [tilespmem:s0+$0x1080]  }
0x227: {  	s30 =	sadd.s32 $0x4, s30  }
0x228: {  	s0 =	sshrl.u32 s30, $0x3;
	p0 =	slt.u32 s30, $0x3C  }
0x229: {  	s0 =	smul.u32 $0x6000, s0  }
0x22a: {  	s28 =	sadd.s32 $0x200, s28  }
0x22b: {  	s1 =	sand.u32 $0x200, s28;
	s0 =	sshra.s32 s0, $0x2;
	v2 =	vmul.f32 v1, v2  }
0x22c: {  	s1 =	sor.u32 s1, s0  }
0x22d: {  	s29 =	sadd.s32 $0x18, s29;
	[tilespmem:s1+$0xD880] =	vst v2  }
0x22e: {  	v2 =	vld [tilespmem:s29+$0xFFFFFFF4];
	_ =	sdelay $0x4  }
0x22f: {  	v2 =	vmul.f32 v1, v2;
	_ =	sdelay $0x1  }
0x230: {  	[tilespmem:s1+$0xD900] =	vst v2  }
0x231: {  	v2 =	vld [tilespmem:s29+$0xFFFFFFFA];
	_ =	sdelay $0x4  }
0x232: {  	v2 =	vmul.f32 v1, v2;
	_ =	sdelay $0x1  }
0x233: {  	[tilespmem:s1+$0xD980] =	vst v2  }
0x234: {  	v2 =	vld [tilespmem:s29+$0x0];
	_ =	sdelay $0x1  }
.Ltmp13:
0x235: {  	(pc) =	sbr.rel @p0 .LBB2_28-.Ltmp13, $3  }
0x236: {  	_ =	sdelay $0x1  }
0x237: {  	v2 =	vmul.f32 v1, v2  }
0x238: {  	s31 =	sadd.s32 $0x18, s31  }
0x239: {  	[tilespmem:s1+$0xDA00] =	vst v2;
	s28 =	simm.s32 $0x0  }
0x23a: {  	[hbm4b:s15+s28] =	stream.linear.scatter [tilespmem:s23], [sflag:$0x3], $0xC000, $0x38;
	[tilespmem:$0x19880] =	vst v63  }
0x23b: {  	_ =	swait.ge [sflag:s24], $0xC000  }
0x23c: {  	[sflag:s24] =	ssyncset.done $0x0  }
0x23d: {  	s0 =	sand.u32 $0x1F8, s28;
	[sflag:s24] =	ssyncadd.s32 $0xFFFF4000  }
0x23e: {  	v2 =	vld [tilespmem:s0+$0x1200];
	_ =	sdelay $0x1  }
0x23f: {  	s1 =	simm.s32 $0x0  }
0x240: {  	s0 =	smul.u32 $0x6000, s1;
	_ =	sdelay $0x1  }
0x241: {  	s3 =	sand.u32 $0x200, s28;
	s0 =	sshra.s32 s0, $0x2;
	v2 =	vmul.f32 v1, v2  }
0x242: {  	s1 =	sor.u32 s3, s0  }
0x243: {  	s29 =	simm.s32 $0x1212;
	[tilespmem:s1+$0x1880] =	vst v2  }
0x244: {  	v2 =	vld [tilespmem:s29+$0xFFFFFFF4];
	_ =	sdelay $0x4  }
0x245: {  	v2 =	vmul.f32 v1, v2;
	_ =	sdelay $0x1  }
0x246: {  	[tilespmem:s1+$0x1900] =	vst v2  }
0x247: {  	v2 =	vld [tilespmem:s29+$0xFFFFFFFA];
	_ =	sdelay $0x4  }
0x248: {  	v2 =	vmul.f32 v1, v2;
	_ =	sdelay $0x1  }
0x249: {  	[tilespmem:s1+$0x1980] =	vst v2  }
0x24a: {  	v2 =	vld [tilespmem:s29+$0x0];
	_ =	sdelay $0x4  }
0x24b: {  	v2 =	vmul.f32 v1, v2  }
0x24c: {  	s30 =	simm.s32 $0x0;
	s31 =	simm.s32 $0x18  }
.LBB2_30:
0x24d: {  	s0 =	sand.u32 $0x1F8, s31;
	[tilespmem:s1+$0x1A00] =	vst v2  }
0x24e: {  	v2 =	vld [tilespmem:s0+$0x1200]  }
0x24f: {  	s30 =	sadd.s32 $0x4, s30  }
0x250: {  	s0 =	sshrl.u32 s30, $0x3;
	p0 =	slt.u32 s30, $0x3C  }
0x251: {  	s0 =	smul.u32 $0x6000, s0  }
0x252: {  	s28 =	sadd.s32 $0x200, s28  }
0x253: {  	s1 =	sand.u32 $0x200, s28;
	s0 =	sshra.s32 s0, $0x2;
	v2 =	vmul.f32 v1, v2  }
0x254: {  	s1 =	sor.u32 s1, s0  }
0x255: {  	s29 =	sadd.s32 $0x18, s29;
	[tilespmem:s1+$0x1880] =	vst v2  }
0x256: {  	v2 =	vld [tilespmem:s29+$0xFFFFFFF4];
	_ =	sdelay $0x4  }
0x257: {  	v2 =	vmul.f32 v1, v2;
	_ =	sdelay $0x1  }
0x258: {  	[tilespmem:s1+$0x1900] =	vst v2  }
0x259: {  	v2 =	vld [tilespmem:s29+$0xFFFFFFFA];
	_ =	sdelay $0x4  }
0x25a: {  	v2 =	vmul.f32 v1, v2;
	_ =	sdelay $0x1  }
0x25b: {  	[tilespmem:s1+$0x1980] =	vst v2  }
0x25c: {  	v2 =	vld [tilespmem:s29+$0x0];
	_ =	sdelay $0x1  }
.Ltmp14:
0x25d: {  	(pc) =	sbr.rel @p0 .LBB2_30-.Ltmp14, $3  }
0x25e: {  	_ =	sdelay $0x1  }
0x25f: {  	v2 =	vmul.f32 v1, v2  }
0x260: {  	s31 =	sadd.s32 $0x18, s31  }
0x261: {  	[tilespmem:s1+$0x1A00] =	vst v2;
	s28 =	simm.s32 $0x0  }
0x262: {  	[hbm4b:s16+s28] =	stream.linear.scatter [tilespmem:s22], [sflag:$0x2], $0xC000, $0x38;
	[tilespmem:$0x19880] =	vst v63  }
0x263: {  	_ =	swait.ge [sflag:s25], $0xC000  }
0x264: {  	[sflag:s25] =	ssyncset.done $0x0  }
0x265: {  	s0 =	sand.u32 $0x1F8, s28;
	[sflag:s25] =	ssyncadd.s32 $0xFFFF4000  }
0x266: {  	v2 =	vld [tilespmem:s0+$0x1380];
	_ =	sdelay $0x1  }
0x267: {  	s1 =	simm.s32 $0x0  }
0x268: {  	s0 =	smul.u32 $0x6000, s1;
	_ =	sdelay $0x1  }
0x269: {  	s3 =	sand.u32 $0x200, s28;
	s0 =	sshra.s32 s0, $0x2;
	v2 =	vmul.f32 v1, v2  }
0x26a: {  	s1 =	sor.u32 s3, s0  }
0x26b: {  	s29 =	simm.s32 $0x1392;
	[tilespmem:s1+$0xD880] =	vst v2  }
0x26c: {  	v2 =	vld [tilespmem:s29+$0xFFFFFFF4];
	_ =	sdelay $0x4  }
0x26d: {  	v2 =	vmul.f32 v1, v2;
	_ =	sdelay $0x1  }
0x26e: {  	[tilespmem:s1+$0xD900] =	vst v2  }
0x26f: {  	v2 =	vld [tilespmem:s29+$0xFFFFFFFA];
	_ =	sdelay $0x4  }
0x270: {  	v2 =	vmul.f32 v1, v2;
	_ =	sdelay $0x1  }
0x271: {  	[tilespmem:s1+$0xD980] =	vst v2  }
0x272: {  	v2 =	vld [tilespmem:s29+$0x0];
	_ =	sdelay $0x4  }
0x273: {  	v2 =	vmul.f32 v1, v2  }
0x274: {  	s30 =	simm.s32 $0x0;
	s31 =	simm.s32 $0x18  }
.LBB2_32:
0x275: {  	s0 =	sand.u32 $0x1F8, s31;
	[tilespmem:s1+$0xDA00] =	vst v2  }
0x276: {  	v2 =	vld [tilespmem:s0+$0x1380]  }
0x277: {  	s30 =	sadd.s32 $0x4, s30  }
0x278: {  	s0 =	sshrl.u32 s30, $0x3;
	p0 =	slt.u32 s30, $0x3C  }
0x279: {  	s0 =	smul.u32 $0x6000, s0  }
0x27a: {  	s28 =	sadd.s32 $0x200, s28  }
0x27b: {  	s1 =	sand.u32 $0x200, s28;
	s0 =	sshra.s32 s0, $0x2;
	v2 =	vmul.f32 v1, v2  }
0x27c: {  	s1 =	sor.u32 s1, s0  }
0x27d: {  	s29 =	sadd.s32 $0x18, s29;
	[tilespmem:s1+$0xD880] =	vst v2  }
0x27e: {  	v2 =	vld [tilespmem:s29+$0xFFFFFFF4];
	_ =	sdelay $0x4  }
0x27f: {  	v2 =	vmul.f32 v1, v2;
	_ =	sdelay $0x1  }
0x280: {  	[tilespmem:s1+$0xD900] =	vst v2  }
0x281: {  	v2 =	vld [tilespmem:s29+$0xFFFFFFFA];
	_ =	sdelay $0x4  }
0x282: {  	v2 =	vmul.f32 v1, v2;
	_ =	sdelay $0x1  }
0x283: {  	[tilespmem:s1+$0xD980] =	vst v2  }
0x284: {  	v2 =	vld [tilespmem:s29+$0x0];
	_ =	sdelay $0x1  }
.Ltmp15:
0x285: {  	(pc) =	sbr.rel @p0 .LBB2_32-.Ltmp15, $3  }
0x286: {  	_ =	sdelay $0x1  }
0x287: {  	v2 =	vmul.f32 v1, v2  }
0x288: {  	s31 =	sadd.s32 $0x18, s31  }
0x289: {  	[tilespmem:s1+$0xDA00] =	vst v2;
	s28 =	simm.s32 $0x0  }
0x28a: {  	[hbm4b:s17+s28] =	stream.linear.scatter [tilespmem:s23], [sflag:$0x3], $0xC000, $0x38;
	[tilespmem:$0x19880] =	vst v63  }
0x28b: {  	_ =	swait.ge [sflag:s24], $0xC000  }
0x28c: {  	[sflag:s24] =	ssyncset.done $0x0  }
0x28d: {  	s0 =	sand.u32 $0x1F8, s28;
	[sflag:s24] =	ssyncadd.s32 $0xFFFF4000  }
0x28e: {  	v2 =	vld [tilespmem:s0+$0x1500];
	_ =	sdelay $0x1  }
0x28f: {  	s1 =	simm.s32 $0x0  }
0x290: {  	s0 =	smul.u32 $0x6000, s1;
	_ =	sdelay $0x1  }
0x291: {  	s3 =	sand.u32 $0x200, s28;
	s0 =	sshra.s32 s0, $0x2;
	v2 =	vmul.f32 v1, v2  }
0x292: {  	s1 =	sor.u32 s3, s0  }
0x293: {  	s29 =	simm.s32 $0x1512;
	[tilespmem:s1+$0x1880] =	vst v2  }
0x294: {  	v2 =	vld [tilespmem:s29+$0xFFFFFFF4];
	_ =	sdelay $0x4  }
0x295: {  	v2 =	vmul.f32 v1, v2;
	_ =	sdelay $0x1  }
0x296: {  	[tilespmem:s1+$0x1900] =	vst v2  }
0x297: {  	v2 =	vld [tilespmem:s29+$0xFFFFFFFA];
	_ =	sdelay $0x4  }
0x298: {  	v2 =	vmul.f32 v1, v2;
	_ =	sdelay $0x1  }
0x299: {  	[tilespmem:s1+$0x1980] =	vst v2  }
0x29a: {  	v2 =	vld [tilespmem:s29+$0x0];
	_ =	sdelay $0x4  }
0x29b: {  	v2 =	vmul.f32 v1, v2  }
0x29c: {  	s30 =	simm.s32 $0x0;
	s31 =	simm.s32 $0x18  }
.LBB2_34:
0x29d: {  	s0 =	sand.u32 $0x1F8, s31;
	[tilespmem:s1+$0x1A00] =	vst v2  }
0x29e: {  	v2 =	vld [tilespmem:s0+$0x1500]  }
0x29f: {  	s30 =	sadd.s32 $0x4, s30  }
0x2a0: {  	s0 =	sshrl.u32 s30, $0x3;
	p0 =	slt.u32 s30, $0x3C  }
0x2a1: {  	s0 =	smul.u32 $0x6000, s0  }
0x2a2: {  	s28 =	sadd.s32 $0x200, s28  }
0x2a3: {  	s1 =	sand.u32 $0x200, s28;
	s0 =	sshra.s32 s0, $0x2;
	v2 =	vmul.f32 v1, v2  }
0x2a4: {  	s1 =	sor.u32 s1, s0  }
0x2a5: {  	s29 =	sadd.s32 $0x18, s29;
	[tilespmem:s1+$0x1880] =	vst v2  }
0x2a6: {  	v2 =	vld [tilespmem:s29+$0xFFFFFFF4];
	_ =	sdelay $0x4  }
0x2a7: {  	v2 =	vmul.f32 v1, v2;
	_ =	sdelay $0x1  }
0x2a8: {  	[tilespmem:s1+$0x1900] =	vst v2  }
0x2a9: {  	v2 =	vld [tilespmem:s29+$0xFFFFFFFA];
	_ =	sdelay $0x4  }
0x2aa: {  	v2 =	vmul.f32 v1, v2;
	_ =	sdelay $0x1  }
0x2ab: {  	[tilespmem:s1+$0x1980] =	vst v2  }
0x2ac: {  	v2 =	vld [tilespmem:s29+$0x0];
	_ =	sdelay $0x1  }
.Ltmp16:
0x2ad: {  	(pc) =	sbr.rel @p0 .LBB2_34-.Ltmp16, $3  }
0x2ae: {  	_ =	sdelay $0x1  }
0x2af: {  	v2 =	vmul.f32 v1, v2  }
0x2b0: {  	s31 =	sadd.s32 $0x18, s31  }
0x2b1: {  	[tilespmem:s1+$0x1A00] =	vst v2;
	s28 =	simm.s32 $0x0  }
0x2b2: {  	[hbm4b:s18+s28] =	stream.linear.scatter [tilespmem:s22], [sflag:$0x2], $0xC000, $0x38;
	[tilespmem:$0x19880] =	vst v63  }
0x2b3: {  	_ =	swait.ge [sflag:s25], $0xC000  }
0x2b4: {  	[sflag:s25] =	ssyncset.done $0x0  }
0x2b5: {  	s0 =	sand.u32 $0x1F8, s28;
	[sflag:s25] =	ssyncadd.s32 $0xFFFF4000  }
0x2b6: {  	v2 =	vld [tilespmem:s0+$0x1680];
	_ =	sdelay $0x1  }
0x2b7: {  	s1 =	simm.s32 $0x0  }
0x2b8: {  	s0 =	smul.u32 $0x6000, s1;
	_ =	sdelay $0x1  }
0x2b9: {  	s3 =	sand.u32 $0x200, s28;
	s0 =	sshra.s32 s0, $0x2;
	v2 =	vmul.f32 v1, v2  }
0x2ba: {  	s1 =	sor.u32 s3, s0  }
0x2bb: {  	s29 =	simm.s32 $0x1692;
	[tilespmem:s1+$0xD880] =	vst v2  }
0x2bc: {  	v2 =	vld [tilespmem:s29+$0xFFFFFFF4];
	_ =	sdelay $0x4  }
0x2bd: {  	v2 =	vmul.f32 v1, v2;
	_ =	sdelay $0x1  }
0x2be: {  	[tilespmem:s1+$0xD900] =	vst v2  }
0x2bf: {  	v2 =	vld [tilespmem:s29+$0xFFFFFFFA];
	_ =	sdelay $0x4  }
0x2c0: {  	v2 =	vmul.f32 v1, v2;
	_ =	sdelay $0x1  }
0x2c1: {  	[tilespmem:s1+$0xD980] =	vst v2  }
0x2c2: {  	v2 =	vld [tilespmem:s29+$0x0];
	_ =	sdelay $0x4  }
0x2c3: {  	v2 =	vmul.f32 v1, v2  }
0x2c4: {  	s30 =	simm.s32 $0x0;
	s31 =	simm.s32 $0x18  }
.LBB2_36:
0x2c5: {  	s0 =	sand.u32 $0x1F8, s31;
	[tilespmem:s1+$0xDA00] =	vst v2  }
0x2c6: {  	v2 =	vld [tilespmem:s0+$0x1680]  }
0x2c7: {  	s30 =	sadd.s32 $0x4, s30  }
0x2c8: {  	s0 =	sshrl.u32 s30, $0x3;
	p0 =	slt.u32 s30, $0x3C  }
0x2c9: {  	s0 =	smul.u32 $0x6000, s0  }
0x2ca: {  	s28 =	sadd.s32 $0x200, s28  }
0x2cb: {  	s1 =	sand.u32 $0x200, s28;
	s0 =	sshra.s32 s0, $0x2;
	v2 =	vmul.f32 v1, v2  }
0x2cc: {  	s1 =	sor.u32 s1, s0  }
0x2cd: {  	s29 =	sadd.s32 $0x18, s29;
	[tilespmem:s1+$0xD880] =	vst v2  }
0x2ce: {  	v2 =	vld [tilespmem:s29+$0xFFFFFFF4];
	_ =	sdelay $0x4  }
0x2cf: {  	v2 =	vmul.f32 v1, v2;
	_ =	sdelay $0x1  }
0x2d0: {  	[tilespmem:s1+$0xD900] =	vst v2  }
0x2d1: {  	v2 =	vld [tilespmem:s29+$0xFFFFFFFA];
	_ =	sdelay $0x4  }
0x2d2: {  	v2 =	vmul.f32 v1, v2;
	_ =	sdelay $0x1  }
0x2d3: {  	[tilespmem:s1+$0xD980] =	vst v2  }
0x2d4: {  	v2 =	vld [tilespmem:s29+$0x0];
	_ =	sdelay $0x1  }
.Ltmp17:
0x2d5: {  	(pc) =	sbr.rel @p0 .LBB2_36-.Ltmp17, $3  }
0x2d6: {  	_ =	sdelay $0x1  }
0x2d7: {  	v2 =	vmul.f32 v1, v2  }
0x2d8: {  	s31 =	sadd.s32 $0x18, s31  }
0x2d9: {  	[tilespmem:s1+$0xDA00] =	vst v2;
	s26 =	sadd.s32 $0x1, s26  }
0x2da: {  	[hbm4b:s19+s2] =	stream.linear.scatter [tilespmem:s23], [sflag:$0x3], $0xC000, $0x38;
	[tilespmem:$0x19880] =	vst v63  }
0x2db: {  	p0 =	sne.s32 s26, s20;
	_ =	swait.ge [sflag:s24], $0xC000  }
.Ltmp18:
0x2dc: {  	[sflag:s24] =	ssyncset.done $0x0;
	(pc) =	sbr.rel @p0 .LBB2_1-.Ltmp18, $4  }
0x2dd: {  	[sflag:s24] =	ssyncadd.s32 $0xFFFF4000  }
0x2de: {  	_ =	swait.ge [sflag:s25], $0xC000  }
0x2df: {  	[sflag:s25] =	ssyncset.done $0x0  }
0x2e0: {  	[sflag:s25] =	ssyncadd.s32 $0xFFFF4000  }
0x2e1: {  	_ =	sfence.sel $0x180000  }
0x2e2: {  	[bflag:$0x0] =	sbarrier.arrive $0xFFFF  }
0x2e3: {  	_ =	strace $0x90000047  }
0x2e4: {  	s0 =	stileid.u32;
	[bflag:$0x2] =	sbarrier.arrive $0xFFFF  }
0x2e5: {  	p0 =	sne.s32 s0, $0x0;
	s0 =	rddreg [dreg:$0x2]  }
0x2e6: {  	s0 =	sadd.s32 @!p0 $0x100000, s0  }
0x2e7: {  	[sflag:s0] =	ssyncadd.tile.s32 @!p0 $0x1;
	_ =	shalt  }
.Lfunc_end2:
_tile_overlayer_lowered:
.L_overlay_start_2:
0x2e8: {  	(tag) =	ssettag $0x2  }
0x2e9: {  	s0 =	rddreg [dreg:$0x0];
	s2 =	stileid.u32  }
0x2ea: {  	s1 =	rddreg [dreg:$0x1];
	p0 =	sne.s32 s2, $0x0  }
0x2eb: {  	s3 =	rddreg [dreg:$0x2];
	[bflag:$0x3] =	sbarrier.arrive $0xFFFF;
	s2 =	simm.s32 @!p0 $0x1C04  }
0x2ec: {  	[timem:s3], [sflag:s2] =	dma.local @!p0 [hbm:s0], s1  }
0x2ed: {  	s0 =	simm.s32 @!p0 $0x4  }
0x2ee: {  	_ =	swait.ge @!p0 [sflag:s0], s1  }
0x2ef: {  	s1 =	ssub.s32 @!p0 $0x0, s1;
	[sflag:s0] =	ssyncset.done @!p0 $0x0  }
0x2f0: {  	[sflag:s0] =	ssyncadd.s32 @!p0 s1  }
0x2f1: {  	[bflag:$0x3] =	sbarrier.arrive $0xFFFF  }
0x2f2: {  	_ =	shalt  }

</sc_bundles>
